<compile_context>
chip_gen: v7x
topology: tpu7x:2x2x1
jax: 0.10.2.dev20260603
libtpu: 0.0.44.dev20260713+nightly
codegen_flags: <defaults>
</compile_context>

<pallas_src>
import functools

import jax
import jax.numpy as jnp
import numpy as np
from jax import lax
from jax.experimental import pallas as pl
from jax.experimental.pallas import tpu as pltpu
from jax.experimental.pallas import tpu_sc as plsc

MAX_STEP = 3
HID_DIM = 128
HGN = 16
HGS = 10
N_NODES = 10000
N_EDGES = 320000
N_GRAPH_IDS = 128

D = HID_DIM
K = HGN * HGS
NG = N_GRAPH_IDS

NC = 2
NS = 16
NW = NC * NS
CH = 128

NP = 10240
BLK = 512
NBLK = NP // BLK
NCHUNK_G = NP // CH

EPT = N_EDGES // NW
CPT = 80
EPT_P = CPT * CH
DUMMY = NP - 8
ZPT = NP // NS
NBUF = 4

@functools.cache
def _mesh():
    return plsc.VectorSubcoreMesh(
        core_axis_name="c", subcore_axis_name="s",
        num_cores=NC, num_subcores=NS)


@functools.cache
def _sc_gather_fn():
    return pl.kernel(
        _sc_gather_body,
        out_type=jax.ShapeDtypeStruct((NP, D), jnp.float32),
        mesh=_mesh(),
        scratch_types=[
            pltpu.VMEM((3 * CH,), jnp.int32),
            pltpu.VMEM((CH, D), jnp.float32),
            pltpu.VMEM((CH, D), jnp.float32),
            pltpu.SemaphoreType.DMA((2,)),
        ],
    )


def _sc_gather_body(idx_hbm, table_hbm, out_hbm, idx_v, r0, r1, sem):
    w = lax.axis_index("c") * NS + lax.axis_index("s")
    nj = -(-NCHUNK_G // NW)
    rows = (r0, r1)
    for j in range(nj):
        @pl.when(w + j * NW < NCHUNK_G)
        def _():
            pltpu.sync_copy(idx_hbm.at[pl.ds((w + j * NW) * CH, CH)],
                            idx_v.at[pl.ds(j * CH, CH)])

    @pl.when(w < NCHUNK_G)
    def _():
        pltpu.async_copy(table_hbm.at[idx_v.at[pl.ds(0, CH)]], r0, sem.at[0])

    for j in range(nj):
        chunk = w + j * NW

        @pl.when(chunk < NCHUNK_G)
        def _():
            pltpu.make_async_copy(table_hbm.at[idx_v.at[pl.ds(0, CH)]],
                                  rows[j % 2], sem.at[j % 2]).wait()
            if j + 1 < nj:
                @pl.when(chunk + NW < NCHUNK_G)
                def _():
                    pltpu.async_copy(
                        table_hbm.at[idx_v.at[pl.ds((j + 1) * CH, CH)]],
                        rows[(j + 1) % 2], sem.at[(j + 1) % 2])

            pltpu.sync_copy(rows[j % 2], out_hbm.at[pl.ds(chunk * CH, CH)])


NBUF = 2
NR = CPT // NBUF
SB = 8


@functools.cache
def _sc_scatter_fn():
    return pl.kernel(
        _sc_scatter_body,
        out_type=jax.ShapeDtypeStruct((NC, NP, D), jnp.float32),
        mesh=_mesh(),
        scratch_types=[
            pltpu.VMEM((2 * SB * NBUF, CH), jnp.int32),
            pltpu.VMEM((2 * SB * NBUF, CH), jnp.int32),
            pltpu.VMEM((NBUF * CH, D), jnp.float32),
            pltpu.VMEM_SHARED((NP, D), jnp.float32),
            pltpu.SemaphoreType.DMA((NBUF,)),
            pltpu.SemaphoreType.DMA((2,)),
        ],
    )


def _sc_scatter_body(sd_hbm, xx_hbm, zeros_hbm, out_hbm,
                     srcr, dstr, rows, acc, sg, stg):
    c = lax.axis_index("c")
    s = lax.axis_index("s")
    w = c * NS + s
    base = w * 2 * CPT

    def roundfn(t, carry):
        @pl.when(t == 0)
        def _():
            pltpu.sync_copy(sd_hbm.at[pl.ds(base, SB * NBUF)],
                            srcr.at[pl.ds(0, SB * NBUF)])
            pltpu.sync_copy(sd_hbm.at[pl.ds(base + CPT, SB * NBUF)],
                            dstr.at[pl.ds(0, SB * NBUF)])

        @pl.when(((t % SB) == 1) & (t + SB < NR + 1))
        def _():
            qn = t // SB + 1
            slot = (qn % 2) * (SB * NBUF)
            pltpu.async_copy(
                sd_hbm.at[pl.ds(base + qn * (SB * NBUF), SB * NBUF)],
                srcr.at[pl.ds(slot, SB * NBUF)], stg.at[0])
            pltpu.async_copy(
                sd_hbm.at[pl.ds(base + CPT + qn * (SB * NBUF), SB * NBUF)],
                dstr.at[pl.ds(slot, SB * NBUF)], stg.at[1])

        @pl.when(((t % SB) == 0) & (t > 0) & (t < NR))
        def _():
            pltpu.make_async_copy(sd_hbm.at[pl.ds(base, SB * NBUF)],
                                  srcr.at[pl.ds(0, SB * NBUF)],
                                  stg.at[0]).wait()
            pltpu.make_async_copy(sd_hbm.at[pl.ds(base, SB * NBUF)],
                                  dstr.at[pl.ds(0, SB * NBUF)],
                                  stg.at[1]).wait()

        @pl.when(t == 1)
        def _():
            pltpu.sync_copy(zeros_hbm, acc.at[pl.ds(s * ZPT, ZPT)])
            plsc.subcore_barrier()

        tp = t - 1
        drow = (((tp // SB) % 2) * SB + tp % SB) * NBUF
        frow = (((t // SB) % 2) * SB + t % SB) * NBUF
        for b in range(NBUF):
            @pl.when(t > 0)
            def _():
                pltpu.make_async_copy(xx_hbm.at[srcr.at[0]],
                                      rows.at[pl.ds(0, CH)],
                                      sg.at[b]).wait()
                pltpu.sync_copy(rows.at[pl.ds(b * CH, CH)],
                                acc.at[dstr.at[drow + b]], add=True)

            @pl.when(t < NR)
            def _():
                pltpu.async_copy(xx_hbm.at[srcr.at[frow + b]],
                                 rows.at[pl.ds(b * CH, CH)], sg.at[b])
        return carry

    lax.fori_loop(0, NR + 1, roundfn, 0)
    plsc.subcore_barrier()
    pltpu.sync_copy(acc.at[pl.ds(s * ZPT, ZPT)],
                    out_hbm.at[c, pl.ds(s * ZPT, ZPT)])


def _dot(a, b):
    return jax.lax.dot_general(
        a, b, (((1,), (0,)), ((), ())),
        precision=jax.lax.Precision.DEFAULT,
        preferred_element_type=jnp.float32)


def _tc_a_body(pf, fcwT, fcb, z0rT, xx_out, g0_out):
    v = _dot(pf[...], fcwT[...]) + fcb[...]
    xx = jax.nn.sigmoid(v)
    xx_out[...] = xx
    g0_out[...] = _dot(xx, z0rT[...])


def _tc_a(pf, fcwT, fcb, z0rT):
    return pl.pallas_call(
        _tc_a_body,
        grid=(NBLK,),
        in_specs=[
            pl.BlockSpec((BLK, D), lambda i: (i, 0)),
            pl.BlockSpec((D, D), lambda i: (0, 0)),
            pl.BlockSpec((1, D), lambda i: (0, 0)),
            pl.BlockSpec((D, K), lambda i: (0, 0)),
        ],
        out_specs=[
            pl.BlockSpec((BLK, D), lambda i: (i, 0)),
            pl.BlockSpec((BLK, K), lambda i: (i, 0)),
        ],
        out_shape=[
            jax.ShapeDtypeStruct((NP, D), jnp.float32),
            jax.ShapeDtypeStruct((NP, K), jnp.float32),
        ],
    )(pf, fcwT, fcb, z0rT)


def _tc_add_body(p, xx_out):
    xx_out[...] = p[0] + p[1]


def _tc_add(p):
    return pl.pallas_call(
        _tc_add_body,
        grid=(NBLK,),
        in_specs=[pl.BlockSpec((NC, BLK, D), lambda i: (0, i, 0))],
        out_specs=pl.BlockSpec((BLK, D), lambda i: (i, 0)),
        out_shape=jax.ShapeDtypeStruct((NP, D), jnp.float32),
    )(p)


def _tc_mm_body(x, wt, o):
    o[...] = _dot(x[...], wt[...])


def _tc_mm(x, wt):
    return pl.pallas_call(
        _tc_mm_body,
        grid=(NBLK,),
        in_specs=[
            pl.BlockSpec((BLK, D), lambda i: (i, 0)),
            pl.BlockSpec((D, K), lambda i: (0, 0)),
        ],
        out_specs=pl.BlockSpec((BLK, K), lambda i: (i, 0)),
        out_shape=jax.ShapeDtypeStruct((NP, K), jnp.float32),
    )(x, wt)


def _leaky(v):
    return jnp.where(v >= 0, v, 0.01 * v)


def _onehot(batch3):
    bb = batch3[0]
    return (lax.broadcasted_iota(jnp.int32, (NG, BLK), 0) == bb
            ).astype(jnp.float32)


def _tc_seg_body(ga, gb, batch3, seg_out, seg):
    i = pl.program_id(0)

    @pl.when(i == 0)
    def _():
        seg[...] = jnp.zeros((NG, K), jnp.float32)

    seg[...] += _dot(_onehot(batch3), ga[...] * gb[...])

    @pl.when(i == NBLK - 1)
    def _():
        seg_out[...] = seg[...]


def _tc_seg(ga, gb, batch3):
    return pl.pallas_call(
        _tc_seg_body,
        grid=(NBLK,),
        in_specs=[
            pl.BlockSpec((BLK, K), lambda i: (i, 0)),
            pl.BlockSpec((BLK, K), lambda i: (i, 0)),
            pl.BlockSpec((1, 1, BLK), lambda i: (i, 0, 0)),
        ],
        out_specs=pl.BlockSpec((NG, K), lambda i: (0, 0)),
        out_shape=jax.ShapeDtypeStruct((NG, K), jnp.float32),
        scratch_shapes=[pltpu.VMEM((NG, K), jnp.float32)],
    )(ga, gb, batch3)


def _tc_final_body(p2, z2rT, g0, batch3, seg0, seg1, mlpT, mlpb, out, seg2):
    i = pl.program_id(0)
    g2 = _dot(p2[0] + p2[1], z2rT[...])

    @pl.when(i == 0)
    def _():
        seg2[...] = jnp.zeros((NG, K), jnp.float32)

    seg2[...] += _dot(_onehot(batch3), g0[...] * g2)

    @pl.when(i == NBLK - 1)
    def _():
        sel = (lax.broadcasted_iota(jnp.int32, (K, HGN), 0) // HGS
               == lax.broadcasted_iota(jnp.int32, (K, HGN), 1)).astype(jnp.float32)
        u0 = _dot(seg0[...], sel)
        u1 = _dot(seg1[...], sel)
        u2 = _dot(seg2[...], sel)
        v = (_dot(u0, mlpT[0:HGN, :]) + _dot(u1, mlpT[HGN:2 * HGN, :])
             + _dot(u2, mlpT[2 * HGN:3 * HGN, :]) + mlpb[...])
        out[...] = _leaky(v)


def _tc_final(p2, z2rT, g0, batch3, seg0, seg1, mlpT, mlpb):
    return pl.pallas_call(
        _tc_final_body,
        grid=(NBLK,),
        in_specs=[
            pl.BlockSpec((NC, BLK, D), lambda i: (0, i, 0)),
            pl.BlockSpec((D, K), lambda i: (0, 0)),
            pl.BlockSpec((BLK, K), lambda i: (i, 0)),
            pl.BlockSpec((1, 1, BLK), lambda i: (i, 0, 0)),
            pl.BlockSpec((NG, K), lambda i: (0, 0)),
            pl.BlockSpec((NG, K), lambda i: (0, 0)),
            pl.BlockSpec((MAX_STEP * HGN, D), lambda i: (0, 0)),
            pl.BlockSpec((1, D), lambda i: (0, 0)),
        ],
        out_specs=pl.BlockSpec((NG, D), lambda i: (0, 0)),
        out_shape=jax.ShapeDtypeStruct((NG, D), jnp.float32),
        scratch_shapes=[pltpu.VMEM((NG, K), jnp.float32)],
    )(p2, z2rT, g0, batch3, seg0, seg1, mlpT, mlpb)


def kernel(x, edge_index, batch, poi_embed_table, fc_w, fc_b,
           hidden_adj, hidden_feat, mlp_w, mlp_b):
    f32 = jnp.float32
    iu0, iu1 = np.triu_indices(HGS, 1)
    adj = jnp.zeros((HGN, HGS, HGS), f32).at[:, iu0, iu1].set(_leaky(hidden_adj))
    adj = adj + jnp.transpose(adj, (0, 2, 1))
    z0 = hidden_feat
    z1 = jnp.einsum('abc,acd->abd', adj, z0)
    z2 = jnp.einsum('abc,acd->abd', adj, z1)
    z0rT = z0.reshape(K, D).T
    z1rT = z1.reshape(K, D).T
    z2rT = z2.reshape(K, D).T
    fcwT = fc_w.T
    fcb = fc_b.reshape(1, D)
    mlpT = mlp_w.T
    mlpb = mlp_b.reshape(1, D)

    xg = jnp.pad(x.astype(jnp.int32), (0, NP - N_NODES))
    src = jnp.pad(edge_index[0].reshape(NW, EPT),
                  ((0, 0), (0, EPT_P - EPT))).reshape(NW, CPT, CH)
    dst = jnp.pad(edge_index[1].reshape(NW, EPT),
                  ((0, 0), (0, EPT_P - EPT)),
                  constant_values=DUMMY).reshape(NW, CPT, CH)
    sd = jnp.concatenate([src, dst], axis=1).reshape(NW * 2 * CPT, CH)
    batch3 = jnp.pad(batch, (0, NP - N_NODES),
                     constant_values=NG).reshape(NBLK, 1, BLK)
    zrows = jnp.zeros((ZPT, D), f32)

    pf = _sc_gather_fn()(xg, poi_embed_table)
    xx0, g0 = _tc_a(pf, fcwT, fcb, z0rT)
    p1 = _sc_scatter_fn()(sd, xx0, zrows)
    seg0 = _tc_seg(g0, g0, batch3)
    xx1 = _tc_add(p1)
    p2 = _sc_scatter_fn()(sd, xx1, zrows)
    g1 = _tc_mm(xx1, z1rT)
    seg1 = _tc_seg(g0, g1, batch3)
    return _tc_final(p2, z2rT, g0, batch3, seg0, seg1, mlpT, mlpb)

# --- scband reference (transcript-rebuilt; emitter-appended) ---
"""Pipeline reference for scband-seq-graph-27986006901054 (READ-ONLY COPY).

The authoritative reference and input builder live on the scoring server;
editing this copy changes nothing except your own understanding.
"""

import jax, jax.numpy as jnp
import numpy as np

MAX_STEP = 3
HID_DIM = 128
HGN = 16
HGS = 10
N_NODES = 10000
N_EDGES = 320000
VOCAB = 100000
N_GRAPH_IDS = 128


def _leaky(v):
    return jnp.where(v >= 0, v, 0.01 * v)


def setup_inputs(seed: int = 0) -> dict:
    key = jax.random.key(seed)
    ks = jax.random.split(key, 10)
    x = jax.random.randint(ks[0], (N_NODES,), 0, VOCAB, dtype=jnp.int64) if jax.config.jax_enable_x64 else jax.random.randint(ks[0], (N_NODES,), 0, VOCAB, dtype=jnp.int32)
    edge_index = jax.random.randint(ks[1], (2, N_EDGES), 0, N_NODES, dtype=jnp.int32)
    # guarantee every graph id 0..127 appears at least once, then sort (graph_indicator style)
    tail = jax.random.randint(ks[2], (N_NODES - N_GRAPH_IDS,), 0, N_GRAPH_IDS, dtype=jnp.int32)
    batch = jnp.sort(jnp.concatenate([jnp.arange(N_GRAPH_IDS, dtype=jnp.int32), tail]))
    poi_embed_table = jax.random.normal(ks[3], (VOCAB, HID_DIM), dtype=jnp.float32)
    # learned parameters (xavier-normal-ish init)
    fc_w = jax.random.normal(ks[4], (HID_DIM, HID_DIM), dtype=jnp.float32) * float(np.sqrt(2.0 / (HID_DIM + HID_DIM)))
    fc_b = jnp.zeros((HID_DIM,), dtype=jnp.float32)
    n_tri = HGS * (HGS - 1) // 2
    hidden_adj = jax.random.normal(ks[5], (HGN, n_tri), dtype=jnp.float32) * float(np.sqrt(2.0 / (HGN + n_tri)))
    hidden_feat = jax.random.normal(ks[6], (HGN, HGS, HID_DIM), dtype=jnp.float32) * float(np.sqrt(2.0 / (HGS + HID_DIM)))
    mlp_in = HGN * MAX_STEP
    mlp_w = jax.random.normal(ks[7], (HID_DIM, mlp_in), dtype=jnp.float32) * float(np.sqrt(2.0 / (HID_DIM + mlp_in)))
    mlp_b = jnp.zeros((HID_DIM,), dtype=jnp.float32)
    return {"x": x, "edge_index": edge_index, "batch": batch, "poi_embed_table": poi_embed_table,
            "fc_w": fc_w, "fc_b": fc_b, "hidden_adj": hidden_adj, "hidden_feat": hidden_feat,
            "mlp_w": mlp_w, "mlp_b": mlp_b}


def reference(x, edge_index, batch, poi_embed_table, fc_w, fc_b, hidden_adj, hidden_feat, mlp_w, mlp_b):
    # poi_feat = poi_embeds(data.x.squeeze())
    poi_feat = jnp.take(poi_embed_table, x, axis=0)
    n_graphs = N_GRAPH_IDS
    # build symmetric hidden adjacency from upper-triangular params
    iu = jnp.triu_indices(HGS, 1)
    adj_hidden = jnp.zeros((HGN, HGS, HGS), dtype=jnp.float32).at[:, iu[0], iu[1]].set(_leaky(hidden_adj))
    adj_hidden = adj_hidden + jnp.transpose(adj_hidden, (0, 2, 1))
    xx = jax.nn.sigmoid(poi_feat @ fc_w.T + fc_b)
    z = hidden_feat
    zx = jnp.einsum('abc,dc->abd', z, xx)
    src = edge_index[0]
    dst = edge_index[1]
    outs = []
    for i in range(MAX_STEP):
        if i == 0:
            # eye @ z == z
            t = jnp.einsum('abc,dc->abd', z, xx)
        else:
            # MessagePassing propagate with default add aggregation: out[dst] += x[src]
            xx = jnp.zeros_like(xx).at[dst].add(jnp.take(xx, src, axis=0))
            z = jnp.einsum('abc,acd->abd', adj_hidden, z)
            t = jnp.einsum('abc,dc->abd', z, xx)
        # dropout is identity in eval
        t = zx * t
        # index_add_ over graphs: [HGN, HGS, N] -> [HGN, HGS, n_graphs]
        t_nodes_first = jnp.transpose(t, (2, 0, 1))  # [N, HGN, HGS]
        seg = jax.ops.segment_sum(t_nodes_first, batch, num_segments=n_graphs)  # [n_graphs, HGN, HGS]
        outs.append(jnp.sum(seg, axis=2))  # [n_graphs, HGN]
    out = jnp.concatenate(outs, axis=1)  # [n_graphs, HGN*MAX_STEP]
    out = _leaky(out @ mlp_w.T + mlp_b)
    return out

if __name__ == "__main__":
    import jax
    _d = setup_inputs()
    print(jax.jit(kernel)(*tuple(_d.values())))

</pallas_src>

<mosaic_0001>
#map = affine_map<(d0, d1) -> (0)>
#map1 = affine_map<(d0, d1) -> (0, 0)>
module attributes {stable_mosaic.version = 14 : i64} {
  func.func @_sc_gather_body(%arg0: i32, %arg1: i32, %arg2: memref<10240xi32, #tpu.memory_space<hbm>>, %arg3: memref<100000x128xf32, #tpu.memory_space<hbm>>, %arg4: memref<10240x128xf32, #tpu.memory_space<hbm>>, %arg5: memref<384xi32, #tpu.memory_space<vmem>>, %arg6: memref<128x128xf32, #tpu.memory_space<vmem>>, %arg7: memref<128x128xf32, #tpu.memory_space<vmem>>, %arg8: memref<2x!tpu.dma_semaphore, #tpu.memory_space<semaphore_mem>>) attributes {dimension_semantics = [#tpu.dimension_semantics<core_parallel>, #tpu.dimension_semantics<subcore_parallel>], iteration_bounds = array<i64: 2, 16>, scalar_prefetch = 0 : i64, scratch_operands = 4 : i64, tpu.core_type = #tpu.core_type<sc_vector_subcore>, window_params = [{transform_indices = #map}, {transform_indices = #map1}, {transform_indices = #map1}]} {
    %mul3A = arith.constant 16 : i32
    %mul3A_0 = arith.muli %arg0, %mul3A : i32
    %add3A = arith.addi %mul3A_0, %arg1 : i32
    %add3A_1 = arith.constant 0 : i32
    %add3A_2 = arith.addi %add3A, %add3A_1 : i32
    %lt3A = arith.constant 80 : i32
    %lt3A_3 = arith.cmpi slt, %add3A_2, %lt3A : i32
    %convert_element_type3A = arith.extui %lt3A_3 : i1 to i32
    %cond3A = arith.constant 0 : i32
    %cond3A_4 = arith.cmpi ne, %convert_element_type3A, %cond3A : i32
    scf.if %cond3A_4 {
      %add3A_45 = arith.constant 0 : i32
      %add3A_46 = arith.addi %add3A, %add3A_45 : i32
      %mul3A_47 = arith.constant 128 : i32
      %mul3A_48 = arith.muli %add3A_46, %mul3A_47 : i32
      "tpu.region"() ({
        %run_scoped3A = tpu.sem_alloc : memref<!tpu.dma_semaphore, #tpu.memory_space<semaphore_mem>>
        %dma_start3A = arith.constant 0 : i32
        %dma_start3A_49 = tpu.memref_slice %arg5[%dma_start3A] : memref<384xi32, #tpu.memory_space<vmem>> -> memref<128xi32, #tpu.memory_space<vmem>>
        %dma_start3A_50 = tpu.memref_slice %arg2[%mul3A_48] : memref<10240xi32, #tpu.memory_space<hbm>> -> memref<128xi32, #tpu.memory_space<hbm>>
        %dma_start3A_51 = arith.constant 0 : i32
        %dma_start3A_52 = tpu.memref_slice %arg5[%dma_start3A_51] : memref<384xi32, #tpu.memory_space<vmem>> -> memref<128xi32, #tpu.memory_space<vmem>>
        %dma_start3A_53 = tpu.memref_slice %arg2[%mul3A_48] : memref<10240xi32, #tpu.memory_space<hbm>> -> memref<128xi32, #tpu.memory_space<hbm>>
        tpu.enqueue_dma source(%dma_start3A_53 : memref<128xi32, #tpu.memory_space<hbm>>) target(%dma_start3A_52 : memref<128xi32, #tpu.memory_space<vmem>>) target_semaphore(%run_scoped3A : memref<!tpu.dma_semaphore, #tpu.memory_space<semaphore_mem>>)
        %dma_wait3A = arith.constant 0 : i32
        %dma_wait3A_54 = tpu.memref_slice %arg5[%dma_wait3A] : memref<384xi32, #tpu.memory_space<vmem>> -> memref<128xi32, #tpu.memory_space<vmem>>
        %dma_wait3A_55 = tpu.memref_slice %arg2[%mul3A_48] : memref<10240xi32, #tpu.memory_space<hbm>> -> memref<128xi32, #tpu.memory_space<hbm>>
        %dma_wait3A_56 = arith.constant 0 : i32
        %dma_wait3A_57 = tpu.memref_slice %arg5[%dma_wait3A_56] : memref<384xi32, #tpu.memory_space<vmem>> -> memref<128xi32, #tpu.memory_space<vmem>>
        %dma_wait3A_58 = tpu.memref_slice %arg2[%mul3A_48] : memref<10240xi32, #tpu.memory_space<hbm>> -> memref<128xi32, #tpu.memory_space<hbm>>
        tpu.wait_dma2 semaphore(%run_scoped3A : memref<!tpu.dma_semaphore, #tpu.memory_space<semaphore_mem>>) src(%dma_wait3A_58 : memref<128xi32, #tpu.memory_space<hbm>>) dst(%dma_wait3A_57 : memref<128xi32, #tpu.memory_space<vmem>>)
        tpu.yield
      }) : () -> ()
    } else {
    }
    %add3A_5 = arith.constant 32 : i32
    %add3A_6 = arith.addi %add3A, %add3A_5 : i32
    %lt3A_7 = arith.constant 80 : i32
    %lt3A_8 = arith.cmpi slt, %add3A_6, %lt3A_7 : i32
    %convert_element_type3A_9 = arith.extui %lt3A_8 : i1 to i32
    %cond3A_10 = arith.constant 0 : i32
    %cond3A_11 = arith.cmpi ne, %convert_element_type3A_9, %cond3A_10 : i32
    scf.if %cond3A_11 {
      %add3A_45 = arith.constant 32 : i32
      %add3A_46 = arith.addi %add3A, %add3A_45 : i32
      %mul3A_47 = arith.constant 128 : i32
      %mul3A_48 = arith.muli %add3A_46, %mul3A_47 : i32
      "tpu.region"() ({
        %run_scoped3A = tpu.sem_alloc : memref<!tpu.dma_semaphore, #tpu.memory_space<semaphore_mem>>
        %dma_start3A = arith.constant 128 : i32
        %dma_start3A_49 = tpu.memref_slice %arg5[%dma_start3A] : memref<384xi32, #tpu.memory_space<vmem>> -> memref<128xi32, #tpu.memory_space<vmem>>
        %dma_start3A_50 = tpu.memref_slice %arg2[%mul3A_48] : memref<10240xi32, #tpu.memory_space<hbm>> -> memref<128xi32, #tpu.memory_space<hbm>>
        %dma_start3A_51 = arith.constant 128 : i32
        %dma_start3A_52 = tpu.memref_slice %arg5[%dma_start3A_51] : memref<384xi32, #tpu.memory_space<vmem>> -> memref<128xi32, #tpu.memory_space<vmem>>
        %dma_start3A_53 = tpu.memref_slice %arg2[%mul3A_48] : memref<10240xi32, #tpu.memory_space<hbm>> -> memref<128xi32, #tpu.memory_space<hbm>>
        tpu.enqueue_dma source(%dma_start3A_53 : memref<128xi32, #tpu.memory_space<hbm>>) target(%dma_start3A_52 : memref<128xi32, #tpu.memory_space<vmem>>) target_semaphore(%run_scoped3A : memref<!tpu.dma_semaphore, #tpu.memory_space<semaphore_mem>>)
        %dma_wait3A = arith.constant 128 : i32
        %dma_wait3A_54 = tpu.memref_slice %arg5[%dma_wait3A] : memref<384xi32, #tpu.memory_space<vmem>> -> memref<128xi32, #tpu.memory_space<vmem>>
        %dma_wait3A_55 = tpu.memref_slice %arg2[%mul3A_48] : memref<10240xi32, #tpu.memory_space<hbm>> -> memref<128xi32, #tpu.memory_space<hbm>>
        %dma_wait3A_56 = arith.constant 128 : i32
        %dma_wait3A_57 = tpu.memref_slice %arg5[%dma_wait3A_56] : memref<384xi32, #tpu.memory_space<vmem>> -> memref<128xi32, #tpu.memory_space<vmem>>
        %dma_wait3A_58 = tpu.memref_slice %arg2[%mul3A_48] : memref<10240xi32, #tpu.memory_space<hbm>> -> memref<128xi32, #tpu.memory_space<hbm>>
        tpu.wait_dma2 semaphore(%run_scoped3A : memref<!tpu.dma_semaphore, #tpu.memory_space<semaphore_mem>>) src(%dma_wait3A_58 : memref<128xi32, #tpu.memory_space<hbm>>) dst(%dma_wait3A_57 : memref<128xi32, #tpu.memory_space<vmem>>)
        tpu.yield
      }) : () -> ()
    } else {
    }
    %add3A_12 = arith.constant 64 : i32
    %add3A_13 = arith.addi %add3A, %add3A_12 : i32
    %lt3A_14 = arith.constant 80 : i32
    %lt3A_15 = arith.cmpi slt, %add3A_13, %lt3A_14 : i32
    %convert_element_type3A_16 = arith.extui %lt3A_15 : i1 to i32
    %cond3A_17 = arith.constant 0 : i32
    %cond3A_18 = arith.cmpi ne, %convert_element_type3A_16, %cond3A_17 : i32
    scf.if %cond3A_18 {
      %add3A_45 = arith.constant 64 : i32
      %add3A_46 = arith.addi %add3A, %add3A_45 : i32
      %mul3A_47 = arith.constant 128 : i32
      %mul3A_48 = arith.muli %add3A_46, %mul3A_47 : i32
      "tpu.region"() ({
        %run_scoped3A = tpu.sem_alloc : memref<!tpu.dma_semaphore, #tpu.memory_space<semaphore_mem>>
        %dma_start3A = arith.constant 256 : i32
        %dma_start3A_49 = tpu.memref_slice %arg5[%dma_start3A] : memref<384xi32, #tpu.memory_space<vmem>> -> memref<128xi32, #tpu.memory_space<vmem>>
        %dma_start3A_50 = tpu.memref_slice %arg2[%mul3A_48] : memref<10240xi32, #tpu.memory_space<hbm>> -> memref<128xi32, #tpu.memory_space<hbm>>
        %dma_start3A_51 = arith.constant 256 : i32
        %dma_start3A_52 = tpu.memref_slice %arg5[%dma_start3A_51] : memref<384xi32, #tpu.memory_space<vmem>> -> memref<128xi32, #tpu.memory_space<vmem>>
        %dma_start3A_53 = tpu.memref_slice %arg2[%mul3A_48] : memref<10240xi32, #tpu.memory_space<hbm>> -> memref<128xi32, #tpu.memory_space<hbm>>
        tpu.enqueue_dma source(%dma_start3A_53 : memref<128xi32, #tpu.memory_space<hbm>>) target(%dma_start3A_52 : memref<128xi32, #tpu.memory_space<vmem>>) target_semaphore(%run_scoped3A : memref<!tpu.dma_semaphore, #tpu.memory_space<semaphore_mem>>)
        %dma_wait3A = arith.constant 256 : i32
        %dma_wait3A_54 = tpu.memref_slice %arg5[%dma_wait3A] : memref<384xi32, #tpu.memory_space<vmem>> -> memref<128xi32, #tpu.memory_space<vmem>>
        %dma_wait3A_55 = tpu.memref_slice %arg2[%mul3A_48] : memref<10240xi32, #tpu.memory_space<hbm>> -> memref<128xi32, #tpu.memory_space<hbm>>
        %dma_wait3A_56 = arith.constant 256 : i32
        %dma_wait3A_57 = tpu.memref_slice %arg5[%dma_wait3A_56] : memref<384xi32, #tpu.memory_space<vmem>> -> memref<128xi32, #tpu.memory_space<vmem>>
        %dma_wait3A_58 = tpu.memref_slice %arg2[%mul3A_48] : memref<10240xi32, #tpu.memory_space<hbm>> -> memref<128xi32, #tpu.memory_space<hbm>>
        tpu.wait_dma2 semaphore(%run_scoped3A : memref<!tpu.dma_semaphore, #tpu.memory_space<semaphore_mem>>) src(%dma_wait3A_58 : memref<128xi32, #tpu.memory_space<hbm>>) dst(%dma_wait3A_57 : memref<128xi32, #tpu.memory_space<vmem>>)
        tpu.yield
      }) : () -> ()
    } else {
    }
    %lt3A_19 = arith.constant 80 : i32
    %lt3A_20 = arith.cmpi slt, %add3A, %lt3A_19 : i32
    %convert_element_type3A_21 = arith.extui %lt3A_20 : i1 to i32
    %cond3A_22 = arith.constant 0 : i32
    %cond3A_23 = arith.cmpi ne, %convert_element_type3A_21, %cond3A_22 : i32
    scf.if %cond3A_23 {
      %dma_start3A = arith.constant 0 : i32
      %dma_start3A_45 = arith.constant 0 : i32
      %dma_start3A_46 = tpu.memref_slice %arg5[%dma_start3A_45] : memref<384xi32, #tpu.memory_space<vmem>> -> memref<128xi32, #tpu.memory_space<vmem>>
      %dma_start3A_47 = arith.constant 0 : i32
      %dma_start3A_48 = arith.constant 0 : i32
      %dma_start3A_49 = tpu.memref_slice %arg3[%dma_start3A_47, %dma_start3A_48] : memref<100000x128xf32, #tpu.memory_space<hbm>> -> memref<100000x128xf32, #tpu.memory_space<hbm>>
      %dma_start3A_50 = tpu.memref_slice %arg8[%dma_start3A] : memref<2x!tpu.dma_semaphore, #tpu.memory_space<semaphore_mem>> -> memref<1x!tpu.dma_semaphore, #tpu.memory_space<semaphore_mem>>
      %dma_start3A_51 = tpu.memref_squeeze %dma_start3A_50 : memref<1x!tpu.dma_semaphore, #tpu.memory_space<semaphore_mem>> -> memref<!tpu.dma_semaphore, #tpu.memory_space<semaphore_mem>>
      tpu.enqueue_indirect_dma source(%dma_start3A_49 : memref<100000x128xf32, #tpu.memory_space<hbm>>) target(%arg6 : memref<128x128xf32, #tpu.memory_space<vmem>>) offsets(%dma_start3A_46 : memref<128xi32, #tpu.memory_space<vmem>>) semaphore(%dma_start3A_51 : memref<!tpu.dma_semaphore, #tpu.memory_space<semaphore_mem>>)
    } else {
    }
    %add3A_24 = arith.constant 0 : i32
    %add3A_25 = arith.addi %add3A, %add3A_24 : i32
    %lt3A_26 = arith.constant 80 : i32
    %lt3A_27 = arith.cmpi slt, %add3A_25, %lt3A_26 : i32
    %convert_element_type3A_28 = arith.extui %lt3A_27 : i1 to i32
    %cond3A_29 = arith.constant 0 : i32
    %cond3A_30 = arith.cmpi ne, %convert_element_type3A_28, %cond3A_29 : i32
    scf.if %cond3A_30 {
      %dma_wait3A = arith.constant 0 : i32
      %dma_wait3A_45 = arith.constant 0 : i32
      %dma_wait3A_46 = tpu.memref_slice %arg5[%dma_wait3A_45] : memref<384xi32, #tpu.memory_space<vmem>> -> memref<128xi32, #tpu.memory_space<vmem>>
      %dma_wait3A_47 = arith.constant 0 : i32
      %dma_wait3A_48 = arith.constant 0 : i32
      %dma_wait3A_49 = tpu.memref_slice %arg3[%dma_wait3A_47, %dma_wait3A_48] : memref<100000x128xf32, #tpu.memory_space<hbm>> -> memref<100000x128xf32, #tpu.memory_space<hbm>>
      %dma_wait3A_50 = tpu.memref_slice %arg8[%dma_wait3A] : memref<2x!tpu.dma_semaphore, #tpu.memory_space<semaphore_mem>> -> memref<1x!tpu.dma_semaphore, #tpu.memory_space<semaphore_mem>>
      %dma_wait3A_51 = tpu.memref_squeeze %dma_wait3A_50 : memref<1x!tpu.dma_semaphore, #tpu.memory_space<semaphore_mem>> -> memref<!tpu.dma_semaphore, #tpu.memory_space<semaphore_mem>>
      tpu.wait_indirect_dma semaphore(%dma_wait3A_51 : memref<!tpu.dma_semaphore, #tpu.memory_space<semaphore_mem>>) src(%dma_wait3A_49 : memref<100000x128xf32, #tpu.memory_space<hbm>>) dst(%arg6 : memref<128x128xf32, #tpu.memory_space<vmem>>)
      %add3A_52 = arith.constant 32 : i32
      %add3A_53 = arith.addi %add3A_25, %add3A_52 : i32
      %lt3A_54 = arith.constant 80 : i32
      %lt3A_55 = arith.cmpi slt, %add3A_53, %lt3A_54 : i32
      %convert_element_type3A_56 = arith.extui %lt3A_55 : i1 to i32
      %cond3A_57 = arith.constant 0 : i32
      %cond3A_58 = arith.cmpi ne, %convert_element_type3A_56, %cond3A_57 : i32
      scf.if %cond3A_58 {
        %dma_start3A = arith.constant 1 : i32
        %dma_start3A_61 = arith.constant 128 : i32
        %dma_start3A_62 = tpu.memref_slice %arg5[%dma_start3A_61] : memref<384xi32, #tpu.memory_space<vmem>> -> memref<128xi32, #tpu.memory_space<vmem>>
        %dma_start3A_63 = arith.constant 0 : i32
        %dma_start3A_64 = arith.constant 0 : i32
        %dma_start3A_65 = tpu.memref_slice %arg3[%dma_start3A_63, %dma_start3A_64] : memref<100000x128xf32, #tpu.memory_space<hbm>> -> memref<100000x128xf32, #tpu.memory_space<hbm>>
        %dma_start3A_66 = tpu.memref_slice %arg8[%dma_start3A] : memref<2x!tpu.dma_semaphore, #tpu.memory_space<semaphore_mem>> -> memref<1x!tpu.dma_semaphore, #tpu.memory_space<semaphore_mem>>
        %dma_start3A_67 = tpu.memref_squeeze %dma_start3A_66 : memref<1x!tpu.dma_semaphore, #tpu.memory_space<semaphore_mem>> -> memref<!tpu.dma_semaphore, #tpu.memory_space<semaphore_mem>>
        tpu.enqueue_indirect_dma source(%dma_start3A_65 : memref<100000x128xf32, #tpu.memory_space<hbm>>) target(%arg7 : memref<128x128xf32, #tpu.memory_space<vmem>>) offsets(%dma_start3A_62 : memref<128xi32, #tpu.memory_space<vmem>>) semaphore(%dma_start3A_67 : memref<!tpu.dma_semaphore, #tpu.memory_space<semaphore_mem>>)
      } else {
      }
      %mul3A_59 = arith.constant 128 : i32
      %mul3A_60 = arith.muli %add3A_25, %mul3A_59 : i32
      "tpu.region"() ({
        %run_scoped3A = tpu.sem_alloc : memref<!tpu.dma_semaphore, #tpu.memory_space<semaphore_mem>>
        %dma_start3A = arith.constant 0 : i32
        %dma_start3A_61 = tpu.memref_slice %arg4[%mul3A_60, %dma_start3A] : memref<10240x128xf32, #tpu.memory_space<hbm>> -> memref<128x128xf32, #tpu.memory_space<hbm>>
        %dma_start3A_62 = arith.constant 0 : i32
        %dma_start3A_63 = tpu.memref_slice %arg4[%mul3A_60, %dma_start3A_62] : memref<10240x128xf32, #tpu.memory_space<hbm>> -> memref<128x128xf32, #tpu.memory_space<hbm>>
        tpu.enqueue_dma source(%arg6 : memref<128x128xf32, #tpu.memory_space<vmem>>) target(%dma_start3A_63 : memref<128x128xf32, #tpu.memory_space<hbm>>) target_semaphore(%run_scoped3A : memref<!tpu.dma_semaphore, #tpu.memory_space<semaphore_mem>>)
        %dma_wait3A_64 = arith.constant 0 : i32
        %dma_wait3A_65 = tpu.memref_slice %arg4[%mul3A_60, %dma_wait3A_64] : memref<10240x128xf32, #tpu.memory_space<hbm>> -> memref<128x128xf32, #tpu.memory_space<hbm>>
        %dma_wait3A_66 = arith.constant 0 : i32
        %dma_wait3A_67 = tpu.memref_slice %arg4[%mul3A_60, %dma_wait3A_66] : memref<10240x128xf32, #tpu.memory_space<hbm>> -> memref<128x128xf32, #tpu.memory_space<hbm>>
        tpu.wait_dma2 semaphore(%run_scoped3A : memref<!tpu.dma_semaphore, #tpu.memory_space<semaphore_mem>>) src(%arg6 : memref<128x128xf32, #tpu.memory_space<vmem>>) dst(%dma_wait3A_67 : memref<128x128xf32, #tpu.memory_space<hbm>>)
        tpu.yield
      }) : () -> ()
    } else {
    }
    %add3A_31 = arith.constant 32 : i32
    %add3A_32 = arith.addi %add3A, %add3A_31 : i32
    %lt3A_33 = arith.constant 80 : i32
    %lt3A_34 = arith.cmpi slt, %add3A_32, %lt3A_33 : i32
    %convert_element_type3A_35 = arith.extui %lt3A_34 : i1 to i32
    %cond3A_36 = arith.constant 0 : i32
    %cond3A_37 = arith.cmpi ne, %convert_element_type3A_35, %cond3A_36 : i32
    scf.if %cond3A_37 {
      %dma_wait3A = arith.constant 1 : i32
      %dma_wait3A_45 = arith.constant 0 : i32
      %dma_wait3A_46 = tpu.memref_slice %arg5[%dma_wait3A_45] : memref<384xi32, #tpu.memory_space<vmem>> -> memref<128xi32, #tpu.memory_space<vmem>>
      %dma_wait3A_47 = arith.constant 0 : i32
      %dma_wait3A_48 = arith.constant 0 : i32
      %dma_wait3A_49 = tpu.memref_slice %arg3[%dma_wait3A_47, %dma_wait3A_48] : memref<100000x128xf32, #tpu.memory_space<hbm>> -> memref<100000x128xf32, #tpu.memory_space<hbm>>
      %dma_wait3A_50 = tpu.memref_slice %arg8[%dma_wait3A] : memref<2x!tpu.dma_semaphore, #tpu.memory_space<semaphore_mem>> -> memref<1x!tpu.dma_semaphore, #tpu.memory_space<semaphore_mem>>
      %dma_wait3A_51 = tpu.memref_squeeze %dma_wait3A_50 : memref<1x!tpu.dma_semaphore, #tpu.memory_space<semaphore_mem>> -> memref<!tpu.dma_semaphore, #tpu.memory_space<semaphore_mem>>
      tpu.wait_indirect_dma semaphore(%dma_wait3A_51 : memref<!tpu.dma_semaphore, #tpu.memory_space<semaphore_mem>>) src(%dma_wait3A_49 : memref<100000x128xf32, #tpu.memory_space<hbm>>) dst(%arg7 : memref<128x128xf32, #tpu.memory_space<vmem>>)
      %add3A_52 = arith.constant 32 : i32
      %add3A_53 = arith.addi %add3A_32, %add3A_52 : i32
      %lt3A_54 = arith.constant 80 : i32
      %lt3A_55 = arith.cmpi slt, %add3A_53, %lt3A_54 : i32
      %convert_element_type3A_56 = arith.extui %lt3A_55 : i1 to i32
      %cond3A_57 = arith.constant 0 : i32
      %cond3A_58 = arith.cmpi ne, %convert_element_type3A_56, %cond3A_57 : i32
      scf.if %cond3A_58 {
        %dma_start3A = arith.constant 0 : i32
        %dma_start3A_61 = arith.constant 256 : i32
        %dma_start3A_62 = tpu.memref_slice %arg5[%dma_start3A_61] : memref<384xi32, #tpu.memory_space<vmem>> -> memref<128xi32, #tpu.memory_space<vmem>>
        %dma_start3A_63 = arith.constant 0 : i32
        %dma_start3A_64 = arith.constant 0 : i32
        %dma_start3A_65 = tpu.memref_slice %arg3[%dma_start3A_63, %dma_start3A_64] : memref<100000x128xf32, #tpu.memory_space<hbm>> -> memref<100000x128xf32, #tpu.memory_space<hbm>>
        %dma_start3A_66 = tpu.memref_slice %arg8[%dma_start3A] : memref<2x!tpu.dma_semaphore, #tpu.memory_space<semaphore_mem>> -> memref<1x!tpu.dma_semaphore, #tpu.memory_space<semaphore_mem>>
        %dma_start3A_67 = tpu.memref_squeeze %dma_start3A_66 : memref<1x!tpu.dma_semaphore, #tpu.memory_space<semaphore_mem>> -> memref<!tpu.dma_semaphore, #tpu.memory_space<semaphore_mem>>
        tpu.enqueue_indirect_dma source(%dma_start3A_65 : memref<100000x128xf32, #tpu.memory_space<hbm>>) target(%arg6 : memref<128x128xf32, #tpu.memory_space<vmem>>) offsets(%dma_start3A_62 : memref<128xi32, #tpu.memory_space<vmem>>) semaphore(%dma_start3A_67 : memref<!tpu.dma_semaphore, #tpu.memory_space<semaphore_mem>>)
      } else {
      }
      %mul3A_59 = arith.constant 128 : i32
      %mul3A_60 = arith.muli %add3A_32, %mul3A_59 : i32
      "tpu.region"() ({
        %run_scoped3A = tpu.sem_alloc : memref<!tpu.dma_semaphore, #tpu.memory_space<semaphore_mem>>
        %dma_start3A = arith.constant 0 : i32
        %dma_start3A_61 = tpu.memref_slice %arg4[%mul3A_60, %dma_start3A] : memref<10240x128xf32, #tpu.memory_space<hbm>> -> memref<128x128xf32, #tpu.memory_space<hbm>>
        %dma_start3A_62 = arith.constant 0 : i32
        %dma_start3A_63 = tpu.memref_slice %arg4[%mul3A_60, %dma_start3A_62] : memref<10240x128xf32, #tpu.memory_space<hbm>> -> memref<128x128xf32, #tpu.memory_space<hbm>>
        tpu.enqueue_dma source(%arg7 : memref<128x128xf32, #tpu.memory_space<vmem>>) target(%dma_start3A_63 : memref<128x128xf32, #tpu.memory_space<hbm>>) target_semaphore(%run_scoped3A : memref<!tpu.dma_semaphore, #tpu.memory_space<semaphore_mem>>)
        %dma_wait3A_64 = arith.constant 0 : i32
        %dma_wait3A_65 = tpu.memref_slice %arg4[%mul3A_60, %dma_wait3A_64] : memref<10240x128xf32, #tpu.memory_space<hbm>> -> memref<128x128xf32, #tpu.memory_space<hbm>>
        %dma_wait3A_66 = arith.constant 0 : i32
        %dma_wait3A_67 = tpu.memref_slice %arg4[%mul3A_60, %dma_wait3A_66] : memref<10240x128xf32, #tpu.memory_space<hbm>> -> memref<128x128xf32, #tpu.memory_space<hbm>>
        tpu.wait_dma2 semaphore(%run_scoped3A : memref<!tpu.dma_semaphore, #tpu.memory_space<semaphore_mem>>) src(%arg7 : memref<128x128xf32, #tpu.memory_space<vmem>>) dst(%dma_wait3A_67 : memref<128x128xf32, #tpu.memory_space<hbm>>)
        tpu.yield
      }) : () -> ()
    } else {
    }
    %add3A_38 = arith.constant 64 : i32
    %add3A_39 = arith.addi %add3A, %add3A_38 : i32
    %lt3A_40 = arith.constant 80 : i32
    %lt3A_41 = arith.cmpi slt, %add3A_39, %lt3A_40 : i32
    %convert_element_type3A_42 = arith.extui %lt3A_41 : i1 to i32
    %cond3A_43 = arith.constant 0 : i32
    %cond3A_44 = arith.cmpi ne, %convert_element_type3A_42, %cond3A_43 : i32
    scf.if %cond3A_44 {
      %dma_wait3A = arith.constant 0 : i32
      %dma_wait3A_45 = arith.constant 0 : i32
      %dma_wait3A_46 = tpu.memref_slice %arg5[%dma_wait3A_45] : memref<384xi32, #tpu.memory_space<vmem>> -> memref<128xi32, #tpu.memory_space<vmem>>
      %dma_wait3A_47 = arith.constant 0 : i32
      %dma_wait3A_48 = arith.constant 0 : i32
      %dma_wait3A_49 = tpu.memref_slice %arg3[%dma_wait3A_47, %dma_wait3A_48] : memref<100000x128xf32, #tpu.memory_space<hbm>> -> memref<100000x128xf32, #tpu.memory_space<hbm>>
      %dma_wait3A_50 = tpu.memref_slice %arg8[%dma_wait3A] : memref<2x!tpu.dma_semaphore, #tpu.memory_space<semaphore_mem>> -> memref<1x!tpu.dma_semaphore, #tpu.memory_space<semaphore_mem>>
      %dma_wait3A_51 = tpu.memref_squeeze %dma_wait3A_50 : memref<1x!tpu.dma_semaphore, #tpu.memory_space<semaphore_mem>> -> memref<!tpu.dma_semaphore, #tpu.memory_space<semaphore_mem>>
      tpu.wait_indirect_dma semaphore(%dma_wait3A_51 : memref<!tpu.dma_semaphore, #tpu.memory_space<semaphore_mem>>) src(%dma_wait3A_49 : memref<100000x128xf32, #tpu.memory_space<hbm>>) dst(%arg6 : memref<128x128xf32, #tpu.memory_space<vmem>>)
      %mul3A_52 = arith.constant 128 : i32
      %mul3A_53 = arith.muli %add3A_39, %mul3A_52 : i32
      "tpu.region"() ({
        %run_scoped3A = tpu.sem_alloc : memref<!tpu.dma_semaphore, #tpu.memory_space<semaphore_mem>>
        %dma_start3A = arith.constant 0 : i32
        %dma_start3A_54 = tpu.memref_slice %arg4[%mul3A_53, %dma_start3A] : memref<10240x128xf32, #tpu.memory_space<hbm>> -> memref<128x128xf32, #tpu.memory_space<hbm>>
        %dma_start3A_55 = arith.constant 0 : i32
        %dma_start3A_56 = tpu.memref_slice %arg4[%mul3A_53, %dma_start3A_55] : memref<10240x128xf32, #tpu.memory_space<hbm>> -> memref<128x128xf32, #tpu.memory_space<hbm>>
        tpu.enqueue_dma source(%arg6 : memref<128x128xf32, #tpu.memory_space<vmem>>) target(%dma_start3A_56 : memref<128x128xf32, #tpu.memory_space<hbm>>) target_semaphore(%run_scoped3A : memref<!tpu.dma_semaphore, #tpu.memory_space<semaphore_mem>>)
        %dma_wait3A_57 = arith.constant 0 : i32
        %dma_wait3A_58 = tpu.memref_slice %arg4[%mul3A_53, %dma_wait3A_57] : memref<10240x128xf32, #tpu.memory_space<hbm>> -> memref<128x128xf32, #tpu.memory_space<hbm>>
        %dma_wait3A_59 = arith.constant 0 : i32
        %dma_wait3A_60 = tpu.memref_slice %arg4[%mul3A_53, %dma_wait3A_59] : memref<10240x128xf32, #tpu.memory_space<hbm>> -> memref<128x128xf32, #tpu.memory_space<hbm>>
        tpu.wait_dma2 semaphore(%run_scoped3A : memref<!tpu.dma_semaphore, #tpu.memory_space<semaphore_mem>>) src(%arg6 : memref<128x128xf32, #tpu.memory_space<vmem>>) dst(%dma_wait3A_60 : memref<128x128xf32, #tpu.memory_space<hbm>>)
        tpu.yield
      }) : () -> ()
    } else {
    }
    return
  }
}

#map = affine_map<(d0, d1) -> (0, 0)>
#map1 = affine_map<(d0, d1) -> (0, 0, 0)>
module attributes {stable_mosaic.version = 14 : i64} {
  func.func @_sc_scatter_body(%arg0: i32, %arg1: i32, %arg2: memref<5120x128xi32, #tpu.memory_space<hbm>>, %arg3: memref<10240x128xf32, #tpu.memory_space<hbm>>, %arg4: memref<640x128xf32, #tpu.memory_space<hbm>>, %arg5: memref<2x10240x128xf32, #tpu.memory_space<hbm>>, %arg6: memref<32x128xi32, #tpu.memory_space<vmem>>, %arg7: memref<32x128xi32, #tpu.memory_space<vmem>>, %arg8: memref<256x128xf32, #tpu.memory_space<vmem>>, %arg9: memref<10240x128xf32, #tpu.memory_space<vmem_shared>>, %arg10: memref<2x!tpu.dma_semaphore, #tpu.memory_space<semaphore_mem>>, %arg11: memref<2x!tpu.dma_semaphore, #tpu.memory_space<semaphore_mem>>) attributes {dimension_semantics = [#tpu.dimension_semantics<core_parallel>, #tpu.dimension_semantics<subcore_parallel>], iteration_bounds = array<i64: 2, 16>, scalar_prefetch = 0 : i64, scratch_operands = 6 : i64, tpu.core_type = #tpu.core_type<sc_vector_subcore>, window_params = [{transform_indices = #map}, {transform_indices = #map}, {transform_indices = #map}, {transform_indices = #map1}]} {
    %mul3A = arith.constant 16 : i32
    %mul3A_0 = arith.muli %arg0, %mul3A : i32
    %add3A = arith.addi %mul3A_0, %arg1 : i32
    %mul3A_1 = arith.constant 2 : i32
    %mul3A_2 = arith.muli %add3A, %mul3A_1 : i32
    %mul3A_3 = arith.constant 80 : i32
    %mul3A_4 = arith.muli %mul3A_2, %mul3A_3 : i32
    %scan3A = arith.constant 0 : i32
    %scan3A_5 = arith.constant 0 : i32
    %scan3A_6 = arith.constant 41 : i32
    %scan3A_7 = arith.addi %scan3A_5, %scan3A_6 : i32
    %scan3A_8 = arith.constant 1 : i32
    scf.for %scan3A_14 = %scan3A_5 to %scan3A_7 step %scan3A_8  : i32 {
      %eq3A = arith.constant 0 : i32
      %eq3A_15 = arith.cmpi eq, %scan3A_14, %eq3A : i32
      %convert_element_type3A = arith.extui %eq3A_15 : i1 to i32
      %cond3A = arith.constant 0 : i32
      %cond3A_16 = arith.cmpi ne, %convert_element_type3A, %cond3A : i32
      scf.if %cond3A_16 {
        "tpu.region"() ({
          %run_scoped3A = tpu.sem_alloc : memref<!tpu.dma_semaphore, #tpu.memory_space<semaphore_mem>>
          %dma_start3A = arith.constant 0 : i32
          %dma_start3A_211 = arith.constant 0 : i32
          %dma_start3A_212 = tpu.memref_slice %arg6[%dma_start3A, %dma_start3A_211] : memref<32x128xi32, #tpu.memory_space<vmem>> -> memref<16x128xi32, #tpu.memory_space<vmem>>
          %dma_start3A_213 = arith.constant 0 : i32
          %dma_start3A_214 = tpu.memref_slice %arg2[%mul3A_4, %dma_start3A_213] : memref<5120x128xi32, #tpu.memory_space<hbm>> -> memref<16x128xi32, #tpu.memory_space<hbm>>
          %dma_start3A_215 = arith.constant 0 : i32
          %dma_start3A_216 = arith.constant 0 : i32
          %dma_start3A_217 = tpu.memref_slice %arg6[%dma_start3A_215, %dma_start3A_216] : memref<32x128xi32, #tpu.memory_space<vmem>> -> memref<16x128xi32, #tpu.memory_space<vmem>>
          %dma_start3A_218 = arith.constant 0 : i32
          %dma_start3A_219 = tpu.memref_slice %arg2[%mul3A_4, %dma_start3A_218] : memref<5120x128xi32, #tpu.memory_space<hbm>> -> memref<16x128xi32, #tpu.memory_space<hbm>>
          tpu.enqueue_dma source(%dma_start3A_219 : memref<16x128xi32, #tpu.memory_space<hbm>>) target(%dma_start3A_217 : memref<16x128xi32, #tpu.memory_space<vmem>>) target_semaphore(%run_scoped3A : memref<!tpu.dma_semaphore, #tpu.memory_space<semaphore_mem>>)
          %dma_wait3A = arith.constant 0 : i32
          %dma_wait3A_220 = arith.constant 0 : i32
          %dma_wait3A_221 = tpu.memref_slice %arg6[%dma_wait3A, %dma_wait3A_220] : memref<32x128xi32, #tpu.memory_space<vmem>> -> memref<16x128xi32, #tpu.memory_space<vmem>>
          %dma_wait3A_222 = arith.constant 0 : i32
          %dma_wait3A_223 = tpu.memref_slice %arg2[%mul3A_4, %dma_wait3A_222] : memref<5120x128xi32, #tpu.memory_space<hbm>> -> memref<16x128xi32, #tpu.memory_space<hbm>>
          %dma_wait3A_224 = arith.constant 0 : i32
          %dma_wait3A_225 = arith.constant 0 : i32
          %dma_wait3A_226 = tpu.memref_slice %arg6[%dma_wait3A_224, %dma_wait3A_225] : memref<32x128xi32, #tpu.memory_space<vmem>> -> memref<16x128xi32, #tpu.memory_space<vmem>>
          %dma_wait3A_227 = arith.constant 0 : i32
          %dma_wait3A_228 = tpu.memref_slice %arg2[%mul3A_4, %dma_wait3A_227] : memref<5120x128xi32, #tpu.memory_space<hbm>> -> memref<16x128xi32, #tpu.memory_space<hbm>>
          tpu.wait_dma2 semaphore(%run_scoped3A : memref<!tpu.dma_semaphore, #tpu.memory_space<semaphore_mem>>) src(%dma_wait3A_228 : memref<16x128xi32, #tpu.memory_space<hbm>>) dst(%dma_wait3A_226 : memref<16x128xi32, #tpu.memory_space<vmem>>)
          tpu.yield
        }) : () -> ()
        %add3A_209 = arith.constant 80 : i32
        %add3A_210 = arith.addi %mul3A_4, %add3A_209 : i32
        "tpu.region"() ({
          %run_scoped3A = tpu.sem_alloc : memref<!tpu.dma_semaphore, #tpu.memory_space<semaphore_mem>>
          %dma_start3A = arith.constant 0 : i32
          %dma_start3A_211 = arith.constant 0 : i32
          %dma_start3A_212 = tpu.memref_slice %arg7[%dma_start3A, %dma_start3A_211] : memref<32x128xi32, #tpu.memory_space<vmem>> -> memref<16x128xi32, #tpu.memory_space<vmem>>
          %dma_start3A_213 = arith.constant 0 : i32
          %dma_start3A_214 = tpu.memref_slice %arg2[%add3A_210, %dma_start3A_213] : memref<5120x128xi32, #tpu.memory_space<hbm>> -> memref<16x128xi32, #tpu.memory_space<hbm>>
          %dma_start3A_215 = arith.constant 0 : i32
          %dma_start3A_216 = arith.constant 0 : i32
          %dma_start3A_217 = tpu.memref_slice %arg7[%dma_start3A_215, %dma_start3A_216] : memref<32x128xi32, #tpu.memory_space<vmem>> -> memref<16x128xi32, #tpu.memory_space<vmem>>
          %dma_start3A_218 = arith.constant 0 : i32
          %dma_start3A_219 = tpu.memref_slice %arg2[%add3A_210, %dma_start3A_218] : memref<5120x128xi32, #tpu.memory_space<hbm>> -> memref<16x128xi32, #tpu.memory_space<hbm>>
          tpu.enqueue_dma source(%dma_start3A_219 : memref<16x128xi32, #tpu.memory_space<hbm>>) target(%dma_start3A_217 : memref<16x128xi32, #tpu.memory_space<vmem>>) target_semaphore(%run_scoped3A : memref<!tpu.dma_semaphore, #tpu.memory_space<semaphore_mem>>)
          %dma_wait3A = arith.constant 0 : i32
          %dma_wait3A_220 = arith.constant 0 : i32
          %dma_wait3A_221 = tpu.memref_slice %arg7[%dma_wait3A, %dma_wait3A_220] : memref<32x128xi32, #tpu.memory_space<vmem>> -> memref<16x128xi32, #tpu.memory_space<vmem>>
          %dma_wait3A_222 = arith.constant 0 : i32
          %dma_wait3A_223 = tpu.memref_slice %arg2[%add3A_210, %dma_wait3A_222] : memref<5120x128xi32, #tpu.memory_space<hbm>> -> memref<16x128xi32, #tpu.memory_space<hbm>>
          %dma_wait3A_224 = arith.constant 0 : i32
          %dma_wait3A_225 = arith.constant 0 : i32
          %dma_wait3A_226 = tpu.memref_slice %arg7[%dma_wait3A_224, %dma_wait3A_225] : memref<32x128xi32, #tpu.memory_space<vmem>> -> memref<16x128xi32, #tpu.memory_space<vmem>>
          %dma_wait3A_227 = arith.constant 0 : i32
          %dma_wait3A_228 = tpu.memref_slice %arg2[%add3A_210, %dma_wait3A_227] : memref<5120x128xi32, #tpu.memory_space<hbm>> -> memref<16x128xi32, #tpu.memory_space<hbm>>
          tpu.wait_dma2 semaphore(%run_scoped3A : memref<!tpu.dma_semaphore, #tpu.memory_space<semaphore_mem>>) src(%dma_wait3A_228 : memref<16x128xi32, #tpu.memory_space<hbm>>) dst(%dma_wait3A_226 : memref<16x128xi32, #tpu.memory_space<vmem>>)
          tpu.yield
        }) : () -> ()
      } else {
      }
      %jit3A = arith.constant 8 : i32
      %eq3A_17 = arith.constant 0 : i32
      %eq3A_18 = arith.cmpi eq, %jit3A, %eq3A_17 : i32
      %jit3A_19 = arith.constant 1 : i32
      %select_n3A = arith.select %eq3A_18, %jit3A_19, %jit3A : i32
      %rem3A = arith.remsi %scan3A_14, %select_n3A : i32
      %ne3A = arith.constant 0 : i32
      %ne3A_20 = arith.cmpi ne, %rem3A, %ne3A : i32
      %lt3A = arith.constant 0 : i32
      %lt3A_21 = arith.cmpi slt, %rem3A, %lt3A : i32
      %lt3A_22 = arith.constant 0 : i32
      %lt3A_23 = arith.cmpi slt, %select_n3A, %lt3A_22 : i32
      %ne3A_24 = arith.xori %lt3A_21, %lt3A_23 : i1
      %and3A = arith.andi %ne3A_24, %ne3A_20 : i1
      %add3A_25 = arith.addi %rem3A, %select_n3A : i32
      %select_n3A_26 = arith.select %and3A, %add3A_25, %rem3A : i32
      %eq3A_27 = arith.constant 1 : i32
      %eq3A_28 = arith.cmpi eq, %select_n3A_26, %eq3A_27 : i32
      %add3A_29 = arith.constant 8 : i32
      %add3A_30 = arith.addi %scan3A_14, %add3A_29 : i32
      %lt3A_31 = arith.constant 41 : i32
      %lt3A_32 = arith.cmpi slt, %add3A_30, %lt3A_31 : i32
      %and3A_33 = arith.andi %eq3A_28, %lt3A_32 : i1
      %convert_element_type3A_34 = arith.extui %and3A_33 : i1 to i32
      %cond3A_35 = arith.constant 0 : i32
      %cond3A_36 = arith.cmpi ne, %convert_element_type3A_34, %cond3A_35 : i32
      scf.if %cond3A_36 {
        %jit3A_209 = arith.constant 8 : i32
        %div3A_210 = arith.divsi %scan3A_14, %jit3A_209 : i32
        %sign3A_211 = arith.constant 0 : i32
        %sign3A_212 = arith.cmpi sgt, %scan3A_14, %sign3A_211 : i32
        %sign3A_213 = arith.extui %sign3A_212 : i1 to i32
        %sign3A_214 = arith.constant 0 : i32
        %sign3A_215 = arith.cmpi slt, %scan3A_14, %sign3A_214 : i32
        %sign3A_216 = arith.extui %sign3A_215 : i1 to i32
        %sign3A_217 = arith.subi %sign3A_213, %sign3A_216 : i32
        %sign3A_218 = arith.constant 0 : i32
        %sign3A_219 = arith.cmpi sgt, %jit3A_209, %sign3A_218 : i32
        %sign3A_220 = arith.extui %sign3A_219 : i1 to i32
        %sign3A_221 = arith.constant 0 : i32
        %sign3A_222 = arith.cmpi slt, %jit3A_209, %sign3A_221 : i32
        %sign3A_223 = arith.extui %sign3A_222 : i1 to i32
        %sign3A_224 = arith.subi %sign3A_220, %sign3A_223 : i32
        %ne3A_225 = arith.cmpi ne, %sign3A_217, %sign3A_224 : i32
        %rem3A_226 = arith.remsi %scan3A_14, %jit3A_209 : i32
        %ne3A_227 = arith.constant 0 : i32
        %ne3A_228 = arith.cmpi ne, %rem3A_226, %ne3A_227 : i32
        %and3A_229 = arith.andi %ne3A_225, %ne3A_228 : i1
        %sub3A_230 = arith.constant 1 : i32
        %sub3A_231 = arith.subi %div3A_210, %sub3A_230 : i32
        %select_n3A_232 = arith.select %and3A_229, %sub3A_231, %div3A_210 : i32
        %add3A_233 = arith.constant 1 : i32
        %add3A_234 = arith.addi %select_n3A_232, %add3A_233 : i32
        %jit3A_235 = arith.constant 2 : i32
        %eq3A_236 = arith.constant 0 : i32
        %eq3A_237 = arith.cmpi eq, %jit3A_235, %eq3A_236 : i32
        %jit3A_238 = arith.constant 1 : i32
        %select_n3A_239 = arith.select %eq3A_237, %jit3A_238, %jit3A_235 : i32
        %rem3A_240 = arith.remsi %add3A_234, %select_n3A_239 : i32
        %ne3A_241 = arith.constant 0 : i32
        %ne3A_242 = arith.cmpi ne, %rem3A_240, %ne3A_241 : i32
        %lt3A_243 = arith.constant 0 : i32
        %lt3A_244 = arith.cmpi slt, %rem3A_240, %lt3A_243 : i32
        %lt3A_245 = arith.constant 0 : i32
        %lt3A_246 = arith.cmpi slt, %select_n3A_239, %lt3A_245 : i32
        %ne3A_247 = arith.xori %lt3A_244, %lt3A_246 : i1
        %and3A_248 = arith.andi %ne3A_247, %ne3A_242 : i1
        %add3A_249 = arith.addi %rem3A_240, %select_n3A_239 : i32
        %select_n3A_250 = arith.select %and3A_248, %add3A_249, %rem3A_240 : i32
        %mul3A_251 = arith.constant 16 : i32
        %mul3A_252 = arith.muli %select_n3A_250, %mul3A_251 : i32
        %mul3A_253 = arith.constant 16 : i32
        %mul3A_254 = arith.muli %add3A_234, %mul3A_253 : i32
        %add3A_255 = arith.addi %mul3A_4, %mul3A_254 : i32
        %dma_start3A = arith.constant 0 : i32
        %dma_start3A_256 = arith.constant 0 : i32
        %dma_start3A_257 = tpu.memref_slice %arg6[%mul3A_252, %dma_start3A_256] : memref<32x128xi32, #tpu.memory_space<vmem>> -> memref<16x128xi32, #tpu.memory_space<vmem>>
        %dma_start3A_258 = arith.constant 0 : i32
        %dma_start3A_259 = tpu.memref_slice %arg2[%add3A_255, %dma_start3A_258] : memref<5120x128xi32, #tpu.memory_space<hbm>> -> memref<16x128xi32, #tpu.memory_space<hbm>>
        %dma_start3A_260 = tpu.memref_slice %arg11[%dma_start3A] : memref<2x!tpu.dma_semaphore, #tpu.memory_space<semaphore_mem>> -> memref<1x!tpu.dma_semaphore, #tpu.memory_space<semaphore_mem>>
        %dma_start3A_261 = tpu.memref_squeeze %dma_start3A_260 : memref<1x!tpu.dma_semaphore, #tpu.memory_space<semaphore_mem>> -> memref<!tpu.dma_semaphore, #tpu.memory_space<semaphore_mem>>
        %dma_start3A_262 = arith.constant 0 : i32
        %dma_start3A_263 = tpu.memref_slice %arg6[%mul3A_252, %dma_start3A_262] : memref<32x128xi32, #tpu.memory_space<vmem>> -> memref<16x128xi32, #tpu.memory_space<vmem>>
        %dma_start3A_264 = arith.constant 0 : i32
        %dma_start3A_265 = tpu.memref_slice %arg2[%add3A_255, %dma_start3A_264] : memref<5120x128xi32, #tpu.memory_space<hbm>> -> memref<16x128xi32, #tpu.memory_space<hbm>>
        tpu.enqueue_dma source(%dma_start3A_265 : memref<16x128xi32, #tpu.memory_space<hbm>>) target(%dma_start3A_263 : memref<16x128xi32, #tpu.memory_space<vmem>>) target_semaphore(%dma_start3A_261 : memref<!tpu.dma_semaphore, #tpu.memory_space<semaphore_mem>>)
        %add3A_266 = arith.constant 80 : i32
        %add3A_267 = arith.addi %mul3A_4, %add3A_266 : i32
        %mul3A_268 = arith.constant 16 : i32
        %mul3A_269 = arith.muli %add3A_234, %mul3A_268 : i32
        %add3A_270 = arith.addi %add3A_267, %mul3A_269 : i32
        %dma_start3A_271 = arith.constant 1 : i32
        %dma_start3A_272 = arith.constant 0 : i32
        %dma_start3A_273 = tpu.memref_slice %arg7[%mul3A_252, %dma_start3A_272] : memref<32x128xi32, #tpu.memory_space<vmem>> -> memref<16x128xi32, #tpu.memory_space<vmem>>
        %dma_start3A_274 = arith.constant 0 : i32
        %dma_start3A_275 = tpu.memref_slice %arg2[%add3A_270, %dma_start3A_274] : memref<5120x128xi32, #tpu.memory_space<hbm>> -> memref<16x128xi32, #tpu.memory_space<hbm>>
        %dma_start3A_276 = tpu.memref_slice %arg11[%dma_start3A_271] : memref<2x!tpu.dma_semaphore, #tpu.memory_space<semaphore_mem>> -> memref<1x!tpu.dma_semaphore, #tpu.memory_space<semaphore_mem>>
        %dma_start3A_277 = tpu.memref_squeeze %dma_start3A_276 : memref<1x!tpu.dma_semaphore, #tpu.memory_space<semaphore_mem>> -> memref<!tpu.dma_semaphore, #tpu.memory_space<semaphore_mem>>
        %dma_start3A_278 = arith.constant 0 : i32
        %dma_start3A_279 = tpu.memref_slice %arg7[%mul3A_252, %dma_start3A_278] : memref<32x128xi32, #tpu.memory_space<vmem>> -> memref<16x128xi32, #tpu.memory_space<vmem>>
        %dma_start3A_280 = arith.constant 0 : i32
        %dma_start3A_281 = tpu.memref_slice %arg2[%add3A_270, %dma_start3A_280] : memref<5120x128xi32, #tpu.memory_space<hbm>> -> memref<16x128xi32, #tpu.memory_space<hbm>>
        tpu.enqueue_dma source(%dma_start3A_281 : memref<16x128xi32, #tpu.memory_space<hbm>>) target(%dma_start3A_279 : memref<16x128xi32, #tpu.memory_space<vmem>>) target_semaphore(%dma_start3A_277 : memref<!tpu.dma_semaphore, #tpu.memory_space<semaphore_mem>>)
      } else {
      }
      %jit3A_37 = arith.constant 8 : i32
      %eq3A_38 = arith.constant 0 : i32
      %eq3A_39 = arith.cmpi eq, %jit3A_37, %eq3A_38 : i32
      %jit3A_40 = arith.constant 1 : i32
      %select_n3A_41 = arith.select %eq3A_39, %jit3A_40, %jit3A_37 : i32
      %rem3A_42 = arith.remsi %scan3A_14, %select_n3A_41 : i32
      %ne3A_43 = arith.constant 0 : i32
      %ne3A_44 = arith.cmpi ne, %rem3A_42, %ne3A_43 : i32
      %lt3A_45 = arith.constant 0 : i32
      %lt3A_46 = arith.cmpi slt, %rem3A_42, %lt3A_45 : i32
      %lt3A_47 = arith.constant 0 : i32
      %lt3A_48 = arith.cmpi slt, %select_n3A_41, %lt3A_47 : i32
      %ne3A_49 = arith.xori %lt3A_46, %lt3A_48 : i1
      %and3A_50 = arith.andi %ne3A_49, %ne3A_44 : i1
      %add3A_51 = arith.addi %rem3A_42, %select_n3A_41 : i32
      %select_n3A_52 = arith.select %and3A_50, %add3A_51, %rem3A_42 : i32
      %eq3A_53 = arith.constant 0 : i32
      %eq3A_54 = arith.cmpi eq, %select_n3A_52, %eq3A_53 : i32
      %gt3A = arith.constant 0 : i32
      %gt3A_55 = arith.cmpi sgt, %scan3A_14, %gt3A : i32
      %and3A_56 = arith.andi %eq3A_54, %gt3A_55 : i1
      %lt3A_57 = arith.constant 40 : i32
      %lt3A_58 = arith.cmpi slt, %scan3A_14, %lt3A_57 : i32
      %and3A_59 = arith.andi %and3A_56, %lt3A_58 : i1
      %convert_element_type3A_60 = arith.extui %and3A_59 : i1 to i32
      %cond3A_61 = arith.constant 0 : i32
      %cond3A_62 = arith.cmpi ne, %convert_element_type3A_60, %cond3A_61 : i32
      scf.if %cond3A_62 {
        %dma_wait3A = arith.constant 0 : i32
        %dma_wait3A_209 = arith.constant 0 : i32
        %dma_wait3A_210 = arith.constant 0 : i32
        %dma_wait3A_211 = tpu.memref_slice %arg6[%dma_wait3A_209, %dma_wait3A_210] : memref<32x128xi32, #tpu.memory_space<vmem>> -> memref<16x128xi32, #tpu.memory_space<vmem>>
        %dma_wait3A_212 = arith.constant 0 : i32
        %dma_wait3A_213 = tpu.memref_slice %arg2[%mul3A_4, %dma_wait3A_212] : memref<5120x128xi32, #tpu.memory_space<hbm>> -> memref<16x128xi32, #tpu.memory_space<hbm>>
        %dma_wait3A_214 = tpu.memref_slice %arg11[%dma_wait3A] : memref<2x!tpu.dma_semaphore, #tpu.memory_space<semaphore_mem>> -> memref<1x!tpu.dma_semaphore, #tpu.memory_space<semaphore_mem>>
        %dma_wait3A_215 = tpu.memref_squeeze %dma_wait3A_214 : memref<1x!tpu.dma_semaphore, #tpu.memory_space<semaphore_mem>> -> memref<!tpu.dma_semaphore, #tpu.memory_space<semaphore_mem>>
        %dma_wait3A_216 = arith.constant 0 : i32
        %dma_wait3A_217 = arith.constant 0 : i32
        %dma_wait3A_218 = tpu.memref_slice %arg6[%dma_wait3A_216, %dma_wait3A_217] : memref<32x128xi32, #tpu.memory_space<vmem>> -> memref<16x128xi32, #tpu.memory_space<vmem>>
        %dma_wait3A_219 = arith.constant 0 : i32
        %dma_wait3A_220 = tpu.memref_slice %arg2[%mul3A_4, %dma_wait3A_219] : memref<5120x128xi32, #tpu.memory_space<hbm>> -> memref<16x128xi32, #tpu.memory_space<hbm>>
        tpu.wait_dma2 semaphore(%dma_wait3A_215 : memref<!tpu.dma_semaphore, #tpu.memory_space<semaphore_mem>>) src(%dma_wait3A_220 : memref<16x128xi32, #tpu.memory_space<hbm>>) dst(%dma_wait3A_218 : memref<16x128xi32, #tpu.memory_space<vmem>>)
        %dma_wait3A_221 = arith.constant 1 : i32
        %dma_wait3A_222 = arith.constant 0 : i32
        %dma_wait3A_223 = arith.constant 0 : i32
        %dma_wait3A_224 = tpu.memref_slice %arg7[%dma_wait3A_222, %dma_wait3A_223] : memref<32x128xi32, #tpu.memory_space<vmem>> -> memref<16x128xi32, #tpu.memory_space<vmem>>
        %dma_wait3A_225 = arith.constant 0 : i32
        %dma_wait3A_226 = tpu.memref_slice %arg2[%mul3A_4, %dma_wait3A_225] : memref<5120x128xi32, #tpu.memory_space<hbm>> -> memref<16x128xi32, #tpu.memory_space<hbm>>
        %dma_wait3A_227 = tpu.memref_slice %arg11[%dma_wait3A_221] : memref<2x!tpu.dma_semaphore, #tpu.memory_space<semaphore_mem>> -> memref<1x!tpu.dma_semaphore, #tpu.memory_space<semaphore_mem>>
        %dma_wait3A_228 = tpu.memref_squeeze %dma_wait3A_227 : memref<1x!tpu.dma_semaphore, #tpu.memory_space<semaphore_mem>> -> memref<!tpu.dma_semaphore, #tpu.memory_space<semaphore_mem>>
        %dma_wait3A_229 = arith.constant 0 : i32
        %dma_wait3A_230 = arith.constant 0 : i32
        %dma_wait3A_231 = tpu.memref_slice %arg7[%dma_wait3A_229, %dma_wait3A_230] : memref<32x128xi32, #tpu.memory_space<vmem>> -> memref<16x128xi32, #tpu.memory_space<vmem>>
        %dma_wait3A_232 = arith.constant 0 : i32
        %dma_wait3A_233 = tpu.memref_slice %arg2[%mul3A_4, %dma_wait3A_232] : memref<5120x128xi32, #tpu.memory_space<hbm>> -> memref<16x128xi32, #tpu.memory_space<hbm>>
        tpu.wait_dma2 semaphore(%dma_wait3A_228 : memref<!tpu.dma_semaphore, #tpu.memory_space<semaphore_mem>>) src(%dma_wait3A_233 : memref<16x128xi32, #tpu.memory_space<hbm>>) dst(%dma_wait3A_231 : memref<16x128xi32, #tpu.memory_space<vmem>>)
      } else {
      }
      %eq3A_63 = arith.constant 1 : i32
      %eq3A_64 = arith.cmpi eq, %scan3A_14, %eq3A_63 : i32
      %convert_element_type3A_65 = arith.extui %eq3A_64 : i1 to i32
      %cond3A_66 = arith.constant 0 : i32
      %cond3A_67 = arith.cmpi ne, %convert_element_type3A_65, %cond3A_66 : i32
      scf.if %cond3A_67 {
        %mul3A_209 = arith.constant 640 : i32
        %mul3A_210 = arith.muli %arg1, %mul3A_209 : i32
        "tpu.region"() ({
          %run_scoped3A = tpu.sem_alloc : memref<!tpu.dma_semaphore, #tpu.memory_space<semaphore_mem>>
          %dma_start3A = arith.constant 0 : i32
          %dma_start3A_212 = tpu.memref_slice %arg9[%mul3A_210, %dma_start3A] : memref<10240x128xf32, #tpu.memory_space<vmem_shared>> -> memref<640x128xf32, #tpu.memory_space<vmem_shared>>
          tpu.enqueue_dma source(%arg4 : memref<640x128xf32, #tpu.memory_space<hbm>>) target(%dma_start3A_212 : memref<640x128xf32, #tpu.memory_space<vmem_shared>>) target_semaphore(%run_scoped3A : memref<!tpu.dma_semaphore, #tpu.memory_space<semaphore_mem>>)
          %dma_wait3A = arith.constant 0 : i32
          %dma_wait3A_213 = tpu.memref_slice %arg9[%mul3A_210, %dma_wait3A] : memref<10240x128xf32, #tpu.memory_space<vmem_shared>> -> memref<640x128xf32, #tpu.memory_space<vmem_shared>>
          tpu.wait_dma2 semaphore(%run_scoped3A : memref<!tpu.dma_semaphore, #tpu.memory_space<semaphore_mem>>) src(%arg4 : memref<640x128xf32, #tpu.memory_space<hbm>>) dst(%dma_wait3A_213 : memref<640x128xf32, #tpu.memory_space<vmem_shared>>)
          tpu.yield
        }) : () -> ()
        %barrier3A_211 = arith.constant 0 : index
        tpu.barrier barrier_id(%barrier3A_211)
      } else {
      }
      %sub3A = arith.constant 1 : i32
      %sub3A_68 = arith.subi %scan3A_14, %sub3A : i32
      %jit3A_69 = arith.constant 8 : i32
      %div3A = arith.divsi %sub3A_68, %jit3A_69 : i32
      %sign3A = arith.constant 0 : i32
      %sign3A_70 = arith.cmpi sgt, %sub3A_68, %sign3A : i32
      %sign3A_71 = arith.extui %sign3A_70 : i1 to i32
      %sign3A_72 = arith.constant 0 : i32
      %sign3A_73 = arith.cmpi slt, %sub3A_68, %sign3A_72 : i32
      %sign3A_74 = arith.extui %sign3A_73 : i1 to i32
      %sign3A_75 = arith.subi %sign3A_71, %sign3A_74 : i32
      %sign3A_76 = arith.constant 0 : i32
      %sign3A_77 = arith.cmpi sgt, %jit3A_69, %sign3A_76 : i32
      %sign3A_78 = arith.extui %sign3A_77 : i1 to i32
      %sign3A_79 = arith.constant 0 : i32
      %sign3A_80 = arith.cmpi slt, %jit3A_69, %sign3A_79 : i32
      %sign3A_81 = arith.extui %sign3A_80 : i1 to i32
      %sign3A_82 = arith.subi %sign3A_78, %sign3A_81 : i32
      %ne3A_83 = arith.cmpi ne, %sign3A_75, %sign3A_82 : i32
      %rem3A_84 = arith.remsi %sub3A_68, %jit3A_69 : i32
      %ne3A_85 = arith.constant 0 : i32
      %ne3A_86 = arith.cmpi ne, %rem3A_84, %ne3A_85 : i32
      %and3A_87 = arith.andi %ne3A_83, %ne3A_86 : i1
      %sub3A_88 = arith.constant 1 : i32
      %sub3A_89 = arith.subi %div3A, %sub3A_88 : i32
      %select_n3A_90 = arith.select %and3A_87, %sub3A_89, %div3A : i32
      %jit3A_91 = arith.constant 2 : i32
      %eq3A_92 = arith.constant 0 : i32
      %eq3A_93 = arith.cmpi eq, %jit3A_91, %eq3A_92 : i32
      %jit3A_94 = arith.constant 1 : i32
      %select_n3A_95 = arith.select %eq3A_93, %jit3A_94, %jit3A_91 : i32
      %rem3A_96 = arith.remsi %select_n3A_90, %select_n3A_95 : i32
      %ne3A_97 = arith.constant 0 : i32
      %ne3A_98 = arith.cmpi ne, %rem3A_96, %ne3A_97 : i32
      %lt3A_99 = arith.constant 0 : i32
      %lt3A_100 = arith.cmpi slt, %rem3A_96, %lt3A_99 : i32
      %lt3A_101 = arith.constant 0 : i32
      %lt3A_102 = arith.cmpi slt, %select_n3A_95, %lt3A_101 : i32
      %ne3A_103 = arith.xori %lt3A_100, %lt3A_102 : i1
      %and3A_104 = arith.andi %ne3A_103, %ne3A_98 : i1
      %add3A_105 = arith.addi %rem3A_96, %select_n3A_95 : i32
      %select_n3A_106 = arith.select %and3A_104, %add3A_105, %rem3A_96 : i32
      %mul3A_107 = arith.constant 8 : i32
      %mul3A_108 = arith.muli %select_n3A_106, %mul3A_107 : i32
      %jit3A_109 = arith.constant 8 : i32
      %eq3A_110 = arith.constant 0 : i32
      %eq3A_111 = arith.cmpi eq, %jit3A_109, %eq3A_110 : i32
      %jit3A_112 = arith.constant 1 : i32
      %select_n3A_113 = arith.select %eq3A_111, %jit3A_112, %jit3A_109 : i32
      %rem3A_114 = arith.remsi %sub3A_68, %select_n3A_113 : i32
      %ne3A_115 = arith.constant 0 : i32
      %ne3A_116 = arith.cmpi ne, %rem3A_114, %ne3A_115 : i32
      %lt3A_117 = arith.constant 0 : i32
      %lt3A_118 = arith.cmpi slt, %rem3A_114, %lt3A_117 : i32
      %lt3A_119 = arith.constant 0 : i32
      %lt3A_120 = arith.cmpi slt, %select_n3A_113, %lt3A_119 : i32
      %ne3A_121 = arith.xori %lt3A_118, %lt3A_120 : i1
      %and3A_122 = arith.andi %ne3A_121, %ne3A_116 : i1
      %add3A_123 = arith.addi %rem3A_114, %select_n3A_113 : i32
      %select_n3A_124 = arith.select %and3A_122, %add3A_123, %rem3A_114 : i32
      %add3A_125 = arith.addi %mul3A_108, %select_n3A_124 : i32
      %mul3A_126 = arith.constant 2 : i32
      %mul3A_127 = arith.muli %add3A_125, %mul3A_126 : i32
      %jit3A_128 = arith.constant 8 : i32
      %div3A_129 = arith.divsi %scan3A_14, %jit3A_128 : i32
      %sign3A_130 = arith.constant 0 : i32
      %sign3A_131 = arith.cmpi sgt, %scan3A_14, %sign3A_130 : i32
      %sign3A_132 = arith.extui %sign3A_131 : i1 to i32
      %sign3A_133 = arith.constant 0 : i32
      %sign3A_134 = arith.cmpi slt, %scan3A_14, %sign3A_133 : i32
      %sign3A_135 = arith.extui %sign3A_134 : i1 to i32
      %sign3A_136 = arith.subi %sign3A_132, %sign3A_135 : i32
      %sign3A_137 = arith.constant 0 : i32
      %sign3A_138 = arith.cmpi sgt, %jit3A_128, %sign3A_137 : i32
      %sign3A_139 = arith.extui %sign3A_138 : i1 to i32
      %sign3A_140 = arith.constant 0 : i32
      %sign3A_141 = arith.cmpi slt, %jit3A_128, %sign3A_140 : i32
      %sign3A_142 = arith.extui %sign3A_141 : i1 to i32
      %sign3A_143 = arith.subi %sign3A_139, %sign3A_142 : i32
      %ne3A_144 = arith.cmpi ne, %sign3A_136, %sign3A_143 : i32
      %rem3A_145 = arith.remsi %scan3A_14, %jit3A_128 : i32
      %ne3A_146 = arith.constant 0 : i32
      %ne3A_147 = arith.cmpi ne, %rem3A_145, %ne3A_146 : i32
      %and3A_148 = arith.andi %ne3A_144, %ne3A_147 : i1
      %sub3A_149 = arith.constant 1 : i32
      %sub3A_150 = arith.subi %div3A_129, %sub3A_149 : i32
      %select_n3A_151 = arith.select %and3A_148, %sub3A_150, %div3A_129 : i32
      %jit3A_152 = arith.constant 2 : i32
      %eq3A_153 = arith.constant 0 : i32
      %eq3A_154 = arith.cmpi eq, %jit3A_152, %eq3A_153 : i32
      %jit3A_155 = arith.constant 1 : i32
      %select_n3A_156 = arith.select %eq3A_154, %jit3A_155, %jit3A_152 : i32
      %rem3A_157 = arith.remsi %select_n3A_151, %select_n3A_156 : i32
      %ne3A_158 = arith.constant 0 : i32
      %ne3A_159 = arith.cmpi ne, %rem3A_157, %ne3A_158 : i32
      %lt3A_160 = arith.constant 0 : i32
      %lt3A_161 = arith.cmpi slt, %rem3A_157, %lt3A_160 : i32
      %lt3A_162 = arith.constant 0 : i32
      %lt3A_163 = arith.cmpi slt, %select_n3A_156, %lt3A_162 : i32
      %ne3A_164 = arith.xori %lt3A_161, %lt3A_163 : i1
      %and3A_165 = arith.andi %ne3A_164, %ne3A_159 : i1
      %add3A_166 = arith.addi %rem3A_157, %select_n3A_156 : i32
      %select_n3A_167 = arith.select %and3A_165, %add3A_166, %rem3A_157 : i32
      %mul3A_168 = arith.constant 8 : i32
      %mul3A_169 = arith.muli %select_n3A_167, %mul3A_168 : i32
      %jit3A_170 = arith.constant 8 : i32
      %eq3A_171 = arith.constant 0 : i32
      %eq3A_172 = arith.cmpi eq, %jit3A_170, %eq3A_171 : i32
      %jit3A_173 = arith.constant 1 : i32
      %select_n3A_174 = arith.select %eq3A_172, %jit3A_173, %jit3A_170 : i32
      %rem3A_175 = arith.remsi %scan3A_14, %select_n3A_174 : i32
      %ne3A_176 = arith.constant 0 : i32
      %ne3A_177 = arith.cmpi ne, %rem3A_175, %ne3A_176 : i32
      %lt3A_178 = arith.constant 0 : i32
      %lt3A_179 = arith.cmpi slt, %rem3A_175, %lt3A_178 : i32
      %lt3A_180 = arith.constant 0 : i32
      %lt3A_181 = arith.cmpi slt, %select_n3A_174, %lt3A_180 : i32
      %ne3A_182 = arith.xori %lt3A_179, %lt3A_181 : i1
      %and3A_183 = arith.andi %ne3A_182, %ne3A_177 : i1
      %add3A_184 = arith.addi %rem3A_175, %select_n3A_174 : i32
      %select_n3A_185 = arith.select %and3A_183, %add3A_184, %rem3A_175 : i32
      %add3A_186 = arith.addi %mul3A_169, %select_n3A_185 : i32
      %mul3A_187 = arith.constant 2 : i32
      %mul3A_188 = arith.muli %add3A_186, %mul3A_187 : i32
      %gt3A_189 = arith.constant 0 : i32
      %gt3A_190 = arith.cmpi sgt, %scan3A_14, %gt3A_189 : i32
      %convert_element_type3A_191 = arith.extui %gt3A_190 : i1 to i32
      %cond3A_192 = arith.constant 0 : i32
      %cond3A_193 = arith.cmpi ne, %convert_element_type3A_191, %cond3A_192 : i32
      scf.if %cond3A_193 {
        %dma_wait3A = arith.constant 0 : i32
        %dma_wait3A_209 = arith.constant 0 : i32
        %dma_wait3A_210 = arith.constant 0 : i32
        %dma_wait3A_211 = arith.constant 0 : i32
        %dma_wait3A_212 = tpu.memref_slice %arg8[%dma_wait3A_210, %dma_wait3A_211] : memref<256x128xf32, #tpu.memory_space<vmem>> -> memref<128x128xf32, #tpu.memory_space<vmem>>
        %dma_wait3A_213 = arith.constant 0 : i32
        %dma_wait3A_214 = tpu.memref_slice %arg6[%dma_wait3A, %dma_wait3A_213] : memref<32x128xi32, #tpu.memory_space<vmem>> -> memref<1x128xi32, #tpu.memory_space<vmem>>
        %dma_wait3A_215 = tpu.memref_squeeze %dma_wait3A_214 : memref<1x128xi32, #tpu.memory_space<vmem>> -> memref<128xi32, #tpu.memory_space<vmem>>
        %dma_wait3A_216 = arith.constant 0 : i32
        %dma_wait3A_217 = arith.constant 0 : i32
        %dma_wait3A_218 = tpu.memref_slice %arg3[%dma_wait3A_216, %dma_wait3A_217] : memref<10240x128xf32, #tpu.memory_space<hbm>> -> memref<10240x128xf32, #tpu.memory_space<hbm>>
        %dma_wait3A_219 = tpu.memref_slice %arg10[%dma_wait3A_209] : memref<2x!tpu.dma_semaphore, #tpu.memory_space<semaphore_mem>> -> memref<1x!tpu.dma_semaphore, #tpu.memory_space<semaphore_mem>>
        %dma_wait3A_220 = tpu.memref_squeeze %dma_wait3A_219 : memref<1x!tpu.dma_semaphore, #tpu.memory_space<semaphore_mem>> -> memref<!tpu.dma_semaphore, #tpu.memory_space<semaphore_mem>>
        tpu.wait_indirect_dma semaphore(%dma_wait3A_220 : memref<!tpu.dma_semaphore, #tpu.memory_space<semaphore_mem>>) src(%dma_wait3A_218 : memref<10240x128xf32, #tpu.memory_space<hbm>>) dst(%dma_wait3A_212 : memref<128x128xf32, #tpu.memory_space<vmem>>)
        %add3A_221 = arith.constant 0 : i32
        %add3A_222 = arith.addi %mul3A_127, %add3A_221 : i32
        "tpu.region"() ({
          %run_scoped3A = tpu.sem_alloc : memref<!tpu.dma_semaphore, #tpu.memory_space<semaphore_mem>>
          %dma_start3A = arith.constant 0 : i32
          %dma_start3A_223 = arith.constant 0 : i32
          %dma_start3A_224 = tpu.memref_slice %arg8[%dma_start3A, %dma_start3A_223] : memref<256x128xf32, #tpu.memory_space<vmem>> -> memref<128x128xf32, #tpu.memory_space<vmem>>
          %dma_start3A_225 = arith.constant 0 : i32
          %dma_start3A_226 = tpu.memref_slice %arg7[%add3A_222, %dma_start3A_225] : memref<32x128xi32, #tpu.memory_space<vmem>> -> memref<1x128xi32, #tpu.memory_space<vmem>>
          %dma_start3A_227 = tpu.memref_squeeze %dma_start3A_226 : memref<1x128xi32, #tpu.memory_space<vmem>> -> memref<128xi32, #tpu.memory_space<vmem>>
          %dma_start3A_228 = arith.constant 0 : i32
          %dma_start3A_229 = arith.constant 0 : i32
          %dma_start3A_230 = tpu.memref_slice %arg9[%dma_start3A_228, %dma_start3A_229] : memref<10240x128xf32, #tpu.memory_space<vmem_shared>> -> memref<10240x128xf32, #tpu.memory_space<vmem_shared>>
          tpu.enqueue_indirect_dma source(%dma_start3A_224 : memref<128x128xf32, #tpu.memory_space<vmem>>) target(%dma_start3A_230 : memref<10240x128xf32, #tpu.memory_space<vmem_shared>>) offsets(%dma_start3A_227 : memref<128xi32, #tpu.memory_space<vmem>>) semaphore(%run_scoped3A : memref<!tpu.dma_semaphore, #tpu.memory_space<semaphore_mem>>) {add = true}
          %dma_wait3A_231 = arith.constant 0 : i32
          %dma_wait3A_232 = arith.constant 0 : i32
          %dma_wait3A_233 = tpu.memref_slice %arg8[%dma_wait3A_231, %dma_wait3A_232] : memref<256x128xf32, #tpu.memory_space<vmem>> -> memref<128x128xf32, #tpu.memory_space<vmem>>
          %dma_wait3A_234 = arith.constant 0 : i32
          %dma_wait3A_235 = tpu.memref_slice %arg7[%add3A_222, %dma_wait3A_234] : memref<32x128xi32, #tpu.memory_space<vmem>> -> memref<1x128xi32, #tpu.memory_space<vmem>>
          %dma_wait3A_236 = tpu.memref_squeeze %dma_wait3A_235 : memref<1x128xi32, #tpu.memory_space<vmem>> -> memref<128xi32, #tpu.memory_space<vmem>>
          %dma_wait3A_237 = arith.constant 0 : i32
          %dma_wait3A_238 = arith.constant 0 : i32
          %dma_wait3A_239 = tpu.memref_slice %arg9[%dma_wait3A_237, %dma_wait3A_238] : memref<10240x128xf32, #tpu.memory_space<vmem_shared>> -> memref<10240x128xf32, #tpu.memory_space<vmem_shared>>
          tpu.wait_indirect_dma semaphore(%run_scoped3A : memref<!tpu.dma_semaphore, #tpu.memory_space<semaphore_mem>>) src(%dma_wait3A_233 : memref<128x128xf32, #tpu.memory_space<vmem>>) dst(%dma_wait3A_239 : memref<10240x128xf32, #tpu.memory_space<vmem_shared>>)
          tpu.yield
        }) : () -> ()
      } else {
      }
      %lt3A_194 = arith.constant 40 : i32
      %lt3A_195 = arith.cmpi slt, %scan3A_14, %lt3A_194 : i32
      %convert_element_type3A_196 = arith.extui %lt3A_195 : i1 to i32
      %cond3A_197 = arith.constant 0 : i32
      %cond3A_198 = arith.cmpi ne, %convert_element_type3A_196, %cond3A_197 : i32
      scf.if %cond3A_198 {
        %add3A_209 = arith.constant 0 : i32
        %add3A_210 = arith.addi %mul3A_188, %add3A_209 : i32
        %dma_start3A = arith.constant 0 : i32
        %dma_start3A_211 = arith.constant 0 : i32
        %dma_start3A_212 = arith.constant 0 : i32
        %dma_start3A_213 = tpu.memref_slice %arg8[%dma_start3A_211, %dma_start3A_212] : memref<256x128xf32, #tpu.memory_space<vmem>> -> memref<128x128xf32, #tpu.memory_space<vmem>>
        %dma_start3A_214 = arith.constant 0 : i32
        %dma_start3A_215 = tpu.memref_slice %arg6[%add3A_210, %dma_start3A_214] : memref<32x128xi32, #tpu.memory_space<vmem>> -> memref<1x128xi32, #tpu.memory_space<vmem>>
        %dma_start3A_216 = tpu.memref_squeeze %dma_start3A_215 : memref<1x128xi32, #tpu.memory_space<vmem>> -> memref<128xi32, #tpu.memory_space<vmem>>
        %dma_start3A_217 = arith.constant 0 : i32
        %dma_start3A_218 = arith.constant 0 : i32
        %dma_start3A_219 = tpu.memref_slice %arg3[%dma_start3A_217, %dma_start3A_218] : memref<10240x128xf32, #tpu.memory_space<hbm>> -> memref<10240x128xf32, #tpu.memory_space<hbm>>
        %dma_start3A_220 = tpu.memref_slice %arg10[%dma_start3A] : memref<2x!tpu.dma_semaphore, #tpu.memory_space<semaphore_mem>> -> memref<1x!tpu.dma_semaphore, #tpu.memory_space<semaphore_mem>>
        %dma_start3A_221 = tpu.memref_squeeze %dma_start3A_220 : memref<1x!tpu.dma_semaphore, #tpu.memory_space<semaphore_mem>> -> memref<!tpu.dma_semaphore, #tpu.memory_space<semaphore_mem>>
        tpu.enqueue_indirect_dma source(%dma_start3A_219 : memref<10240x128xf32, #tpu.memory_space<hbm>>) target(%dma_start3A_213 : memref<128x128xf32, #tpu.memory_space<vmem>>) offsets(%dma_start3A_216 : memref<128xi32, #tpu.memory_space<vmem>>) semaphore(%dma_start3A_221 : memref<!tpu.dma_semaphore, #tpu.memory_space<semaphore_mem>>)
      } else {
      }
      %gt3A_199 = arith.constant 0 : i32
      %gt3A_200 = arith.cmpi sgt, %scan3A_14, %gt3A_199 : i32
      %convert_element_type3A_201 = arith.extui %gt3A_200 : i1 to i32
      %cond3A_202 = arith.constant 0 : i32
      %cond3A_203 = arith.cmpi ne, %convert_element_type3A_201, %cond3A_202 : i32
      scf.if %cond3A_203 {
        %dma_wait3A = arith.constant 0 : i32
        %dma_wait3A_209 = arith.constant 1 : i32
        %dma_wait3A_210 = arith.constant 0 : i32
        %dma_wait3A_211 = arith.constant 0 : i32
        %dma_wait3A_212 = tpu.memref_slice %arg8[%dma_wait3A_210, %dma_wait3A_211] : memref<256x128xf32, #tpu.memory_space<vmem>> -> memref<128x128xf32, #tpu.memory_space<vmem>>
        %dma_wait3A_213 = arith.constant 0 : i32
        %dma_wait3A_214 = tpu.memref_slice %arg6[%dma_wait3A, %dma_wait3A_213] : memref<32x128xi32, #tpu.memory_space<vmem>> -> memref<1x128xi32, #tpu.memory_space<vmem>>
        %dma_wait3A_215 = tpu.memref_squeeze %dma_wait3A_214 : memref<1x128xi32, #tpu.memory_space<vmem>> -> memref<128xi32, #tpu.memory_space<vmem>>
        %dma_wait3A_216 = arith.constant 0 : i32
        %dma_wait3A_217 = arith.constant 0 : i32
        %dma_wait3A_218 = tpu.memref_slice %arg3[%dma_wait3A_216, %dma_wait3A_217] : memref<10240x128xf32, #tpu.memory_space<hbm>> -> memref<10240x128xf32, #tpu.memory_space<hbm>>
        %dma_wait3A_219 = tpu.memref_slice %arg10[%dma_wait3A_209] : memref<2x!tpu.dma_semaphore, #tpu.memory_space<semaphore_mem>> -> memref<1x!tpu.dma_semaphore, #tpu.memory_space<semaphore_mem>>
        %dma_wait3A_220 = tpu.memref_squeeze %dma_wait3A_219 : memref<1x!tpu.dma_semaphore, #tpu.memory_space<semaphore_mem>> -> memref<!tpu.dma_semaphore, #tpu.memory_space<semaphore_mem>>
        tpu.wait_indirect_dma semaphore(%dma_wait3A_220 : memref<!tpu.dma_semaphore, #tpu.memory_space<semaphore_mem>>) src(%dma_wait3A_218 : memref<10240x128xf32, #tpu.memory_space<hbm>>) dst(%dma_wait3A_212 : memref<128x128xf32, #tpu.memory_space<vmem>>)
        %add3A_221 = arith.constant 1 : i32
        %add3A_222 = arith.addi %mul3A_127, %add3A_221 : i32
        "tpu.region"() ({
          %run_scoped3A = tpu.sem_alloc : memref<!tpu.dma_semaphore, #tpu.memory_space<semaphore_mem>>
          %dma_start3A = arith.constant 128 : i32
          %dma_start3A_223 = arith.constant 0 : i32
          %dma_start3A_224 = tpu.memref_slice %arg8[%dma_start3A, %dma_start3A_223] : memref<256x128xf32, #tpu.memory_space<vmem>> -> memref<128x128xf32, #tpu.memory_space<vmem>>
          %dma_start3A_225 = arith.constant 0 : i32
          %dma_start3A_226 = tpu.memref_slice %arg7[%add3A_222, %dma_start3A_225] : memref<32x128xi32, #tpu.memory_space<vmem>> -> memref<1x128xi32, #tpu.memory_space<vmem>>
          %dma_start3A_227 = tpu.memref_squeeze %dma_start3A_226 : memref<1x128xi32, #tpu.memory_space<vmem>> -> memref<128xi32, #tpu.memory_space<vmem>>
          %dma_start3A_228 = arith.constant 0 : i32
          %dma_start3A_229 = arith.constant 0 : i32
          %dma_start3A_230 = tpu.memref_slice %arg9[%dma_start3A_228, %dma_start3A_229] : memref<10240x128xf32, #tpu.memory_space<vmem_shared>> -> memref<10240x128xf32, #tpu.memory_space<vmem_shared>>
          tpu.enqueue_indirect_dma source(%dma_start3A_224 : memref<128x128xf32, #tpu.memory_space<vmem>>) target(%dma_start3A_230 : memref<10240x128xf32, #tpu.memory_space<vmem_shared>>) offsets(%dma_start3A_227 : memref<128xi32, #tpu.memory_space<vmem>>) semaphore(%run_scoped3A : memref<!tpu.dma_semaphore, #tpu.memory_space<semaphore_mem>>) {add = true}
          %dma_wait3A_231 = arith.constant 128 : i32
          %dma_wait3A_232 = arith.constant 0 : i32
          %dma_wait3A_233 = tpu.memref_slice %arg8[%dma_wait3A_231, %dma_wait3A_232] : memref<256x128xf32, #tpu.memory_space<vmem>> -> memref<128x128xf32, #tpu.memory_space<vmem>>
          %dma_wait3A_234 = arith.constant 0 : i32
          %dma_wait3A_235 = tpu.memref_slice %arg7[%add3A_222, %dma_wait3A_234] : memref<32x128xi32, #tpu.memory_space<vmem>> -> memref<1x128xi32, #tpu.memory_space<vmem>>
          %dma_wait3A_236 = tpu.memref_squeeze %dma_wait3A_235 : memref<1x128xi32, #tpu.memory_space<vmem>> -> memref<128xi32, #tpu.memory_space<vmem>>
          %dma_wait3A_237 = arith.constant 0 : i32
          %dma_wait3A_238 = arith.constant 0 : i32
          %dma_wait3A_239 = tpu.memref_slice %arg9[%dma_wait3A_237, %dma_wait3A_238] : memref<10240x128xf32, #tpu.memory_space<vmem_shared>> -> memref<10240x128xf32, #tpu.memory_space<vmem_shared>>
          tpu.wait_indirect_dma semaphore(%run_scoped3A : memref<!tpu.dma_semaphore, #tpu.memory_space<semaphore_mem>>) src(%dma_wait3A_233 : memref<128x128xf32, #tpu.memory_space<vmem>>) dst(%dma_wait3A_239 : memref<10240x128xf32, #tpu.memory_space<vmem_shared>>)
          tpu.yield
        }) : () -> ()
      } else {
      }
      %lt3A_204 = arith.constant 40 : i32
      %lt3A_205 = arith.cmpi slt, %scan3A_14, %lt3A_204 : i32
      %convert_element_type3A_206 = arith.extui %lt3A_205 : i1 to i32
      %cond3A_207 = arith.constant 0 : i32
      %cond3A_208 = arith.cmpi ne, %convert_element_type3A_206, %cond3A_207 : i32
      scf.if %cond3A_208 {
        %add3A_209 = arith.constant 1 : i32
        %add3A_210 = arith.addi %mul3A_188, %add3A_209 : i32
        %dma_start3A = arith.constant 1 : i32
        %dma_start3A_211 = arith.constant 128 : i32
        %dma_start3A_212 = arith.constant 0 : i32
        %dma_start3A_213 = tpu.memref_slice %arg8[%dma_start3A_211, %dma_start3A_212] : memref<256x128xf32, #tpu.memory_space<vmem>> -> memref<128x128xf32, #tpu.memory_space<vmem>>
        %dma_start3A_214 = arith.constant 0 : i32
        %dma_start3A_215 = tpu.memref_slice %arg6[%add3A_210, %dma_start3A_214] : memref<32x128xi32, #tpu.memory_space<vmem>> -> memref<1x128xi32, #tpu.memory_space<vmem>>
        %dma_start3A_216 = tpu.memref_squeeze %dma_start3A_215 : memref<1x128xi32, #tpu.memory_space<vmem>> -> memref<128xi32, #tpu.memory_space<vmem>>
        %dma_start3A_217 = arith.constant 0 : i32
        %dma_start3A_218 = arith.constant 0 : i32
        %dma_start3A_219 = tpu.memref_slice %arg3[%dma_start3A_217, %dma_start3A_218] : memref<10240x128xf32, #tpu.memory_space<hbm>> -> memref<10240x128xf32, #tpu.memory_space<hbm>>
        %dma_start3A_220 = tpu.memref_slice %arg10[%dma_start3A] : memref<2x!tpu.dma_semaphore, #tpu.memory_space<semaphore_mem>> -> memref<1x!tpu.dma_semaphore, #tpu.memory_space<semaphore_mem>>
        %dma_start3A_221 = tpu.memref_squeeze %dma_start3A_220 : memref<1x!tpu.dma_semaphore, #tpu.memory_space<semaphore_mem>> -> memref<!tpu.dma_semaphore, #tpu.memory_space<semaphore_mem>>
        tpu.enqueue_indirect_dma source(%dma_start3A_219 : memref<10240x128xf32, #tpu.memory_space<hbm>>) target(%dma_start3A_213 : memref<128x128xf32, #tpu.memory_space<vmem>>) offsets(%dma_start3A_216 : memref<128xi32, #tpu.memory_space<vmem>>) semaphore(%dma_start3A_221 : memref<!tpu.dma_semaphore, #tpu.memory_space<semaphore_mem>>)
      } else {
      }
    }
    %scan3A_9 = arith.constant 41 : i32
    %barrier3A = arith.constant 0 : index
    tpu.barrier barrier_id(%barrier3A)
    %mul3A_10 = arith.constant 640 : i32
    %mul3A_11 = arith.muli %arg1, %mul3A_10 : i32
    %mul3A_12 = arith.constant 640 : i32
    %mul3A_13 = arith.muli %arg1, %mul3A_12 : i32
    "tpu.region"() ({
      %run_scoped3A = tpu.sem_alloc : memref<!tpu.dma_semaphore, #tpu.memory_space<semaphore_mem>>
      %dma_start3A = arith.constant 0 : i32
      %dma_start3A_14 = tpu.memref_slice %arg5[%arg0, %mul3A_13, %dma_start3A] : memref<2x10240x128xf32, #tpu.memory_space<hbm>> -> memref<1x640x128xf32, #tpu.memory_space<hbm>>
      %dma_start3A_15 = tpu.memref_squeeze %dma_start3A_14 : memref<1x640x128xf32, #tpu.memory_space<hbm>> -> memref<640x128xf32, #tpu.memory_space<hbm>>
      %dma_start3A_16 = arith.constant 0 : i32
      %dma_start3A_17 = tpu.memref_slice %arg9[%mul3A_11, %dma_start3A_16] : memref<10240x128xf32, #tpu.memory_space<vmem_shared>> -> memref<640x128xf32, #tpu.memory_space<vmem_shared>>
      tpu.enqueue_dma source(%dma_start3A_17 : memref<640x128xf32, #tpu.memory_space<vmem_shared>>) target(%dma_start3A_15 : memref<640x128xf32, #tpu.memory_space<hbm>>) target_semaphore(%run_scoped3A : memref<!tpu.dma_semaphore, #tpu.memory_space<semaphore_mem>>)
      %dma_wait3A = arith.constant 0 : i32
      %dma_wait3A_18 = tpu.memref_slice %arg5[%arg0, %mul3A_13, %dma_wait3A] : memref<2x10240x128xf32, #tpu.memory_space<hbm>> -> memref<1x640x128xf32, #tpu.memory_space<hbm>>
      %dma_wait3A_19 = tpu.memref_squeeze %dma_wait3A_18 : memref<1x640x128xf32, #tpu.memory_space<hbm>> -> memref<640x128xf32, #tpu.memory_space<hbm>>
      %dma_wait3A_20 = arith.constant 0 : i32
      %dma_wait3A_21 = tpu.memref_slice %arg9[%mul3A_11, %dma_wait3A_20] : memref<10240x128xf32, #tpu.memory_space<vmem_shared>> -> memref<640x128xf32, #tpu.memory_space<vmem_shared>>
      tpu.wait_dma2 semaphore(%run_scoped3A : memref<!tpu.dma_semaphore, #tpu.memory_space<semaphore_mem>>) src(%dma_wait3A_21 : memref<640x128xf32, #tpu.memory_space<vmem_shared>>) dst(%dma_wait3A_19 : memref<640x128xf32, #tpu.memory_space<hbm>>)
      tpu.yield
    }) : () -> ()
    return
  }
}

#map = affine_map<(d0, d1) -> (0, 0)>
#map1 = affine_map<(d0, d1) -> (0, 0, 0)>
module attributes {stable_mosaic.version = 14 : i64} {
  func.func @_sc_scatter_body(%arg0: i32, %arg1: i32, %arg2: memref<5120x128xi32, #tpu.memory_space<hbm>>, %arg3: memref<10240x128xf32, #tpu.memory_space<hbm>>, %arg4: memref<640x128xf32, #tpu.memory_space<hbm>>, %arg5: memref<2x10240x128xf32, #tpu.memory_space<hbm>>, %arg6: memref<32x128xi32, #tpu.memory_space<vmem>>, %arg7: memref<32x128xi32, #tpu.memory_space<vmem>>, %arg8: memref<256x128xf32, #tpu.memory_space<vmem>>, %arg9: memref<10240x128xf32, #tpu.memory_space<vmem_shared>>, %arg10: memref<2x!tpu.dma_semaphore, #tpu.memory_space<semaphore_mem>>, %arg11: memref<2x!tpu.dma_semaphore, #tpu.memory_space<semaphore_mem>>) attributes {dimension_semantics = [#tpu.dimension_semantics<core_parallel>, #tpu.dimension_semantics<subcore_parallel>], iteration_bounds = array<i64: 2, 16>, scalar_prefetch = 0 : i64, scratch_operands = 6 : i64, tpu.core_type = #tpu.core_type<sc_vector_subcore>, window_params = [{transform_indices = #map}, {transform_indices = #map}, {transform_indices = #map}, {transform_indices = #map1}]} {
    %mul3A = arith.constant 16 : i32
    %mul3A_0 = arith.muli %arg0, %mul3A : i32
    %add3A = arith.addi %mul3A_0, %arg1 : i32
    %mul3A_1 = arith.constant 2 : i32
    %mul3A_2 = arith.muli %add3A, %mul3A_1 : i32
    %mul3A_3 = arith.constant 80 : i32
    %mul3A_4 = arith.muli %mul3A_2, %mul3A_3 : i32
    %scan3A = arith.constant 0 : i32
    %scan3A_5 = arith.constant 0 : i32
    %scan3A_6 = arith.constant 41 : i32
    %scan3A_7 = arith.addi %scan3A_5, %scan3A_6 : i32
    %scan3A_8 = arith.constant 1 : i32
    scf.for %scan3A_14 = %scan3A_5 to %scan3A_7 step %scan3A_8  : i32 {
      %eq3A = arith.constant 0 : i32
      %eq3A_15 = arith.cmpi eq, %scan3A_14, %eq3A : i32
      %convert_element_type3A = arith.extui %eq3A_15 : i1 to i32
      %cond3A = arith.constant 0 : i32
      %cond3A_16 = arith.cmpi ne, %convert_element_type3A, %cond3A : i32
      scf.if %cond3A_16 {
        "tpu.region"() ({
          %run_scoped3A = tpu.sem_alloc : memref<!tpu.dma_semaphore, #tpu.memory_space<semaphore_mem>>
          %dma_start3A = arith.constant 0 : i32
          %dma_start3A_211 = arith.constant 0 : i32
          %dma_start3A_212 = tpu.memref_slice %arg6[%dma_start3A, %dma_start3A_211] : memref<32x128xi32, #tpu.memory_space<vmem>> -> memref<16x128xi32, #tpu.memory_space<vmem>>
          %dma_start3A_213 = arith.constant 0 : i32
          %dma_start3A_214 = tpu.memref_slice %arg2[%mul3A_4, %dma_start3A_213] : memref<5120x128xi32, #tpu.memory_space<hbm>> -> memref<16x128xi32, #tpu.memory_space<hbm>>
          %dma_start3A_215 = arith.constant 0 : i32
          %dma_start3A_216 = arith.constant 0 : i32
          %dma_start3A_217 = tpu.memref_slice %arg6[%dma_start3A_215, %dma_start3A_216] : memref<32x128xi32, #tpu.memory_space<vmem>> -> memref<16x128xi32, #tpu.memory_space<vmem>>
          %dma_start3A_218 = arith.constant 0 : i32
          %dma_start3A_219 = tpu.memref_slice %arg2[%mul3A_4, %dma_start3A_218] : memref<5120x128xi32, #tpu.memory_space<hbm>> -> memref<16x128xi32, #tpu.memory_space<hbm>>
          tpu.enqueue_dma source(%dma_start3A_219 : memref<16x128xi32, #tpu.memory_space<hbm>>) target(%dma_start3A_217 : memref<16x128xi32, #tpu.memory_space<vmem>>) target_semaphore(%run_scoped3A : memref<!tpu.dma_semaphore, #tpu.memory_space<semaphore_mem>>)
          %dma_wait3A = arith.constant 0 : i32
          %dma_wait3A_220 = arith.constant 0 : i32
          %dma_wait3A_221 = tpu.memref_slice %arg6[%dma_wait3A, %dma_wait3A_220] : memref<32x128xi32, #tpu.memory_space<vmem>> -> memref<16x128xi32, #tpu.memory_space<vmem>>
          %dma_wait3A_222 = arith.constant 0 : i32
          %dma_wait3A_223 = tpu.memref_slice %arg2[%mul3A_4, %dma_wait3A_222] : memref<5120x128xi32, #tpu.memory_space<hbm>> -> memref<16x128xi32, #tpu.memory_space<hbm>>
          %dma_wait3A_224 = arith.constant 0 : i32
          %dma_wait3A_225 = arith.constant 0 : i32
          %dma_wait3A_226 = tpu.memref_slice %arg6[%dma_wait3A_224, %dma_wait3A_225] : memref<32x128xi32, #tpu.memory_space<vmem>> -> memref<16x128xi32, #tpu.memory_space<vmem>>
          %dma_wait3A_227 = arith.constant 0 : i32
          %dma_wait3A_228 = tpu.memref_slice %arg2[%mul3A_4, %dma_wait3A_227] : memref<5120x128xi32, #tpu.memory_space<hbm>> -> memref<16x128xi32, #tpu.memory_space<hbm>>
          tpu.wait_dma2 semaphore(%run_scoped3A : memref<!tpu.dma_semaphore, #tpu.memory_space<semaphore_mem>>) src(%dma_wait3A_228 : memref<16x128xi32, #tpu.memory_space<hbm>>) dst(%dma_wait3A_226 : memref<16x128xi32, #tpu.memory_space<vmem>>)
          tpu.yield
        }) : () -> ()
        %add3A_209 = arith.constant 80 : i32
        %add3A_210 = arith.addi %mul3A_4, %add3A_209 : i32
        "tpu.region"() ({
          %run_scoped3A = tpu.sem_alloc : memref<!tpu.dma_semaphore, #tpu.memory_space<semaphore_mem>>
          %dma_start3A = arith.constant 0 : i32
          %dma_start3A_211 = arith.constant 0 : i32
          %dma_start3A_212 = tpu.memref_slice %arg7[%dma_start3A, %dma_start3A_211] : memref<32x128xi32, #tpu.memory_space<vmem>> -> memref<16x128xi32, #tpu.memory_space<vmem>>
          %dma_start3A_213 = arith.constant 0 : i32
          %dma_start3A_214 = tpu.memref_slice %arg2[%add3A_210, %dma_start3A_213] : memref<5120x128xi32, #tpu.memory_space<hbm>> -> memref<16x128xi32, #tpu.memory_space<hbm>>
          %dma_start3A_215 = arith.constant 0 : i32
          %dma_start3A_216 = arith.constant 0 : i32
          %dma_start3A_217 = tpu.memref_slice %arg7[%dma_start3A_215, %dma_start3A_216] : memref<32x128xi32, #tpu.memory_space<vmem>> -> memref<16x128xi32, #tpu.memory_space<vmem>>
          %dma_start3A_218 = arith.constant 0 : i32
          %dma_start3A_219 = tpu.memref_slice %arg2[%add3A_210, %dma_start3A_218] : memref<5120x128xi32, #tpu.memory_space<hbm>> -> memref<16x128xi32, #tpu.memory_space<hbm>>
          tpu.enqueue_dma source(%dma_start3A_219 : memref<16x128xi32, #tpu.memory_space<hbm>>) target(%dma_start3A_217 : memref<16x128xi32, #tpu.memory_space<vmem>>) target_semaphore(%run_scoped3A : memref<!tpu.dma_semaphore, #tpu.memory_space<semaphore_mem>>)
          %dma_wait3A = arith.constant 0 : i32
          %dma_wait3A_220 = arith.constant 0 : i32
          %dma_wait3A_221 = tpu.memref_slice %arg7[%dma_wait3A, %dma_wait3A_220] : memref<32x128xi32, #tpu.memory_space<vmem>> -> memref<16x128xi32, #tpu.memory_space<vmem>>
          %dma_wait3A_222 = arith.constant 0 : i32
          %dma_wait3A_223 = tpu.memref_slice %arg2[%add3A_210, %dma_wait3A_222] : memref<5120x128xi32, #tpu.memory_space<hbm>> -> memref<16x128xi32, #tpu.memory_space<hbm>>
          %dma_wait3A_224 = arith.constant 0 : i32
          %dma_wait3A_225 = arith.constant 0 : i32
          %dma_wait3A_226 = tpu.memref_slice %arg7[%dma_wait3A_224, %dma_wait3A_225] : memref<32x128xi32, #tpu.memory_space<vmem>> -> memref<16x128xi32, #tpu.memory_space<vmem>>
          %dma_wait3A_227 = arith.constant 0 : i32
          %dma_wait3A_228 = tpu.memref_slice %arg2[%add3A_210, %dma_wait3A_227] : memref<5120x128xi32, #tpu.memory_space<hbm>> -> memref<16x128xi32, #tpu.memory_space<hbm>>
          tpu.wait_dma2 semaphore(%run_scoped3A : memref<!tpu.dma_semaphore, #tpu.memory_space<semaphore_mem>>) src(%dma_wait3A_228 : memref<16x128xi32, #tpu.memory_space<hbm>>) dst(%dma_wait3A_226 : memref<16x128xi32, #tpu.memory_space<vmem>>)
          tpu.yield
        }) : () -> ()
      } else {
      }
      %jit3A = arith.constant 8 : i32
      %eq3A_17 = arith.constant 0 : i32
      %eq3A_18 = arith.cmpi eq, %jit3A, %eq3A_17 : i32
      %jit3A_19 = arith.constant 1 : i32
      %select_n3A = arith.select %eq3A_18, %jit3A_19, %jit3A : i32
      %rem3A = arith.remsi %scan3A_14, %select_n3A : i32
      %ne3A = arith.constant 0 : i32
      %ne3A_20 = arith.cmpi ne, %rem3A, %ne3A : i32
      %lt3A = arith.constant 0 : i32
      %lt3A_21 = arith.cmpi slt, %rem3A, %lt3A : i32
      %lt3A_22 = arith.constant 0 : i32
      %lt3A_23 = arith.cmpi slt, %select_n3A, %lt3A_22 : i32
      %ne3A_24 = arith.xori %lt3A_21, %lt3A_23 : i1
      %and3A = arith.andi %ne3A_24, %ne3A_20 : i1
      %add3A_25 = arith.addi %rem3A, %select_n3A : i32
      %select_n3A_26 = arith.select %and3A, %add3A_25, %rem3A : i32
      %eq3A_27 = arith.constant 1 : i32
      %eq3A_28 = arith.cmpi eq, %select_n3A_26, %eq3A_27 : i32
      %add3A_29 = arith.constant 8 : i32
      %add3A_30 = arith.addi %scan3A_14, %add3A_29 : i32
      %lt3A_31 = arith.constant 41 : i32
      %lt3A_32 = arith.cmpi slt, %add3A_30, %lt3A_31 : i32
      %and3A_33 = arith.andi %eq3A_28, %lt3A_32 : i1
      %convert_element_type3A_34 = arith.extui %and3A_33 : i1 to i32
      %cond3A_35 = arith.constant 0 : i32
      %cond3A_36 = arith.cmpi ne, %convert_element_type3A_34, %cond3A_35 : i32
      scf.if %cond3A_36 {
        %jit3A_209 = arith.constant 8 : i32
        %div3A_210 = arith.divsi %scan3A_14, %jit3A_209 : i32
        %sign3A_211 = arith.constant 0 : i32
        %sign3A_212 = arith.cmpi sgt, %scan3A_14, %sign3A_211 : i32
        %sign3A_213 = arith.extui %sign3A_212 : i1 to i32
        %sign3A_214 = arith.constant 0 : i32
        %sign3A_215 = arith.cmpi slt, %scan3A_14, %sign3A_214 : i32
        %sign3A_216 = arith.extui %sign3A_215 : i1 to i32
        %sign3A_217 = arith.subi %sign3A_213, %sign3A_216 : i32
        %sign3A_218 = arith.constant 0 : i32
        %sign3A_219 = arith.cmpi sgt, %jit3A_209, %sign3A_218 : i32
        %sign3A_220 = arith.extui %sign3A_219 : i1 to i32
        %sign3A_221 = arith.constant 0 : i32
        %sign3A_222 = arith.cmpi slt, %jit3A_209, %sign3A_221 : i32
        %sign3A_223 = arith.extui %sign3A_222 : i1 to i32
        %sign3A_224 = arith.subi %sign3A_220, %sign3A_223 : i32
        %ne3A_225 = arith.cmpi ne, %sign3A_217, %sign3A_224 : i32
        %rem3A_226 = arith.remsi %scan3A_14, %jit3A_209 : i32
        %ne3A_227 = arith.constant 0 : i32
        %ne3A_228 = arith.cmpi ne, %rem3A_226, %ne3A_227 : i32
        %and3A_229 = arith.andi %ne3A_225, %ne3A_228 : i1
        %sub3A_230 = arith.constant 1 : i32
        %sub3A_231 = arith.subi %div3A_210, %sub3A_230 : i32
        %select_n3A_232 = arith.select %and3A_229, %sub3A_231, %div3A_210 : i32
        %add3A_233 = arith.constant 1 : i32
        %add3A_234 = arith.addi %select_n3A_232, %add3A_233 : i32
        %jit3A_235 = arith.constant 2 : i32
        %eq3A_236 = arith.constant 0 : i32
        %eq3A_237 = arith.cmpi eq, %jit3A_235, %eq3A_236 : i32
        %jit3A_238 = arith.constant 1 : i32
        %select_n3A_239 = arith.select %eq3A_237, %jit3A_238, %jit3A_235 : i32
        %rem3A_240 = arith.remsi %add3A_234, %select_n3A_239 : i32
        %ne3A_241 = arith.constant 0 : i32
        %ne3A_242 = arith.cmpi ne, %rem3A_240, %ne3A_241 : i32
        %lt3A_243 = arith.constant 0 : i32
        %lt3A_244 = arith.cmpi slt, %rem3A_240, %lt3A_243 : i32
        %lt3A_245 = arith.constant 0 : i32
        %lt3A_246 = arith.cmpi slt, %select_n3A_239, %lt3A_245 : i32
        %ne3A_247 = arith.xori %lt3A_244, %lt3A_246 : i1
        %and3A_248 = arith.andi %ne3A_247, %ne3A_242 : i1
        %add3A_249 = arith.addi %rem3A_240, %select_n3A_239 : i32
        %select_n3A_250 = arith.select %and3A_248, %add3A_249, %rem3A_240 : i32
        %mul3A_251 = arith.constant 16 : i32
        %mul3A_252 = arith.muli %select_n3A_250, %mul3A_251 : i32
        %mul3A_253 = arith.constant 16 : i32
        %mul3A_254 = arith.muli %add3A_234, %mul3A_253 : i32
        %add3A_255 = arith.addi %mul3A_4, %mul3A_254 : i32
        %dma_start3A = arith.constant 0 : i32
        %dma_start3A_256 = arith.constant 0 : i32
        %dma_start3A_257 = tpu.memref_slice %arg6[%mul3A_252, %dma_start3A_256] : memref<32x128xi32, #tpu.memory_space<vmem>> -> memref<16x128xi32, #tpu.memory_space<vmem>>
        %dma_start3A_258 = arith.constant 0 : i32
        %dma_start3A_259 = tpu.memref_slice %arg2[%add3A_255, %dma_start3A_258] : memref<5120x128xi32, #tpu.memory_space<hbm>> -> memref<16x128xi32, #tpu.memory_space<hbm>>
        %dma_start3A_260 = tpu.memref_slice %arg11[%dma_start3A] : memref<2x!tpu.dma_semaphore, #tpu.memory_space<semaphore_mem>> -> memref<1x!tpu.dma_semaphore, #tpu.memory_space<semaphore_mem>>
        %dma_start3A_261 = tpu.memref_squeeze %dma_start3A_260 : memref<1x!tpu.dma_semaphore, #tpu.memory_space<semaphore_mem>> -> memref<!tpu.dma_semaphore, #tpu.memory_space<semaphore_mem>>
        %dma_start3A_262 = arith.constant 0 : i32
        %dma_start3A_263 = tpu.memref_slice %arg6[%mul3A_252, %dma_start3A_262] : memref<32x128xi32, #tpu.memory_space<vmem>> -> memref<16x128xi32, #tpu.memory_space<vmem>>
        %dma_start3A_264 = arith.constant 0 : i32
        %dma_start3A_265 = tpu.memref_slice %arg2[%add3A_255, %dma_start3A_264] : memref<5120x128xi32, #tpu.memory_space<hbm>> -> memref<16x128xi32, #tpu.memory_space<hbm>>
        tpu.enqueue_dma source(%dma_start3A_265 : memref<16x128xi32, #tpu.memory_space<hbm>>) target(%dma_start3A_263 : memref<16x128xi32, #tpu.memory_space<vmem>>) target_semaphore(%dma_start3A_261 : memref<!tpu.dma_semaphore, #tpu.memory_space<semaphore_mem>>)
        %add3A_266 = arith.constant 80 : i32
        %add3A_267 = arith.addi %mul3A_4, %add3A_266 : i32
        %mul3A_268 = arith.constant 16 : i32
        %mul3A_269 = arith.muli %add3A_234, %mul3A_268 : i32
        %add3A_270 = arith.addi %add3A_267, %mul3A_269 : i32
        %dma_start3A_271 = arith.constant 1 : i32
        %dma_start3A_272 = arith.constant 0 : i32
        %dma_start3A_273 = tpu.memref_slice %arg7[%mul3A_252, %dma_start3A_272] : memref<32x128xi32, #tpu.memory_space<vmem>> -> memref<16x128xi32, #tpu.memory_space<vmem>>
        %dma_start3A_274 = arith.constant 0 : i32
        %dma_start3A_275 = tpu.memref_slice %arg2[%add3A_270, %dma_start3A_274] : memref<5120x128xi32, #tpu.memory_space<hbm>> -> memref<16x128xi32, #tpu.memory_space<hbm>>
        %dma_start3A_276 = tpu.memref_slice %arg11[%dma_start3A_271] : memref<2x!tpu.dma_semaphore, #tpu.memory_space<semaphore_mem>> -> memref<1x!tpu.dma_semaphore, #tpu.memory_space<semaphore_mem>>
        %dma_start3A_277 = tpu.memref_squeeze %dma_start3A_276 : memref<1x!tpu.dma_semaphore, #tpu.memory_space<semaphore_mem>> -> memref<!tpu.dma_semaphore, #tpu.memory_space<semaphore_mem>>
        %dma_start3A_278 = arith.constant 0 : i32
        %dma_start3A_279 = tpu.memref_slice %arg7[%mul3A_252, %dma_start3A_278] : memref<32x128xi32, #tpu.memory_space<vmem>> -> memref<16x128xi32, #tpu.memory_space<vmem>>
        %dma_start3A_280 = arith.constant 0 : i32
        %dma_start3A_281 = tpu.memref_slice %arg2[%add3A_270, %dma_start3A_280] : memref<5120x128xi32, #tpu.memory_space<hbm>> -> memref<16x128xi32, #tpu.memory_space<hbm>>
        tpu.enqueue_dma source(%dma_start3A_281 : memref<16x128xi32, #tpu.memory_space<hbm>>) target(%dma_start3A_279 : memref<16x128xi32, #tpu.memory_space<vmem>>) target_semaphore(%dma_start3A_277 : memref<!tpu.dma_semaphore, #tpu.memory_space<semaphore_mem>>)
      } else {
      }
      %jit3A_37 = arith.constant 8 : i32
      %eq3A_38 = arith.constant 0 : i32
      %eq3A_39 = arith.cmpi eq, %jit3A_37, %eq3A_38 : i32
      %jit3A_40 = arith.constant 1 : i32
      %select_n3A_41 = arith.select %eq3A_39, %jit3A_40, %jit3A_37 : i32
      %rem3A_42 = arith.remsi %scan3A_14, %select_n3A_41 : i32
      %ne3A_43 = arith.constant 0 : i32
      %ne3A_44 = arith.cmpi ne, %rem3A_42, %ne3A_43 : i32
      %lt3A_45 = arith.constant 0 : i32
      %lt3A_46 = arith.cmpi slt, %rem3A_42, %lt3A_45 : i32
      %lt3A_47 = arith.constant 0 : i32
      %lt3A_48 = arith.cmpi slt, %select_n3A_41, %lt3A_47 : i32
      %ne3A_49 = arith.xori %lt3A_46, %lt3A_48 : i1
      %and3A_50 = arith.andi %ne3A_49, %ne3A_44 : i1
      %add3A_51 = arith.addi %rem3A_42, %select_n3A_41 : i32
      %select_n3A_52 = arith.select %and3A_50, %add3A_51, %rem3A_42 : i32
      %eq3A_53 = arith.constant 0 : i32
      %eq3A_54 = arith.cmpi eq, %select_n3A_52, %eq3A_53 : i32
      %gt3A = arith.constant 0 : i32
      %gt3A_55 = arith.cmpi sgt, %scan3A_14, %gt3A : i32
      %and3A_56 = arith.andi %eq3A_54, %gt3A_55 : i1
      %lt3A_57 = arith.constant 40 : i32
      %lt3A_58 = arith.cmpi slt, %scan3A_14, %lt3A_57 : i32
      %and3A_59 = arith.andi %and3A_56, %lt3A_58 : i1
      %convert_element_type3A_60 = arith.extui %and3A_59 : i1 to i32
      %cond3A_61 = arith.constant 0 : i32
      %cond3A_62 = arith.cmpi ne, %convert_element_type3A_60, %cond3A_61 : i32
      scf.if %cond3A_62 {
        %dma_wait3A = arith.constant 0 : i32
        %dma_wait3A_209 = arith.constant 0 : i32
        %dma_wait3A_210 = arith.constant 0 : i32
        %dma_wait3A_211 = tpu.memref_slice %arg6[%dma_wait3A_209, %dma_wait3A_210] : memref<32x128xi32, #tpu.memory_space<vmem>> -> memref<16x128xi32, #tpu.memory_space<vmem>>
        %dma_wait3A_212 = arith.constant 0 : i32
        %dma_wait3A_213 = tpu.memref_slice %arg2[%mul3A_4, %dma_wait3A_212] : memref<5120x128xi32, #tpu.memory_space<hbm>> -> memref<16x128xi32, #tpu.memory_space<hbm>>
        %dma_wait3A_214 = tpu.memref_slice %arg11[%dma_wait3A] : memref<2x!tpu.dma_semaphore, #tpu.memory_space<semaphore_mem>> -> memref<1x!tpu.dma_semaphore, #tpu.memory_space<semaphore_mem>>
        %dma_wait3A_215 = tpu.memref_squeeze %dma_wait3A_214 : memref<1x!tpu.dma_semaphore, #tpu.memory_space<semaphore_mem>> -> memref<!tpu.dma_semaphore, #tpu.memory_space<semaphore_mem>>
        %dma_wait3A_216 = arith.constant 0 : i32
        %dma_wait3A_217 = arith.constant 0 : i32
        %dma_wait3A_218 = tpu.memref_slice %arg6[%dma_wait3A_216, %dma_wait3A_217] : memref<32x128xi32, #tpu.memory_space<vmem>> -> memref<16x128xi32, #tpu.memory_space<vmem>>
        %dma_wait3A_219 = arith.constant 0 : i32
        %dma_wait3A_220 = tpu.memref_slice %arg2[%mul3A_4, %dma_wait3A_219] : memref<5120x128xi32, #tpu.memory_space<hbm>> -> memref<16x128xi32, #tpu.memory_space<hbm>>
        tpu.wait_dma2 semaphore(%dma_wait3A_215 : memref<!tpu.dma_semaphore, #tpu.memory_space<semaphore_mem>>) src(%dma_wait3A_220 : memref<16x128xi32, #tpu.memory_space<hbm>>) dst(%dma_wait3A_218 : memref<16x128xi32, #tpu.memory_space<vmem>>)
        %dma_wait3A_221 = arith.constant 1 : i32
        %dma_wait3A_222 = arith.constant 0 : i32
        %dma_wait3A_223 = arith.constant 0 : i32
        %dma_wait3A_224 = tpu.memref_slice %arg7[%dma_wait3A_222, %dma_wait3A_223] : memref<32x128xi32, #tpu.memory_space<vmem>> -> memref<16x128xi32, #tpu.memory_space<vmem>>
        %dma_wait3A_225 = arith.constant 0 : i32
        %dma_wait3A_226 = tpu.memref_slice %arg2[%mul3A_4, %dma_wait3A_225] : memref<5120x128xi32, #tpu.memory_space<hbm>> -> memref<16x128xi32, #tpu.memory_space<hbm>>
        %dma_wait3A_227 = tpu.memref_slice %arg11[%dma_wait3A_221] : memref<2x!tpu.dma_semaphore, #tpu.memory_space<semaphore_mem>> -> memref<1x!tpu.dma_semaphore, #tpu.memory_space<semaphore_mem>>
        %dma_wait3A_228 = tpu.memref_squeeze %dma_wait3A_227 : memref<1x!tpu.dma_semaphore, #tpu.memory_space<semaphore_mem>> -> memref<!tpu.dma_semaphore, #tpu.memory_space<semaphore_mem>>
        %dma_wait3A_229 = arith.constant 0 : i32
        %dma_wait3A_230 = arith.constant 0 : i32
        %dma_wait3A_231 = tpu.memref_slice %arg7[%dma_wait3A_229, %dma_wait3A_230] : memref<32x128xi32, #tpu.memory_space<vmem>> -> memref<16x128xi32, #tpu.memory_space<vmem>>
        %dma_wait3A_232 = arith.constant 0 : i32
        %dma_wait3A_233 = tpu.memref_slice %arg2[%mul3A_4, %dma_wait3A_232] : memref<5120x128xi32, #tpu.memory_space<hbm>> -> memref<16x128xi32, #tpu.memory_space<hbm>>
        tpu.wait_dma2 semaphore(%dma_wait3A_228 : memref<!tpu.dma_semaphore, #tpu.memory_space<semaphore_mem>>) src(%dma_wait3A_233 : memref<16x128xi32, #tpu.memory_space<hbm>>) dst(%dma_wait3A_231 : memref<16x128xi32, #tpu.memory_space<vmem>>)
      } else {
      }
      %eq3A_63 = arith.constant 1 : i32
      %eq3A_64 = arith.cmpi eq, %scan3A_14, %eq3A_63 : i32
      %convert_element_type3A_65 = arith.extui %eq3A_64 : i1 to i32
      %cond3A_66 = arith.constant 0 : i32
      %cond3A_67 = arith.cmpi ne, %convert_element_type3A_65, %cond3A_66 : i32
      scf.if %cond3A_67 {
        %mul3A_209 = arith.constant 640 : i32
        %mul3A_210 = arith.muli %arg1, %mul3A_209 : i32
        "tpu.region"() ({
          %run_scoped3A = tpu.sem_alloc : memref<!tpu.dma_semaphore, #tpu.memory_space<semaphore_mem>>
          %dma_start3A = arith.constant 0 : i32
          %dma_start3A_212 = tpu.memref_slice %arg9[%mul3A_210, %dma_start3A] : memref<10240x128xf32, #tpu.memory_space<vmem_shared>> -> memref<640x128xf32, #tpu.memory_space<vmem_shared>>
          tpu.enqueue_dma source(%arg4 : memref<640x128xf32, #tpu.memory_space<hbm>>) target(%dma_start3A_212 : memref<640x128xf32, #tpu.memory_space<vmem_shared>>) target_semaphore(%run_scoped3A : memref<!tpu.dma_semaphore, #tpu.memory_space<semaphore_mem>>)
          %dma_wait3A = arith.constant 0 : i32
          %dma_wait3A_213 = tpu.memref_slice %arg9[%mul3A_210, %dma_wait3A] : memref<10240x128xf32, #tpu.memory_space<vmem_shared>> -> memref<640x128xf32, #tpu.memory_space<vmem_shared>>
          tpu.wait_dma2 semaphore(%run_scoped3A : memref<!tpu.dma_semaphore, #tpu.memory_space<semaphore_mem>>) src(%arg4 : memref<640x128xf32, #tpu.memory_space<hbm>>) dst(%dma_wait3A_213 : memref<640x128xf32, #tpu.memory_space<vmem_shared>>)
          tpu.yield
        }) : () -> ()
        %barrier3A_211 = arith.constant 0 : index
        tpu.barrier barrier_id(%barrier3A_211)
      } else {
      }
      %sub3A = arith.constant 1 : i32
      %sub3A_68 = arith.subi %scan3A_14, %sub3A : i32
      %jit3A_69 = arith.constant 8 : i32
      %div3A = arith.divsi %sub3A_68, %jit3A_69 : i32
      %sign3A = arith.constant 0 : i32
      %sign3A_70 = arith.cmpi sgt, %sub3A_68, %sign3A : i32
      %sign3A_71 = arith.extui %sign3A_70 : i1 to i32
      %sign3A_72 = arith.constant 0 : i32
      %sign3A_73 = arith.cmpi slt, %sub3A_68, %sign3A_72 : i32
      %sign3A_74 = arith.extui %sign3A_73 : i1 to i32
      %sign3A_75 = arith.subi %sign3A_71, %sign3A_74 : i32
      %sign3A_76 = arith.constant 0 : i32
      %sign3A_77 = arith.cmpi sgt, %jit3A_69, %sign3A_76 : i32
      %sign3A_78 = arith.extui %sign3A_77 : i1 to i32
      %sign3A_79 = arith.constant 0 : i32
      %sign3A_80 = arith.cmpi slt, %jit3A_69, %sign3A_79 : i32
      %sign3A_81 = arith.extui %sign3A_80 : i1 to i32
      %sign3A_82 = arith.subi %sign3A_78, %sign3A_81 : i32
      %ne3A_83 = arith.cmpi ne, %sign3A_75, %sign3A_82 : i32
      %rem3A_84 = arith.remsi %sub3A_68, %jit3A_69 : i32
      %ne3A_85 = arith.constant 0 : i32
      %ne3A_86 = arith.cmpi ne, %rem3A_84, %ne3A_85 : i32
      %and3A_87 = arith.andi %ne3A_83, %ne3A_86 : i1
      %sub3A_88 = arith.constant 1 : i32
      %sub3A_89 = arith.subi %div3A, %sub3A_88 : i32
      %select_n3A_90 = arith.select %and3A_87, %sub3A_89, %div3A : i32
      %jit3A_91 = arith.constant 2 : i32
      %eq3A_92 = arith.constant 0 : i32
      %eq3A_93 = arith.cmpi eq, %jit3A_91, %eq3A_92 : i32
      %jit3A_94 = arith.constant 1 : i32
      %select_n3A_95 = arith.select %eq3A_93, %jit3A_94, %jit3A_91 : i32
      %rem3A_96 = arith.remsi %select_n3A_90, %select_n3A_95 : i32
      %ne3A_97 = arith.constant 0 : i32
      %ne3A_98 = arith.cmpi ne, %rem3A_96, %ne3A_97 : i32
      %lt3A_99 = arith.constant 0 : i32
      %lt3A_100 = arith.cmpi slt, %rem3A_96, %lt3A_99 : i32
      %lt3A_101 = arith.constant 0 : i32
      %lt3A_102 = arith.cmpi slt, %select_n3A_95, %lt3A_101 : i32
      %ne3A_103 = arith.xori %lt3A_100, %lt3A_102 : i1
      %and3A_104 = arith.andi %ne3A_103, %ne3A_98 : i1
      %add3A_105 = arith.addi %rem3A_96, %select_n3A_95 : i32
      %select_n3A_106 = arith.select %and3A_104, %add3A_105, %rem3A_96 : i32
      %mul3A_107 = arith.constant 8 : i32
      %mul3A_108 = arith.muli %select_n3A_106, %mul3A_107 : i32
      %jit3A_109 = arith.constant 8 : i32
      %eq3A_110 = arith.constant 0 : i32
      %eq3A_111 = arith.cmpi eq, %jit3A_109, %eq3A_110 : i32
      %jit3A_112 = arith.constant 1 : i32
      %select_n3A_113 = arith.select %eq3A_111, %jit3A_112, %jit3A_109 : i32
      %rem3A_114 = arith.remsi %sub3A_68, %select_n3A_113 : i32
      %ne3A_115 = arith.constant 0 : i32
      %ne3A_116 = arith.cmpi ne, %rem3A_114, %ne3A_115 : i32
      %lt3A_117 = arith.constant 0 : i32
      %lt3A_118 = arith.cmpi slt, %rem3A_114, %lt3A_117 : i32
      %lt3A_119 = arith.constant 0 : i32
      %lt3A_120 = arith.cmpi slt, %select_n3A_113, %lt3A_119 : i32
      %ne3A_121 = arith.xori %lt3A_118, %lt3A_120 : i1
      %and3A_122 = arith.andi %ne3A_121, %ne3A_116 : i1
      %add3A_123 = arith.addi %rem3A_114, %select_n3A_113 : i32
      %select_n3A_124 = arith.select %and3A_122, %add3A_123, %rem3A_114 : i32
      %add3A_125 = arith.addi %mul3A_108, %select_n3A_124 : i32
      %mul3A_126 = arith.constant 2 : i32
      %mul3A_127 = arith.muli %add3A_125, %mul3A_126 : i32
      %jit3A_128 = arith.constant 8 : i32
      %div3A_129 = arith.divsi %scan3A_14, %jit3A_128 : i32
      %sign3A_130 = arith.constant 0 : i32
      %sign3A_131 = arith.cmpi sgt, %scan3A_14, %sign3A_130 : i32
      %sign3A_132 = arith.extui %sign3A_131 : i1 to i32
      %sign3A_133 = arith.constant 0 : i32
      %sign3A_134 = arith.cmpi slt, %scan3A_14, %sign3A_133 : i32
      %sign3A_135 = arith.extui %sign3A_134 : i1 to i32
      %sign3A_136 = arith.subi %sign3A_132, %sign3A_135 : i32
      %sign3A_137 = arith.constant 0 : i32
      %sign3A_138 = arith.cmpi sgt, %jit3A_128, %sign3A_137 : i32
      %sign3A_139 = arith.extui %sign3A_138 : i1 to i32
      %sign3A_140 = arith.constant 0 : i32
      %sign3A_141 = arith.cmpi slt, %jit3A_128, %sign3A_140 : i32
      %sign3A_142 = arith.extui %sign3A_141 : i1 to i32
      %sign3A_143 = arith.subi %sign3A_139, %sign3A_142 : i32
      %ne3A_144 = arith.cmpi ne, %sign3A_136, %sign3A_143 : i32
      %rem3A_145 = arith.remsi %scan3A_14, %jit3A_128 : i32
      %ne3A_146 = arith.constant 0 : i32
      %ne3A_147 = arith.cmpi ne, %rem3A_145, %ne3A_146 : i32
      %and3A_148 = arith.andi %ne3A_144, %ne3A_147 : i1
      %sub3A_149 = arith.constant 1 : i32
      %sub3A_150 = arith.subi %div3A_129, %sub3A_149 : i32
      %select_n3A_151 = arith.select %and3A_148, %sub3A_150, %div3A_129 : i32
      %jit3A_152 = arith.constant 2 : i32
      %eq3A_153 = arith.constant 0 : i32
      %eq3A_154 = arith.cmpi eq, %jit3A_152, %eq3A_153 : i32
      %jit3A_155 = arith.constant 1 : i32
      %select_n3A_156 = arith.select %eq3A_154, %jit3A_155, %jit3A_152 : i32
      %rem3A_157 = arith.remsi %select_n3A_151, %select_n3A_156 : i32
      %ne3A_158 = arith.constant 0 : i32
      %ne3A_159 = arith.cmpi ne, %rem3A_157, %ne3A_158 : i32
      %lt3A_160 = arith.constant 0 : i32
      %lt3A_161 = arith.cmpi slt, %rem3A_157, %lt3A_160 : i32
      %lt3A_162 = arith.constant 0 : i32
      %lt3A_163 = arith.cmpi slt, %select_n3A_156, %lt3A_162 : i32
      %ne3A_164 = arith.xori %lt3A_161, %lt3A_163 : i1
      %and3A_165 = arith.andi %ne3A_164, %ne3A_159 : i1
      %add3A_166 = arith.addi %rem3A_157, %select_n3A_156 : i32
      %select_n3A_167 = arith.select %and3A_165, %add3A_166, %rem3A_157 : i32
      %mul3A_168 = arith.constant 8 : i32
      %mul3A_169 = arith.muli %select_n3A_167, %mul3A_168 : i32
      %jit3A_170 = arith.constant 8 : i32
      %eq3A_171 = arith.constant 0 : i32
      %eq3A_172 = arith.cmpi eq, %jit3A_170, %eq3A_171 : i32
      %jit3A_173 = arith.constant 1 : i32
      %select_n3A_174 = arith.select %eq3A_172, %jit3A_173, %jit3A_170 : i32
      %rem3A_175 = arith.remsi %scan3A_14, %select_n3A_174 : i32
      %ne3A_176 = arith.constant 0 : i32
      %ne3A_177 = arith.cmpi ne, %rem3A_175, %ne3A_176 : i32
      %lt3A_178 = arith.constant 0 : i32
      %lt3A_179 = arith.cmpi slt, %rem3A_175, %lt3A_178 : i32
      %lt3A_180 = arith.constant 0 : i32
      %lt3A_181 = arith.cmpi slt, %select_n3A_174, %lt3A_180 : i32
      %ne3A_182 = arith.xori %lt3A_179, %lt3A_181 : i1
      %and3A_183 = arith.andi %ne3A_182, %ne3A_177 : i1
      %add3A_184 = arith.addi %rem3A_175, %select_n3A_174 : i32
      %select_n3A_185 = arith.select %and3A_183, %add3A_184, %rem3A_175 : i32
      %add3A_186 = arith.addi %mul3A_169, %select_n3A_185 : i32
      %mul3A_187 = arith.constant 2 : i32
      %mul3A_188 = arith.muli %add3A_186, %mul3A_187 : i32
      %gt3A_189 = arith.constant 0 : i32
      %gt3A_190 = arith.cmpi sgt, %scan3A_14, %gt3A_189 : i32
      %convert_element_type3A_191 = arith.extui %gt3A_190 : i1 to i32
      %cond3A_192 = arith.constant 0 : i32
      %cond3A_193 = arith.cmpi ne, %convert_element_type3A_191, %cond3A_192 : i32
      scf.if %cond3A_193 {
        %dma_wait3A = arith.constant 0 : i32
        %dma_wait3A_209 = arith.constant 0 : i32
        %dma_wait3A_210 = arith.constant 0 : i32
        %dma_wait3A_211 = arith.constant 0 : i32
        %dma_wait3A_212 = tpu.memref_slice %arg8[%dma_wait3A_210, %dma_wait3A_211] : memref<256x128xf32, #tpu.memory_space<vmem>> -> memref<128x128xf32, #tpu.memory_space<vmem>>
        %dma_wait3A_213 = arith.constant 0 : i32
        %dma_wait3A_214 = tpu.memref_slice %arg6[%dma_wait3A, %dma_wait3A_213] : memref<32x128xi32, #tpu.memory_space<vmem>> -> memref<1x128xi32, #tpu.memory_space<vmem>>
        %dma_wait3A_215 = tpu.memref_squeeze %dma_wait3A_214 : memref<1x128xi32, #tpu.memory_space<vmem>> -> memref<128xi32, #tpu.memory_space<vmem>>
        %dma_wait3A_216 = arith.constant 0 : i32
        %dma_wait3A_217 = arith.constant 0 : i32
        %dma_wait3A_218 = tpu.memref_slice %arg3[%dma_wait3A_216, %dma_wait3A_217] : memref<10240x128xf32, #tpu.memory_space<hbm>> -> memref<10240x128xf32, #tpu.memory_space<hbm>>
        %dma_wait3A_219 = tpu.memref_slice %arg10[%dma_wait3A_209] : memref<2x!tpu.dma_semaphore, #tpu.memory_space<semaphore_mem>> -> memref<1x!tpu.dma_semaphore, #tpu.memory_space<semaphore_mem>>
        %dma_wait3A_220 = tpu.memref_squeeze %dma_wait3A_219 : memref<1x!tpu.dma_semaphore, #tpu.memory_space<semaphore_mem>> -> memref<!tpu.dma_semaphore, #tpu.memory_space<semaphore_mem>>
        tpu.wait_indirect_dma semaphore(%dma_wait3A_220 : memref<!tpu.dma_semaphore, #tpu.memory_space<semaphore_mem>>) src(%dma_wait3A_218 : memref<10240x128xf32, #tpu.memory_space<hbm>>) dst(%dma_wait3A_212 : memref<128x128xf32, #tpu.memory_space<vmem>>)
        %add3A_221 = arith.constant 0 : i32
        %add3A_222 = arith.addi %mul3A_127, %add3A_221 : i32
        "tpu.region"() ({
          %run_scoped3A = tpu.sem_alloc : memref<!tpu.dma_semaphore, #tpu.memory_space<semaphore_mem>>
          %dma_start3A = arith.constant 0 : i32
          %dma_start3A_223 = arith.constant 0 : i32
          %dma_start3A_224 = tpu.memref_slice %arg8[%dma_start3A, %dma_start3A_223] : memref<256x128xf32, #tpu.memory_space<vmem>> -> memref<128x128xf32, #tpu.memory_space<vmem>>
          %dma_start3A_225 = arith.constant 0 : i32
          %dma_start3A_226 = tpu.memref_slice %arg7[%add3A_222, %dma_start3A_225] : memref<32x128xi32, #tpu.memory_space<vmem>> -> memref<1x128xi32, #tpu.memory_space<vmem>>
          %dma_start3A_227 = tpu.memref_squeeze %dma_start3A_226 : memref<1x128xi32, #tpu.memory_space<vmem>> -> memref<128xi32, #tpu.memory_space<vmem>>
          %dma_start3A_228 = arith.constant 0 : i32
          %dma_start3A_229 = arith.constant 0 : i32
          %dma_start3A_230 = tpu.memref_slice %arg9[%dma_start3A_228, %dma_start3A_229] : memref<10240x128xf32, #tpu.memory_space<vmem_shared>> -> memref<10240x128xf32, #tpu.memory_space<vmem_shared>>
          tpu.enqueue_indirect_dma source(%dma_start3A_224 : memref<128x128xf32, #tpu.memory_space<vmem>>) target(%dma_start3A_230 : memref<10240x128xf32, #tpu.memory_space<vmem_shared>>) offsets(%dma_start3A_227 : memref<128xi32, #tpu.memory_space<vmem>>) semaphore(%run_scoped3A : memref<!tpu.dma_semaphore, #tpu.memory_space<semaphore_mem>>) {add = true}
          %dma_wait3A_231 = arith.constant 0 : i32
          %dma_wait3A_232 = arith.constant 0 : i32
          %dma_wait3A_233 = tpu.memref_slice %arg8[%dma_wait3A_231, %dma_wait3A_232] : memref<256x128xf32, #tpu.memory_space<vmem>> -> memref<128x128xf32, #tpu.memory_space<vmem>>
          %dma_wait3A_234 = arith.constant 0 : i32
          %dma_wait3A_235 = tpu.memref_slice %arg7[%add3A_222, %dma_wait3A_234] : memref<32x128xi32, #tpu.memory_space<vmem>> -> memref<1x128xi32, #tpu.memory_space<vmem>>
          %dma_wait3A_236 = tpu.memref_squeeze %dma_wait3A_235 : memref<1x128xi32, #tpu.memory_space<vmem>> -> memref<128xi32, #tpu.memory_space<vmem>>
          %dma_wait3A_237 = arith.constant 0 : i32
          %dma_wait3A_238 = arith.constant 0 : i32
          %dma_wait3A_239 = tpu.memref_slice %arg9[%dma_wait3A_237, %dma_wait3A_238] : memref<10240x128xf32, #tpu.memory_space<vmem_shared>> -> memref<10240x128xf32, #tpu.memory_space<vmem_shared>>
          tpu.wait_indirect_dma semaphore(%run_scoped3A : memref<!tpu.dma_semaphore, #tpu.memory_space<semaphore_mem>>) src(%dma_wait3A_233 : memref<128x128xf32, #tpu.memory_space<vmem>>) dst(%dma_wait3A_239 : memref<10240x128xf32, #tpu.memory_space<vmem_shared>>)
          tpu.yield
        }) : () -> ()
      } else {
      }
      %lt3A_194 = arith.constant 40 : i32
      %lt3A_195 = arith.cmpi slt, %scan3A_14, %lt3A_194 : i32
      %convert_element_type3A_196 = arith.extui %lt3A_195 : i1 to i32
      %cond3A_197 = arith.constant 0 : i32
      %cond3A_198 = arith.cmpi ne, %convert_element_type3A_196, %cond3A_197 : i32
      scf.if %cond3A_198 {
        %add3A_209 = arith.constant 0 : i32
        %add3A_210 = arith.addi %mul3A_188, %add3A_209 : i32
        %dma_start3A = arith.constant 0 : i32
        %dma_start3A_211 = arith.constant 0 : i32
        %dma_start3A_212 = arith.constant 0 : i32
        %dma_start3A_213 = tpu.memref_slice %arg8[%dma_start3A_211, %dma_start3A_212] : memref<256x128xf32, #tpu.memory_space<vmem>> -> memref<128x128xf32, #tpu.memory_space<vmem>>
        %dma_start3A_214 = arith.constant 0 : i32
        %dma_start3A_215 = tpu.memref_slice %arg6[%add3A_210, %dma_start3A_214] : memref<32x128xi32, #tpu.memory_space<vmem>> -> memref<1x128xi32, #tpu.memory_space<vmem>>
        %dma_start3A_216 = tpu.memref_squeeze %dma_start3A_215 : memref<1x128xi32, #tpu.memory_space<vmem>> -> memref<128xi32, #tpu.memory_space<vmem>>
        %dma_start3A_217 = arith.constant 0 : i32
        %dma_start3A_218 = arith.constant 0 : i32
        %dma_start3A_219 = tpu.memref_slice %arg3[%dma_start3A_217, %dma_start3A_218] : memref<10240x128xf32, #tpu.memory_space<hbm>> -> memref<10240x128xf32, #tpu.memory_space<hbm>>
        %dma_start3A_220 = tpu.memref_slice %arg10[%dma_start3A] : memref<2x!tpu.dma_semaphore, #tpu.memory_space<semaphore_mem>> -> memref<1x!tpu.dma_semaphore, #tpu.memory_space<semaphore_mem>>
        %dma_start3A_221 = tpu.memref_squeeze %dma_start3A_220 : memref<1x!tpu.dma_semaphore, #tpu.memory_space<semaphore_mem>> -> memref<!tpu.dma_semaphore, #tpu.memory_space<semaphore_mem>>
        tpu.enqueue_indirect_dma source(%dma_start3A_219 : memref<10240x128xf32, #tpu.memory_space<hbm>>) target(%dma_start3A_213 : memref<128x128xf32, #tpu.memory_space<vmem>>) offsets(%dma_start3A_216 : memref<128xi32, #tpu.memory_space<vmem>>) semaphore(%dma_start3A_221 : memref<!tpu.dma_semaphore, #tpu.memory_space<semaphore_mem>>)
      } else {
      }
      %gt3A_199 = arith.constant 0 : i32
      %gt3A_200 = arith.cmpi sgt, %scan3A_14, %gt3A_199 : i32
      %convert_element_type3A_201 = arith.extui %gt3A_200 : i1 to i32
      %cond3A_202 = arith.constant 0 : i32
      %cond3A_203 = arith.cmpi ne, %convert_element_type3A_201, %cond3A_202 : i32
      scf.if %cond3A_203 {
        %dma_wait3A = arith.constant 0 : i32
        %dma_wait3A_209 = arith.constant 1 : i32
        %dma_wait3A_210 = arith.constant 0 : i32
        %dma_wait3A_211 = arith.constant 0 : i32
        %dma_wait3A_212 = tpu.memref_slice %arg8[%dma_wait3A_210, %dma_wait3A_211] : memref<256x128xf32, #tpu.memory_space<vmem>> -> memref<128x128xf32, #tpu.memory_space<vmem>>
        %dma_wait3A_213 = arith.constant 0 : i32
        %dma_wait3A_214 = tpu.memref_slice %arg6[%dma_wait3A, %dma_wait3A_213] : memref<32x128xi32, #tpu.memory_space<vmem>> -> memref<1x128xi32, #tpu.memory_space<vmem>>
        %dma_wait3A_215 = tpu.memref_squeeze %dma_wait3A_214 : memref<1x128xi32, #tpu.memory_space<vmem>> -> memref<128xi32, #tpu.memory_space<vmem>>
        %dma_wait3A_216 = arith.constant 0 : i32
        %dma_wait3A_217 = arith.constant 0 : i32
        %dma_wait3A_218 = tpu.memref_slice %arg3[%dma_wait3A_216, %dma_wait3A_217] : memref<10240x128xf32, #tpu.memory_space<hbm>> -> memref<10240x128xf32, #tpu.memory_space<hbm>>
        %dma_wait3A_219 = tpu.memref_slice %arg10[%dma_wait3A_209] : memref<2x!tpu.dma_semaphore, #tpu.memory_space<semaphore_mem>> -> memref<1x!tpu.dma_semaphore, #tpu.memory_space<semaphore_mem>>
        %dma_wait3A_220 = tpu.memref_squeeze %dma_wait3A_219 : memref<1x!tpu.dma_semaphore, #tpu.memory_space<semaphore_mem>> -> memref<!tpu.dma_semaphore, #tpu.memory_space<semaphore_mem>>
        tpu.wait_indirect_dma semaphore(%dma_wait3A_220 : memref<!tpu.dma_semaphore, #tpu.memory_space<semaphore_mem>>) src(%dma_wait3A_218 : memref<10240x128xf32, #tpu.memory_space<hbm>>) dst(%dma_wait3A_212 : memref<128x128xf32, #tpu.memory_space<vmem>>)
        %add3A_221 = arith.constant 1 : i32
        %add3A_222 = arith.addi %mul3A_127, %add3A_221 : i32
        "tpu.region"() ({
          %run_scoped3A = tpu.sem_alloc : memref<!tpu.dma_semaphore, #tpu.memory_space<semaphore_mem>>
          %dma_start3A = arith.constant 128 : i32
          %dma_start3A_223 = arith.constant 0 : i32
          %dma_start3A_224 = tpu.memref_slice %arg8[%dma_start3A, %dma_start3A_223] : memref<256x128xf32, #tpu.memory_space<vmem>> -> memref<128x128xf32, #tpu.memory_space<vmem>>
          %dma_start3A_225 = arith.constant 0 : i32
          %dma_start3A_226 = tpu.memref_slice %arg7[%add3A_222, %dma_start3A_225] : memref<32x128xi32, #tpu.memory_space<vmem>> -> memref<1x128xi32, #tpu.memory_space<vmem>>
          %dma_start3A_227 = tpu.memref_squeeze %dma_start3A_226 : memref<1x128xi32, #tpu.memory_space<vmem>> -> memref<128xi32, #tpu.memory_space<vmem>>
          %dma_start3A_228 = arith.constant 0 : i32
          %dma_start3A_229 = arith.constant 0 : i32
          %dma_start3A_230 = tpu.memref_slice %arg9[%dma_start3A_228, %dma_start3A_229] : memref<10240x128xf32, #tpu.memory_space<vmem_shared>> -> memref<10240x128xf32, #tpu.memory_space<vmem_shared>>
          tpu.enqueue_indirect_dma source(%dma_start3A_224 : memref<128x128xf32, #tpu.memory_space<vmem>>) target(%dma_start3A_230 : memref<10240x128xf32, #tpu.memory_space<vmem_shared>>) offsets(%dma_start3A_227 : memref<128xi32, #tpu.memory_space<vmem>>) semaphore(%run_scoped3A : memref<!tpu.dma_semaphore, #tpu.memory_space<semaphore_mem>>) {add = true}
          %dma_wait3A_231 = arith.constant 128 : i32
          %dma_wait3A_232 = arith.constant 0 : i32
          %dma_wait3A_233 = tpu.memref_slice %arg8[%dma_wait3A_231, %dma_wait3A_232] : memref<256x128xf32, #tpu.memory_space<vmem>> -> memref<128x128xf32, #tpu.memory_space<vmem>>
          %dma_wait3A_234 = arith.constant 0 : i32
          %dma_wait3A_235 = tpu.memref_slice %arg7[%add3A_222, %dma_wait3A_234] : memref<32x128xi32, #tpu.memory_space<vmem>> -> memref<1x128xi32, #tpu.memory_space<vmem>>
          %dma_wait3A_236 = tpu.memref_squeeze %dma_wait3A_235 : memref<1x128xi32, #tpu.memory_space<vmem>> -> memref<128xi32, #tpu.memory_space<vmem>>
          %dma_wait3A_237 = arith.constant 0 : i32
          %dma_wait3A_238 = arith.constant 0 : i32
          %dma_wait3A_239 = tpu.memref_slice %arg9[%dma_wait3A_237, %dma_wait3A_238] : memref<10240x128xf32, #tpu.memory_space<vmem_shared>> -> memref<10240x128xf32, #tpu.memory_space<vmem_shared>>
          tpu.wait_indirect_dma semaphore(%run_scoped3A : memref<!tpu.dma_semaphore, #tpu.memory_space<semaphore_mem>>) src(%dma_wait3A_233 : memref<128x128xf32, #tpu.memory_space<vmem>>) dst(%dma_wait3A_239 : memref<10240x128xf32, #tpu.memory_space<vmem_shared>>)
          tpu.yield
        }) : () -> ()
      } else {
      }
      %lt3A_204 = arith.constant 40 : i32
      %lt3A_205 = arith.cmpi slt, %scan3A_14, %lt3A_204 : i32
      %convert_element_type3A_206 = arith.extui %lt3A_205 : i1 to i32
      %cond3A_207 = arith.constant 0 : i32
      %cond3A_208 = arith.cmpi ne, %convert_element_type3A_206, %cond3A_207 : i32
      scf.if %cond3A_208 {
        %add3A_209 = arith.constant 1 : i32
        %add3A_210 = arith.addi %mul3A_188, %add3A_209 : i32
        %dma_start3A = arith.constant 1 : i32
        %dma_start3A_211 = arith.constant 128 : i32
        %dma_start3A_212 = arith.constant 0 : i32
        %dma_start3A_213 = tpu.memref_slice %arg8[%dma_start3A_211, %dma_start3A_212] : memref<256x128xf32, #tpu.memory_space<vmem>> -> memref<128x128xf32, #tpu.memory_space<vmem>>
        %dma_start3A_214 = arith.constant 0 : i32
        %dma_start3A_215 = tpu.memref_slice %arg6[%add3A_210, %dma_start3A_214] : memref<32x128xi32, #tpu.memory_space<vmem>> -> memref<1x128xi32, #tpu.memory_space<vmem>>
        %dma_start3A_216 = tpu.memref_squeeze %dma_start3A_215 : memref<1x128xi32, #tpu.memory_space<vmem>> -> memref<128xi32, #tpu.memory_space<vmem>>
        %dma_start3A_217 = arith.constant 0 : i32
        %dma_start3A_218 = arith.constant 0 : i32
        %dma_start3A_219 = tpu.memref_slice %arg3[%dma_start3A_217, %dma_start3A_218] : memref<10240x128xf32, #tpu.memory_space<hbm>> -> memref<10240x128xf32, #tpu.memory_space<hbm>>
        %dma_start3A_220 = tpu.memref_slice %arg10[%dma_start3A] : memref<2x!tpu.dma_semaphore, #tpu.memory_space<semaphore_mem>> -> memref<1x!tpu.dma_semaphore, #tpu.memory_space<semaphore_mem>>
        %dma_start3A_221 = tpu.memref_squeeze %dma_start3A_220 : memref<1x!tpu.dma_semaphore, #tpu.memory_space<semaphore_mem>> -> memref<!tpu.dma_semaphore, #tpu.memory_space<semaphore_mem>>
        tpu.enqueue_indirect_dma source(%dma_start3A_219 : memref<10240x128xf32, #tpu.memory_space<hbm>>) target(%dma_start3A_213 : memref<128x128xf32, #tpu.memory_space<vmem>>) offsets(%dma_start3A_216 : memref<128xi32, #tpu.memory_space<vmem>>) semaphore(%dma_start3A_221 : memref<!tpu.dma_semaphore, #tpu.memory_space<semaphore_mem>>)
      } else {
      }
    }
    %scan3A_9 = arith.constant 41 : i32
    %barrier3A = arith.constant 0 : index
    tpu.barrier barrier_id(%barrier3A)
    %mul3A_10 = arith.constant 640 : i32
    %mul3A_11 = arith.muli %arg1, %mul3A_10 : i32
    %mul3A_12 = arith.constant 640 : i32
    %mul3A_13 = arith.muli %arg1, %mul3A_12 : i32
    "tpu.region"() ({
      %run_scoped3A = tpu.sem_alloc : memref<!tpu.dma_semaphore, #tpu.memory_space<semaphore_mem>>
      %dma_start3A = arith.constant 0 : i32
      %dma_start3A_14 = tpu.memref_slice %arg5[%arg0, %mul3A_13, %dma_start3A] : memref<2x10240x128xf32, #tpu.memory_space<hbm>> -> memref<1x640x128xf32, #tpu.memory_space<hbm>>
      %dma_start3A_15 = tpu.memref_squeeze %dma_start3A_14 : memref<1x640x128xf32, #tpu.memory_space<hbm>> -> memref<640x128xf32, #tpu.memory_space<hbm>>
      %dma_start3A_16 = arith.constant 0 : i32
      %dma_start3A_17 = tpu.memref_slice %arg9[%mul3A_11, %dma_start3A_16] : memref<10240x128xf32, #tpu.memory_space<vmem_shared>> -> memref<640x128xf32, #tpu.memory_space<vmem_shared>>
      tpu.enqueue_dma source(%dma_start3A_17 : memref<640x128xf32, #tpu.memory_space<vmem_shared>>) target(%dma_start3A_15 : memref<640x128xf32, #tpu.memory_space<hbm>>) target_semaphore(%run_scoped3A : memref<!tpu.dma_semaphore, #tpu.memory_space<semaphore_mem>>)
      %dma_wait3A = arith.constant 0 : i32
      %dma_wait3A_18 = tpu.memref_slice %arg5[%arg0, %mul3A_13, %dma_wait3A] : memref<2x10240x128xf32, #tpu.memory_space<hbm>> -> memref<1x640x128xf32, #tpu.memory_space<hbm>>
      %dma_wait3A_19 = tpu.memref_squeeze %dma_wait3A_18 : memref<1x640x128xf32, #tpu.memory_space<hbm>> -> memref<640x128xf32, #tpu.memory_space<hbm>>
      %dma_wait3A_20 = arith.constant 0 : i32
      %dma_wait3A_21 = tpu.memref_slice %arg9[%mul3A_11, %dma_wait3A_20] : memref<10240x128xf32, #tpu.memory_space<vmem_shared>> -> memref<640x128xf32, #tpu.memory_space<vmem_shared>>
      tpu.wait_dma2 semaphore(%run_scoped3A : memref<!tpu.dma_semaphore, #tpu.memory_space<semaphore_mem>>) src(%dma_wait3A_21 : memref<640x128xf32, #tpu.memory_space<vmem_shared>>) dst(%dma_wait3A_19 : memref<640x128xf32, #tpu.memory_space<hbm>>)
      tpu.yield
    }) : () -> ()
    return
  }
}

module attributes {stable_mosaic.version = 14 : i64} {
  func.func @_tc_a_body(%arg0: i32, %arg1: memref<512x128xf32, #tpu.memory_space<vmem>>, %arg2: memref<128x128xf32, #tpu.memory_space<vmem>>, %arg3: memref<1x128xf32, #tpu.memory_space<vmem>>, %arg4: memref<128x160xf32, #tpu.memory_space<vmem>>, %arg5: memref<512x128xf32, #tpu.memory_space<vmem>>, %arg6: memref<512x160xf32, #tpu.memory_space<vmem>>) attributes {dimension_semantics = [#tpu.dimension_semantics<arbitrary>], iteration_bounds = array<i64: 20>, scalar_prefetch = 0 : i64, scratch_operands = 0 : i64, tpu.core_type = #tpu.core_type<tc>, window_params = [{transform_indices = @transform_0, window_bounds = array<i64: 512, 128>}, {pipeline_mode = #tpu.pipeline_mode<synchronous>, transform_indices = @transform_1, window_bounds = array<i64: 128, 128>}, {pipeline_mode = #tpu.pipeline_mode<synchronous>, transform_indices = @transform_2, window_bounds = array<i64: 1, 128>}, {pipeline_mode = #tpu.pipeline_mode<synchronous>, transform_indices = @transform_3, window_bounds = array<i64: 128, 160>}, {transform_indices = @transform_4, window_bounds = array<i64: 512, 128>}, {transform_indices = @transform_5, window_bounds = array<i64: 512, 160>}]} {
    %get3A = arith.constant 0 : index
    %get3A_0 = arith.constant 0 : index
    %get3A_1 = vector.load %arg1[%get3A, %get3A_0] : memref<512x128xf32, #tpu.memory_space<vmem>>, vector<512x128xf32>
    %get3A_2 = arith.constant 0 : index
    %get3A_3 = arith.constant 0 : index
    %get3A_4 = vector.load %arg2[%get3A_2, %get3A_3] : memref<128x128xf32, #tpu.memory_space<vmem>>, vector<128x128xf32>
    %dot_general3A = arith.constant dense<0.000000e+00> : vector<512x128xf32>
    %dot_general3A_5 = tpu.matmul %get3A_1, %get3A_4, %dot_general3A {dimension_numbers = #tpu.dot_dimension_numbers<[1], [0], [0], [1], [0, 0, 1, 1], [], []>, transpose_lhs_hint = false} : vector<512x128xf32>, vector<128x128xf32>, vector<512x128xf32> -> vector<512x128xf32>
    %get3A_6 = arith.constant 0 : index
    %get3A_7 = arith.constant 0 : index
    %get3A_8 = vector.load %arg3[%get3A_6, %get3A_7] : memref<1x128xf32, #tpu.memory_space<vmem>>, vector<1x128xf32>
    %add3A = vector.broadcast %get3A_8 : vector<1x128xf32> to vector<512x128xf32>
    %add3A_9 = arith.addf %dot_general3A_5, %add3A : vector<512x128xf32>
    %logistic3A = arith.negf %add3A_9 : vector<512x128xf32>
    %logistic3A_10 = math.exp %logistic3A : vector<512x128xf32>
    %logistic3A_11 = arith.constant 1.000000e+00 : f32
    %logistic3A_12 = vector.broadcast %logistic3A_11 : f32 to vector<512x128xf32>
    %logistic3A_13 = arith.addf %logistic3A_12, %logistic3A_10 : vector<512x128xf32>
    %logistic3A_14 = arith.divf %logistic3A_12, %logistic3A_13 : vector<512x128xf32>
    %swap3A = arith.constant 0 : index
    %swap3A_15 = arith.constant 0 : index
    %swap3A_16 = vector.load %arg5[%swap3A, %swap3A_15] : memref<512x128xf32, #tpu.memory_space<vmem>>, vector<512x128xf32>
    tpu.vector_store %arg5[%swap3A, %swap3A_15], %logistic3A_14 {strides = array<i32>} : memref<512x128xf32, #tpu.memory_space<vmem>>, vector<512x128xf32>,
    %get3A_17 = arith.constant 0 : index
    %get3A_18 = arith.constant 0 : index
    %get3A_19 = vector.load %arg4[%get3A_17, %get3A_18] : memref<128x160xf32, #tpu.memory_space<vmem>>, vector<128x160xf32>
    %dot_general3A_20 = arith.constant dense<0.000000e+00> : vector<512x160xf32>
    %dot_general3A_21 = tpu.matmul %logistic3A_14, %get3A_19, %dot_general3A_20 {dimension_numbers = #tpu.dot_dimension_numbers<[1], [0], [0], [1], [0, 0, 1, 1], [], []>, transpose_lhs_hint = false} : vector<512x128xf32>, vector<128x160xf32>, vector<512x160xf32> -> vector<512x160xf32>
    %swap3A_22 = arith.constant 0 : index
    %swap3A_23 = arith.constant 0 : index
    %swap3A_24 = vector.load %arg6[%swap3A_22, %swap3A_23] : memref<512x160xf32, #tpu.memory_space<vmem>>, vector<512x160xf32>
    tpu.vector_store %arg6[%swap3A_22, %swap3A_23], %dot_general3A_21 {strides = array<i32>} : memref<512x160xf32, #tpu.memory_space<vmem>>, vector<512x160xf32>,
    return
  }
  func.func @transform_0(%arg0: i32) -> (i32, i32) {
    %c0_i32 = arith.constant 0 : i32
    %c0_i32_0 = arith.constant 0 : i32
    return %arg0, %c0_i32 : i32, i32
  }
  func.func @transform_1(%arg0: i32) -> (i32, i32) {
    %c0_i32 = arith.constant 0 : i32
    %c0_i32_0 = arith.constant 0 : i32
    %c0_i32_1 = arith.constant 0 : i32
    return %c0_i32, %c0_i32_0 : i32, i32
  }
  func.func @transform_2(%arg0: i32) -> (i32, i32) {
    %c0_i32 = arith.constant 0 : i32
    %c0_i32_0 = arith.constant 0 : i32
    %c0_i32_1 = arith.constant 0 : i32
    return %c0_i32, %c0_i32_0 : i32, i32
  }
  func.func @transform_3(%arg0: i32) -> (i32, i32) {
    %c0_i32 = arith.constant 0 : i32
    %c0_i32_0 = arith.constant 0 : i32
    %c0_i32_1 = arith.constant 0 : i32
    return %c0_i32, %c0_i32_0 : i32, i32
  }
  func.func @transform_4(%arg0: i32) -> (i32, i32) {
    %c0_i32 = arith.constant 0 : i32
    %c0_i32_0 = arith.constant 0 : i32
    return %arg0, %c0_i32 : i32, i32
  }
  func.func @transform_5(%arg0: i32) -> (i32, i32) {
    %c0_i32 = arith.constant 0 : i32
    %c0_i32_0 = arith.constant 0 : i32
    return %arg0, %c0_i32 : i32, i32
  }
}

module attributes {stable_mosaic.version = 14 : i64} {
  func.func @_tc_add_body(%arg0: i32, %arg1: memref<2x512x128xf32, #tpu.memory_space<vmem>>, %arg2: memref<512x128xf32, #tpu.memory_space<vmem>>) attributes {dimension_semantics = [#tpu.dimension_semantics<arbitrary>], iteration_bounds = array<i64: 20>, scalar_prefetch = 0 : i64, scratch_operands = 0 : i64, tpu.core_type = #tpu.core_type<tc>, window_params = [{transform_indices = @transform_0, window_bounds = array<i64: 2, 512, 128>}, {transform_indices = @transform_1, window_bounds = array<i64: 512, 128>}]} {
    %get3A = arith.constant 0 : index
    %get3A_0 = arith.constant 0 : index
    %get3A_1 = arith.constant 0 : index
    %get3A_2 = vector.load %arg1[%get3A, %get3A_0, %get3A_1] : memref<2x512x128xf32, #tpu.memory_space<vmem>>, vector<1x512x128xf32>
    %get3A_3 = vector.shape_cast %get3A_2 : vector<1x512x128xf32> to vector<512x128xf32>
    %get3A_4 = arith.constant 1 : index
    %get3A_5 = arith.constant 0 : index
    %get3A_6 = arith.constant 0 : index
    %get3A_7 = vector.load %arg1[%get3A_4, %get3A_5, %get3A_6] : memref<2x512x128xf32, #tpu.memory_space<vmem>>, vector<1x512x128xf32>
    %get3A_8 = vector.shape_cast %get3A_7 : vector<1x512x128xf32> to vector<512x128xf32>
    %add3A = arith.addf %get3A_3, %get3A_8 : vector<512x128xf32>
    %swap3A = arith.constant 0 : index
    %swap3A_9 = arith.constant 0 : index
    %swap3A_10 = vector.load %arg2[%swap3A, %swap3A_9] : memref<512x128xf32, #tpu.memory_space<vmem>>, vector<512x128xf32>
    tpu.vector_store %arg2[%swap3A, %swap3A_9], %add3A {strides = array<i32>} : memref<512x128xf32, #tpu.memory_space<vmem>>, vector<512x128xf32>,
    return
  }
  func.func @transform_0(%arg0: i32) -> (i32, i32, i32) {
    %c0_i32 = arith.constant 0 : i32
    %c0_i32_0 = arith.constant 0 : i32
    %c0_i32_1 = arith.constant 0 : i32
    return %c0_i32, %arg0, %c0_i32_0 : i32, i32, i32
  }
  func.func @transform_1(%arg0: i32) -> (i32, i32) {
    %c0_i32 = arith.constant 0 : i32
    %c0_i32_0 = arith.constant 0 : i32
    return %arg0, %c0_i32 : i32, i32
  }
}

module attributes {stable_mosaic.version = 14 : i64} {
  func.func @_tc_mm_body(%arg0: i32, %arg1: memref<512x128xf32, #tpu.memory_space<vmem>>, %arg2: memref<128x160xf32, #tpu.memory_space<vmem>>, %arg3: memref<512x160xf32, #tpu.memory_space<vmem>>) attributes {dimension_semantics = [#tpu.dimension_semantics<arbitrary>], iteration_bounds = array<i64: 20>, scalar_prefetch = 0 : i64, scratch_operands = 0 : i64, tpu.core_type = #tpu.core_type<tc>, window_params = [{transform_indices = @transform_0, window_bounds = array<i64: 512, 128>}, {pipeline_mode = #tpu.pipeline_mode<synchronous>, transform_indices = @transform_1, window_bounds = array<i64: 128, 160>}, {transform_indices = @transform_2, window_bounds = array<i64: 512, 160>}]} {
    %get3A = arith.constant 0 : index
    %get3A_0 = arith.constant 0 : index
    %get3A_1 = vector.load %arg1[%get3A, %get3A_0] : memref<512x128xf32, #tpu.memory_space<vmem>>, vector<512x128xf32>
    %get3A_2 = arith.constant 0 : index
    %get3A_3 = arith.constant 0 : index
    %get3A_4 = vector.load %arg2[%get3A_2, %get3A_3] : memref<128x160xf32, #tpu.memory_space<vmem>>, vector<128x160xf32>
    %dot_general3A = arith.constant dense<0.000000e+00> : vector<512x160xf32>
    %dot_general3A_5 = tpu.matmul %get3A_1, %get3A_4, %dot_general3A {dimension_numbers = #tpu.dot_dimension_numbers<[1], [0], [0], [1], [0, 0, 1, 1], [], []>, transpose_lhs_hint = false} : vector<512x128xf32>, vector<128x160xf32>, vector<512x160xf32> -> vector<512x160xf32>
    %swap3A = arith.constant 0 : index
    %swap3A_6 = arith.constant 0 : index
    %swap3A_7 = vector.load %arg3[%swap3A, %swap3A_6] : memref<512x160xf32, #tpu.memory_space<vmem>>, vector<512x160xf32>
    tpu.vector_store %arg3[%swap3A, %swap3A_6], %dot_general3A_5 {strides = array<i32>} : memref<512x160xf32, #tpu.memory_space<vmem>>, vector<512x160xf32>,
    return
  }
  func.func @transform_0(%arg0: i32) -> (i32, i32) {
    %c0_i32 = arith.constant 0 : i32
    %c0_i32_0 = arith.constant 0 : i32
    return %arg0, %c0_i32 : i32, i32
  }
  func.func @transform_1(%arg0: i32) -> (i32, i32) {
    %c0_i32 = arith.constant 0 : i32
    %c0_i32_0 = arith.constant 0 : i32
    %c0_i32_1 = arith.constant 0 : i32
    return %c0_i32, %c0_i32_0 : i32, i32
  }
  func.func @transform_2(%arg0: i32) -> (i32, i32) {
    %c0_i32 = arith.constant 0 : i32
    %c0_i32_0 = arith.constant 0 : i32
    return %arg0, %c0_i32 : i32, i32
  }
}

module attributes {stable_mosaic.version = 14 : i64} {
  func.func @_tc_seg_body(%arg0: i32, %arg1: memref<512x160xf32, #tpu.memory_space<vmem>>, %arg2: memref<512x160xf32, #tpu.memory_space<vmem>>, %arg3: memref<1x1x512xi32, #tpu.memory_space<vmem>>, %arg4: memref<128x160xf32, #tpu.memory_space<vmem>>, %arg5: memref<128x160xf32, #tpu.memory_space<vmem>>) attributes {dimension_semantics = [#tpu.dimension_semantics<arbitrary>], iteration_bounds = array<i64: 20>, scalar_prefetch = 0 : i64, scratch_operands = 1 : i64, tpu.core_type = #tpu.core_type<tc>, window_params = [{transform_indices = @transform_0, window_bounds = array<i64: 512, 160>}, {transform_indices = @transform_1, window_bounds = array<i64: 512, 160>}, {transform_indices = @transform_2, window_bounds = array<i64: 1, 1, 512>}, {pipeline_mode = #tpu.pipeline_mode<synchronous>, transform_indices = @transform_3, window_bounds = array<i64: 128, 160>}]} {
    %eq3A = arith.constant 0 : i32
    %eq3A_0 = arith.cmpi eq, %arg0, %eq3A : i32
    %convert_element_type3A = arith.extui %eq3A_0 : i1 to i32
    %cond3A = arith.constant 0 : i32
    %cond3A_1 = arith.cmpi ne, %convert_element_type3A, %cond3A : i32
    scf.if %cond3A_1 {
      %broadcast_in_dim3A = arith.constant 0.000000e+00 : f32
      %broadcast_in_dim3A_27 = vector.broadcast %broadcast_in_dim3A : f32 to vector<128x160xf32>
      %swap3A_28 = arith.constant 0 : index
      %swap3A_29 = arith.constant 0 : index
      %swap3A_30 = vector.load %arg5[%swap3A_28, %swap3A_29] : memref<128x160xf32, #tpu.memory_space<vmem>>, vector<128x160xf32>
      tpu.vector_store %arg5[%swap3A_28, %swap3A_29], %broadcast_in_dim3A_27 {strides = array<i32>} : memref<128x160xf32, #tpu.memory_space<vmem>>, vector<128x160xf32>,
    } else {
    }
    %get3A = arith.constant 0 : index
    %get3A_2 = arith.constant 0 : index
    %get3A_3 = vector.load %arg5[%get3A, %get3A_2] : memref<128x160xf32, #tpu.memory_space<vmem>>, vector<128x160xf32>
    %get3A_4 = arith.constant 0 : index
    %get3A_5 = arith.constant 0 : index
    %get3A_6 = arith.constant 0 : index
    %get3A_7 = vector.load %arg3[%get3A_4, %get3A_5, %get3A_6] : memref<1x1x512xi32, #tpu.memory_space<vmem>>, vector<1x1x512xi32>
    %get3A_8 = vector.shape_cast %get3A_7 : vector<1x1x512xi32> to vector<1x512xi32>
    %iota3A = tpu.iota {dimensions = array<i32: 0>} : vector<128x512xi32>
    %eq3A_9 = vector.broadcast %get3A_8 : vector<1x512xi32> to vector<128x512xi32>
    %eq3A_10 = arith.cmpi eq, %iota3A, %eq3A_9 : vector<128x512xi32>
    %convert_element_type3A_11 = arith.extui %eq3A_10 : vector<128x512xi1> to vector<128x512xi32>
    %convert_element_type3A_12 = arith.sitofp %convert_element_type3A_11 : vector<128x512xi32> to vector<128x512xf32>
    %get3A_13 = arith.constant 0 : index
    %get3A_14 = arith.constant 0 : index
    %get3A_15 = vector.load %arg1[%get3A_13, %get3A_14] : memref<512x160xf32, #tpu.memory_space<vmem>>, vector<512x160xf32>
    %get3A_16 = arith.constant 0 : index
    %get3A_17 = arith.constant 0 : index
    %get3A_18 = vector.load %arg2[%get3A_16, %get3A_17] : memref<512x160xf32, #tpu.memory_space<vmem>>, vector<512x160xf32>
    %mul3A = arith.mulf %get3A_15, %get3A_18 : vector<512x160xf32>
    %dot_general3A = arith.constant dense<0.000000e+00> : vector<128x160xf32>
    %dot_general3A_19 = tpu.matmul %convert_element_type3A_12, %mul3A, %dot_general3A {dimension_numbers = #tpu.dot_dimension_numbers<[1], [0], [0], [1], [0, 0, 1, 1], [], []>, transpose_lhs_hint = false} : vector<128x512xf32>, vector<512x160xf32>, vector<128x160xf32> -> vector<128x160xf32>
    %add3A = arith.addf %get3A_3, %dot_general3A_19 : vector<128x160xf32>
    %swap3A = arith.constant 0 : index
    %swap3A_20 = arith.constant 0 : index
    %swap3A_21 = vector.load %arg5[%swap3A, %swap3A_20] : memref<128x160xf32, #tpu.memory_space<vmem>>, vector<128x160xf32>
    tpu.vector_store %arg5[%swap3A, %swap3A_20], %add3A {strides = array<i32>} : memref<128x160xf32, #tpu.memory_space<vmem>>, vector<128x160xf32>,
    %eq3A_22 = arith.constant 19 : i32
    %eq3A_23 = arith.cmpi eq, %arg0, %eq3A_22 : i32
    %convert_element_type3A_24 = arith.extui %eq3A_23 : i1 to i32
    %cond3A_25 = arith.constant 0 : i32
    %cond3A_26 = arith.cmpi ne, %convert_element_type3A_24, %cond3A_25 : i32
    scf.if %cond3A_26 {
      %get3A_27 = arith.constant 0 : index
      %get3A_28 = arith.constant 0 : index
      %get3A_29 = vector.load %arg5[%get3A_27, %get3A_28] : memref<128x160xf32, #tpu.memory_space<vmem>>, vector<128x160xf32>
      %swap3A_30 = arith.constant 0 : index
      %swap3A_31 = arith.constant 0 : index
      %swap3A_32 = vector.load %arg4[%swap3A_30, %swap3A_31] : memref<128x160xf32, #tpu.memory_space<vmem>>, vector<128x160xf32>
      tpu.vector_store %arg4[%swap3A_30, %swap3A_31], %get3A_29 {strides = array<i32>} : memref<128x160xf32, #tpu.memory_space<vmem>>, vector<128x160xf32>,
    } else {
    }
    return
  }
  func.func @transform_0(%arg0: i32) -> (i32, i32) {
    %c0_i32 = arith.constant 0 : i32
    %c0_i32_0 = arith.constant 0 : i32
    return %arg0, %c0_i32 : i32, i32
  }
  func.func @transform_1(%arg0: i32) -> (i32, i32) {
    %c0_i32 = arith.constant 0 : i32
    %c0_i32_0 = arith.constant 0 : i32
    return %arg0, %c0_i32 : i32, i32
  }
  func.func @transform_2(%arg0: i32) -> (i32, i32, i32) {
    %c0_i32 = arith.constant 0 : i32
    %c0_i32_0 = arith.constant 0 : i32
    %c0_i32_1 = arith.constant 0 : i32
    return %arg0, %c0_i32, %c0_i32_0 : i32, i32, i32
  }
  func.func @transform_3(%arg0: i32) -> (i32, i32) {
    %c0_i32 = arith.constant 0 : i32
    %c0_i32_0 = arith.constant 0 : i32
    %c0_i32_1 = arith.constant 0 : i32
    return %c0_i32, %c0_i32_0 : i32, i32
  }
}

module attributes {stable_mosaic.version = 14 : i64} {
  func.func @_tc_final_body(%arg0: i32, %arg1: memref<2x512x128xf32, #tpu.memory_space<vmem>>, %arg2: memref<128x160xf32, #tpu.memory_space<vmem>>, %arg3: memref<512x160xf32, #tpu.memory_space<vmem>>, %arg4: memref<1x1x512xi32, #tpu.memory_space<vmem>>, %arg5: memref<128x160xf32, #tpu.memory_space<vmem>>, %arg6: memref<128x160xf32, #tpu.memory_space<vmem>>, %arg7: memref<48x128xf32, #tpu.memory_space<vmem>>, %arg8: memref<1x128xf32, #tpu.memory_space<vmem>>, %arg9: memref<128x128xf32, #tpu.memory_space<vmem>>, %arg10: memref<128x160xf32, #tpu.memory_space<vmem>>) attributes {dimension_semantics = [#tpu.dimension_semantics<arbitrary>], iteration_bounds = array<i64: 20>, scalar_prefetch = 0 : i64, scratch_operands = 1 : i64, tpu.core_type = #tpu.core_type<tc>, window_params = [{transform_indices = @transform_0, window_bounds = array<i64: 2, 512, 128>}, {pipeline_mode = #tpu.pipeline_mode<synchronous>, transform_indices = @transform_1, window_bounds = array<i64: 128, 160>}, {transform_indices = @transform_2, window_bounds = array<i64: 512, 160>}, {transform_indices = @transform_3, window_bounds = array<i64: 1, 1, 512>}, {pipeline_mode = #tpu.pipeline_mode<synchronous>, transform_indices = @transform_4, window_bounds = array<i64: 128, 160>}, {pipeline_mode = #tpu.pipeline_mode<synchronous>, transform_indices = @transform_5, window_bounds = array<i64: 128, 160>}, {pipeline_mode = #tpu.pipeline_mode<synchronous>, transform_indices = @transform_6, window_bounds = array<i64: 48, 128>}, {pipeline_mode = #tpu.pipeline_mode<synchronous>, transform_indices = @transform_7, window_bounds = array<i64: 1, 128>}, {pipeline_mode = #tpu.pipeline_mode<synchronous>, transform_indices = @transform_8, window_bounds = array<i64: 128, 128>}]} {
    %get3A = arith.constant 0 : index
    %get3A_0 = arith.constant 0 : index
    %get3A_1 = arith.constant 0 : index
    %get3A_2 = vector.load %arg1[%get3A, %get3A_0, %get3A_1] : memref<2x512x128xf32, #tpu.memory_space<vmem>>, vector<1x512x128xf32>
    %get3A_3 = vector.shape_cast %get3A_2 : vector<1x512x128xf32> to vector<512x128xf32>
    %get3A_4 = arith.constant 1 : index
    %get3A_5 = arith.constant 0 : index
    %get3A_6 = arith.constant 0 : index
    %get3A_7 = vector.load %arg1[%get3A_4, %get3A_5, %get3A_6] : memref<2x512x128xf32, #tpu.memory_space<vmem>>, vector<1x512x128xf32>
    %get3A_8 = vector.shape_cast %get3A_7 : vector<1x512x128xf32> to vector<512x128xf32>
    %add3A = arith.addf %get3A_3, %get3A_8 : vector<512x128xf32>
    %get3A_9 = arith.constant 0 : index
    %get3A_10 = arith.constant 0 : index
    %get3A_11 = vector.load %arg2[%get3A_9, %get3A_10] : memref<128x160xf32, #tpu.memory_space<vmem>>, vector<128x160xf32>
    %dot_general3A = arith.constant dense<0.000000e+00> : vector<512x160xf32>
    %dot_general3A_12 = tpu.matmul %add3A, %get3A_11, %dot_general3A {dimension_numbers = #tpu.dot_dimension_numbers<[1], [0], [0], [1], [0, 0, 1, 1], [], []>, transpose_lhs_hint = false} : vector<512x128xf32>, vector<128x160xf32>, vector<512x160xf32> -> vector<512x160xf32>
    %eq3A = arith.constant 0 : i32
    %eq3A_13 = arith.cmpi eq, %arg0, %eq3A : i32
    %convert_element_type3A = arith.extui %eq3A_13 : i1 to i32
    %cond3A = arith.constant 0 : i32
    %cond3A_14 = arith.cmpi ne, %convert_element_type3A, %cond3A : i32
    scf.if %cond3A_14 {
      %broadcast_in_dim3A = arith.constant 0.000000e+00 : f32
      %broadcast_in_dim3A_40 = vector.broadcast %broadcast_in_dim3A : f32 to vector<128x160xf32>
      %swap3A_41 = arith.constant 0 : index
      %swap3A_42 = arith.constant 0 : index
      %swap3A_43 = vector.load %arg10[%swap3A_41, %swap3A_42] : memref<128x160xf32, #tpu.memory_space<vmem>>, vector<128x160xf32>
      tpu.vector_store %arg10[%swap3A_41, %swap3A_42], %broadcast_in_dim3A_40 {strides = array<i32>} : memref<128x160xf32, #tpu.memory_space<vmem>>, vector<128x160xf32>,
    } else {
    }
    %get3A_15 = arith.constant 0 : index
    %get3A_16 = arith.constant 0 : index
    %get3A_17 = vector.load %arg10[%get3A_15, %get3A_16] : memref<128x160xf32, #tpu.memory_space<vmem>>, vector<128x160xf32>
    %get3A_18 = arith.constant 0 : index
    %get3A_19 = arith.constant 0 : index
    %get3A_20 = arith.constant 0 : index
    %get3A_21 = vector.load %arg4[%get3A_18, %get3A_19, %get3A_20] : memref<1x1x512xi32, #tpu.memory_space<vmem>>, vector<1x1x512xi32>
    %get3A_22 = vector.shape_cast %get3A_21 : vector<1x1x512xi32> to vector<1x512xi32>
    %iota3A = tpu.iota {dimensions = array<i32: 0>} : vector<128x512xi32>
    %eq3A_23 = vector.broadcast %get3A_22 : vector<1x512xi32> to vector<128x512xi32>
    %eq3A_24 = arith.cmpi eq, %iota3A, %eq3A_23 : vector<128x512xi32>
    %convert_element_type3A_25 = arith.extui %eq3A_24 : vector<128x512xi1> to vector<128x512xi32>
    %convert_element_type3A_26 = arith.sitofp %convert_element_type3A_25 : vector<128x512xi32> to vector<128x512xf32>
    %get3A_27 = arith.constant 0 : index
    %get3A_28 = arith.constant 0 : index
    %get3A_29 = vector.load %arg3[%get3A_27, %get3A_28] : memref<512x160xf32, #tpu.memory_space<vmem>>, vector<512x160xf32>
    %mul3A = arith.mulf %get3A_29, %dot_general3A_12 : vector<512x160xf32>
    %dot_general3A_30 = arith.constant dense<0.000000e+00> : vector<128x160xf32>
    %dot_general3A_31 = tpu.matmul %convert_element_type3A_26, %mul3A, %dot_general3A_30 {dimension_numbers = #tpu.dot_dimension_numbers<[1], [0], [0], [1], [0, 0, 1, 1], [], []>, transpose_lhs_hint = false} : vector<128x512xf32>, vector<512x160xf32>, vector<128x160xf32> -> vector<128x160xf32>
    %add3A_32 = arith.addf %get3A_17, %dot_general3A_31 : vector<128x160xf32>
    %swap3A = arith.constant 0 : index
    %swap3A_33 = arith.constant 0 : index
    %swap3A_34 = vector.load %arg10[%swap3A, %swap3A_33] : memref<128x160xf32, #tpu.memory_space<vmem>>, vector<128x160xf32>
    tpu.vector_store %arg10[%swap3A, %swap3A_33], %add3A_32 {strides = array<i32>} : memref<128x160xf32, #tpu.memory_space<vmem>>, vector<128x160xf32>,
    %eq3A_35 = arith.constant 19 : i32
    %eq3A_36 = arith.cmpi eq, %arg0, %eq3A_35 : i32
    %convert_element_type3A_37 = arith.extui %eq3A_36 : i1 to i32
    %cond3A_38 = arith.constant 0 : i32
    %cond3A_39 = arith.cmpi ne, %convert_element_type3A_37, %cond3A_38 : i32
    scf.if %cond3A_39 {
      %iota3A_40 = tpu.iota {dimensions = array<i32: 0>} : vector<160x16xi32>
      %jit3A = arith.constant 10 : i32
      %div3A = vector.broadcast %jit3A : i32 to vector<160x16xi32>
      %div3A_41 = arith.divsi %iota3A_40, %div3A : vector<160x16xi32>
      %sign3A = arith.constant 0 : i32
      %sign3A_42 = vector.broadcast %sign3A : i32 to vector<160x16xi32>
      %sign3A_43 = arith.cmpi sgt, %iota3A_40, %sign3A_42 : vector<160x16xi32>
      %sign3A_44 = arith.extui %sign3A_43 : vector<160x16xi1> to vector<160x16xi32>
      %sign3A_45 = arith.constant 0 : i32
      %sign3A_46 = vector.broadcast %sign3A_45 : i32 to vector<160x16xi32>
      %sign3A_47 = arith.cmpi slt, %iota3A_40, %sign3A_46 : vector<160x16xi32>
      %sign3A_48 = arith.extui %sign3A_47 : vector<160x16xi1> to vector<160x16xi32>
      %sign3A_49 = arith.subi %sign3A_44, %sign3A_48 : vector<160x16xi32>
      %sign3A_50 = arith.constant 0 : i32
      %sign3A_51 = arith.cmpi sgt, %jit3A, %sign3A_50 : i32
      %sign3A_52 = arith.extui %sign3A_51 : i1 to i32
      %sign3A_53 = arith.constant 0 : i32
      %sign3A_54 = arith.cmpi slt, %jit3A, %sign3A_53 : i32
      %sign3A_55 = arith.extui %sign3A_54 : i1 to i32
      %sign3A_56 = arith.subi %sign3A_52, %sign3A_55 : i32
      %ne3A = vector.broadcast %sign3A_56 : i32 to vector<160x16xi32>
      %ne3A_57 = arith.cmpi ne, %sign3A_49, %ne3A : vector<160x16xi32>
      %rem3A = vector.broadcast %jit3A : i32 to vector<160x16xi32>
      %rem3A_58 = arith.remsi %iota3A_40, %rem3A : vector<160x16xi32>
      %ne3A_59 = arith.constant 0 : i32
      %ne3A_60 = vector.broadcast %ne3A_59 : i32 to vector<160x16xi32>
      %ne3A_61 = arith.cmpi ne, %rem3A_58, %ne3A_60 : vector<160x16xi32>
      %and3A = arith.andi %ne3A_57, %ne3A_61 : vector<160x16xi1>
      %sub3A = arith.constant 1 : i32
      %sub3A_62 = vector.broadcast %sub3A : i32 to vector<160x16xi32>
      %sub3A_63 = arith.subi %div3A_41, %sub3A_62 : vector<160x16xi32>
      %select_n3A = arith.select %and3A, %sub3A_63, %div3A_41 : vector<160x16xi1>, vector<160x16xi32>
      %iota3A_64 = tpu.iota {dimensions = array<i32: 1>} : vector<160x16xi32>
      %eq3A_65 = arith.cmpi eq, %select_n3A, %iota3A_64 : vector<160x16xi32>
      %convert_element_type3A_66 = arith.extui %eq3A_65 : vector<160x16xi1> to vector<160x16xi32>
      %convert_element_type3A_67 = arith.sitofp %convert_element_type3A_66 : vector<160x16xi32> to vector<160x16xf32>
      %get3A_68 = arith.constant 0 : index
      %get3A_69 = arith.constant 0 : index
      %get3A_70 = vector.load %arg5[%get3A_68, %get3A_69] : memref<128x160xf32, #tpu.memory_space<vmem>>, vector<128x160xf32>
      %dot_general3A_71 = arith.constant dense<0.000000e+00> : vector<128x16xf32>
      %dot_general3A_72 = tpu.matmul %get3A_70, %convert_element_type3A_67, %dot_general3A_71 {dimension_numbers = #tpu.dot_dimension_numbers<[1], [0], [0], [1], [0, 0, 1, 1], [], []>, transpose_lhs_hint = false} : vector<128x160xf32>, vector<160x16xf32>, vector<128x16xf32> -> vector<128x16xf32>
      %get3A_73 = arith.constant 0 : index
      %get3A_74 = arith.constant 0 : index
      %get3A_75 = vector.load %arg6[%get3A_73, %get3A_74] : memref<128x160xf32, #tpu.memory_space<vmem>>, vector<128x160xf32>
      %dot_general3A_76 = arith.constant dense<0.000000e+00> : vector<128x16xf32>
      %dot_general3A_77 = tpu.matmul %get3A_75, %convert_element_type3A_67, %dot_general3A_76 {dimension_numbers = #tpu.dot_dimension_numbers<[1], [0], [0], [1], [0, 0, 1, 1], [], []>, transpose_lhs_hint = false} : vector<128x160xf32>, vector<160x16xf32>, vector<128x16xf32> -> vector<128x16xf32>
      %get3A_78 = arith.constant 0 : index
      %get3A_79 = arith.constant 0 : index
      %get3A_80 = vector.load %arg10[%get3A_78, %get3A_79] : memref<128x160xf32, #tpu.memory_space<vmem>>, vector<128x160xf32>
      %dot_general3A_81 = arith.constant dense<0.000000e+00> : vector<128x16xf32>
      %dot_general3A_82 = tpu.matmul %get3A_80, %convert_element_type3A_67, %dot_general3A_81 {dimension_numbers = #tpu.dot_dimension_numbers<[1], [0], [0], [1], [0, 0, 1, 1], [], []>, transpose_lhs_hint = false} : vector<128x160xf32>, vector<160x16xf32>, vector<128x16xf32> -> vector<128x16xf32>
      %get3A_83 = arith.constant 0 : index
      %get3A_84 = arith.constant 0 : index
      %get3A_85 = vector.load %arg7[%get3A_83, %get3A_84] : memref<48x128xf32, #tpu.memory_space<vmem>>, vector<16x128xf32>
      %dot_general3A_86 = arith.constant dense<0.000000e+00> : vector<128x128xf32>
      %dot_general3A_87 = tpu.matmul %dot_general3A_72, %get3A_85, %dot_general3A_86 {dimension_numbers = #tpu.dot_dimension_numbers<[1], [0], [0], [1], [0, 0, 1, 1], [], []>, transpose_lhs_hint = false} : vector<128x16xf32>, vector<16x128xf32>, vector<128x128xf32> -> vector<128x128xf32>
      %get3A_88 = arith.constant 16 : index
      %get3A_89 = arith.constant 0 : index
      %get3A_90 = vector.load %arg7[%get3A_88, %get3A_89] : memref<48x128xf32, #tpu.memory_space<vmem>>, vector<16x128xf32>
      %dot_general3A_91 = arith.constant dense<0.000000e+00> : vector<128x128xf32>
      %dot_general3A_92 = tpu.matmul %dot_general3A_77, %get3A_90, %dot_general3A_91 {dimension_numbers = #tpu.dot_dimension_numbers<[1], [0], [0], [1], [0, 0, 1, 1], [], []>, transpose_lhs_hint = false} : vector<128x16xf32>, vector<16x128xf32>, vector<128x128xf32> -> vector<128x128xf32>
      %add3A_93 = arith.addf %dot_general3A_87, %dot_general3A_92 : vector<128x128xf32>
      %get3A_94 = arith.constant 32 : index
      %get3A_95 = arith.constant 0 : index
      %get3A_96 = vector.load %arg7[%get3A_94, %get3A_95] : memref<48x128xf32, #tpu.memory_space<vmem>>, vector<16x128xf32>
      %dot_general3A_97 = arith.constant dense<0.000000e+00> : vector<128x128xf32>
      %dot_general3A_98 = tpu.matmul %dot_general3A_82, %get3A_96, %dot_general3A_97 {dimension_numbers = #tpu.dot_dimension_numbers<[1], [0], [0], [1], [0, 0, 1, 1], [], []>, transpose_lhs_hint = false} : vector<128x16xf32>, vector<16x128xf32>, vector<128x128xf32> -> vector<128x128xf32>
      %add3A_99 = arith.addf %add3A_93, %dot_general3A_98 : vector<128x128xf32>
      %get3A_100 = arith.constant 0 : index
      %get3A_101 = arith.constant 0 : index
      %get3A_102 = vector.load %arg8[%get3A_100, %get3A_101] : memref<1x128xf32, #tpu.memory_space<vmem>>, vector<1x128xf32>
      %add3A_103 = vector.broadcast %get3A_102 : vector<1x128xf32> to vector<128x128xf32>
      %add3A_104 = arith.addf %add3A_99, %add3A_103 : vector<128x128xf32>
      %ge3A = arith.constant 0.000000e+00 : f32
      %ge3A_105 = vector.broadcast %ge3A : f32 to vector<128x128xf32>
      %ge3A_106 = arith.cmpf oge, %add3A_104, %ge3A_105 : vector<128x128xf32>
      %mul3A_107 = arith.constant 0.00999999977 : f32
      %mul3A_108 = vector.broadcast %mul3A_107 : f32 to vector<128x128xf32>
      %mul3A_109 = arith.mulf %mul3A_108, %add3A_104 : vector<128x128xf32>
      %select_n3A_110 = arith.select %ge3A_106, %add3A_104, %mul3A_109 : vector<128x128xi1>, vector<128x128xf32>
      %swap3A_111 = arith.constant 0 : index
      %swap3A_112 = arith.constant 0 : index
      %swap3A_113 = vector.load %arg9[%swap3A_111, %swap3A_112] : memref<128x128xf32, #tpu.memory_space<vmem>>, vector<128x128xf32>
      tpu.vector_store %arg9[%swap3A_111, %swap3A_112], %select_n3A_110 {strides = array<i32>} : memref<128x128xf32, #tpu.memory_space<vmem>>, vector<128x128xf32>,
    } else {
    }
    return
  }
  func.func @transform_0(%arg0: i32) -> (i32, i32, i32) {
    %c0_i32 = arith.constant 0 : i32
    %c0_i32_0 = arith.constant 0 : i32
    %c0_i32_1 = arith.constant 0 : i32
    return %c0_i32, %arg0, %c0_i32_0 : i32, i32, i32
  }
  func.func @transform_1(%arg0: i32) -> (i32, i32) {
    %c0_i32 = arith.constant 0 : i32
    %c0_i32_0 = arith.constant 0 : i32
    %c0_i32_1 = arith.constant 0 : i32
    return %c0_i32, %c0_i32_0 : i32, i32
  }
  func.func @transform_2(%arg0: i32) -> (i32, i32) {
    %c0_i32 = arith.constant 0 : i32
    %c0_i32_0 = arith.constant 0 : i32
    return %arg0, %c0_i32 : i32, i32
  }
  func.func @transform_3(%arg0: i32) -> (i32, i32, i32) {
    %c0_i32 = arith.constant 0 : i32
    %c0_i32_0 = arith.constant 0 : i32
    %c0_i32_1 = arith.constant 0 : i32
    return %arg0, %c0_i32, %c0_i32_0 : i32, i32, i32
  }
  func.func @transform_4(%arg0: i32) -> (i32, i32) {
    %c0_i32 = arith.constant 0 : i32
    %c0_i32_0 = arith.constant 0 : i32
    %c0_i32_1 = arith.constant 0 : i32
    return %c0_i32, %c0_i32_0 : i32, i32
  }
  func.func @transform_5(%arg0: i32) -> (i32, i32) {
    %c0_i32 = arith.constant 0 : i32
    %c0_i32_0 = arith.constant 0 : i32
    %c0_i32_1 = arith.constant 0 : i32
    return %c0_i32, %c0_i32_0 : i32, i32
  }
  func.func @transform_6(%arg0: i32) -> (i32, i32) {
    %c0_i32 = arith.constant 0 : i32
    %c0_i32_0 = arith.constant 0 : i32
    %c0_i32_1 = arith.constant 0 : i32
    return %c0_i32, %c0_i32_0 : i32, i32
  }
  func.func @transform_7(%arg0: i32) -> (i32, i32) {
    %c0_i32 = arith.constant 0 : i32
    %c0_i32_0 = arith.constant 0 : i32
    %c0_i32_1 = arith.constant 0 : i32
    return %c0_i32, %c0_i32_0 : i32, i32
  }
  func.func @transform_8(%arg0: i32) -> (i32, i32) {
    %c0_i32 = arith.constant 0 : i32
    %c0_i32_0 = arith.constant 0 : i32
    %c0_i32_1 = arith.constant 0 : i32
    return %c0_i32, %c0_i32_0 : i32, i32
  }
}

</mosaic_0001>

<sc_bundles>
// kernel: kernel.11.cloned.1.call-start
scs
__scs_entry_jumppad:
0x0: {  	(pc) =	sbr.rel $0x88, $3  }
0x1: {  	(tag) =	ssettag $0x0;
	lr =	simm.s32 $0x1  }
0x2: {  	[smem:$0x3F97] =	sst lr;
	_ =	strace $0xD0000000  }
0x3: {  	_ = 	snop  }
0x4: {  	_ = 	snop  }
0x5: {  	_ = 	snop  }
0x6: {  	_ = 	snop  }
0x7: {  	_ = 	snop  }
__scs_overlays_trampoline_lowered:
0x8: {  	[smem:$0x3FA6] =	sst s0  }
0x9: {  	[smem:$0x3FA7] =	sst s1  }
0xa: {  	[smem:$0x3FA8] =	sst s2  }
0xb: {  	[smem:$0x3FA9] =	sst s3  }
0xc: {  	[smem:$0x3FAA] =	sst s4  }
0xd: {  	[smem:$0x3FAB] =	sst s5  }
0xe: {  	[smem:$0x3FAC] =	sst s6  }
0xf: {  	[smem:$0x3FAD] =	sst s7  }
0x10: {  	[smem:$0x3FAE] =	sst s8  }
0x11: {  	[smem:$0x3FAF] =	sst s9;
	s0 =	simm.s32 @!p0 $0x0  }
0x12: {  	s1 =	sld [smem:$0x3F95];
	s0 =	simm.s32 @p0 $0x1  }
0x13: {  	[smem:$0x3FB0] =	sst s0;
	s0 =	simm.s32 @!p1 $0x0  }
0x14: {  	s2 =	sld [smem:$0x3F94];
	s0 =	simm.s32 @p1 $0x1  }
0x15: {  	[smem:$0x3FB1] =	sst s0;
	s0 =	simm.s32 @!p2 $0x0  }
0x16: {  	s3 =	sld [smem:$0x3FDB];
	s0 =	simm.s32 @p2 $0x1  }
0x17: {  	s4 =	simm.s32 $0x1BF5;
	[smem:$0x3FB3] =	sst s0  }
0x18: {  	s0 =	sld [smem:$0x3F96];
	_ =	swait.ge [sflag:s4], $0x0  }
0x19: {  	s7 =	sld [smem:$0x3F97]  }
0x1a: {  	s8 =	sadd.s32 $0xFFFFE003, lr  }
0x1b: {  	s9 =	sadd.s32 $0xFFFFFEF7, lr;
	s5 =	simm.s32 $0xFFFFFFFF;
	p2 =	slt.u32 s8, $0xFFFFF086  }
0x1c: {  	p1 =	slt.u32 s9, $0xF7A;
	s5 =	simm.s32 @!p2 $0x0  }
0x1d: {  	s5 =	simm.s32 @p1 $0x1;
	p0 =	seq.s32 s7, s2  }
0x1e: {  	s7 =	smul.u32 @!p0 $0xF7A, s2;
	p2 =	seq.s32 @!p0 s5, $0x0  }
0x1f: {  	s9 =	smul.u32 $0xF7A, s1;
	s8 =	simm.s32 @!p0 $0x1BF5;
	p2 =	por !p2, p0  }
0x20: {  	[sflag:s8] =	ssyncset.s32 @!p0 $0xFFFFF086;
	s6 =	sadd.s32 @!p0 s3, s7;
	s7 =	simm.s32 @!p0 $0x108  }
0x21: {  	s3 =	sadd.s32 s3, s9;
	s6 =	sadd.s32 @!p0 $0x88, s6;
	s7 =	simm.s32 @p2 $0x1082  }
0x22: {  	[simem:s7], [sflag:s8] =	dma.local @!p0 [hbm:s6], $0xF7A  }
0x23: {  	s9 =	sor.u32 $0xD0000000, s2;
	s6 =	simm.s32 $0x108;
	_ =	swait.ge @!p0 [sflag:s8], $0x0  }
0x24: {  	s3 =	sadd.s32 $0x88, s3;
	s6 =	simm.s32 @!p1 $0x1082;
	[sflag:s4] =	ssyncset.s32 $0xFFFFF086  }
0x25: {  	[simem:s6], [sflag:s4] =	dma.local [hbm:s3], $0xF7A  }
0x26: {  	[smem:$0x3F97] =	sst s1;
	(tag) =	ssettag s2;
	_ =	strace s9  }
0x27: {  	s1 =	sld [smem:$0x3FA7]  }
0x28: {  	s2 =	sld [smem:$0x3FA8]  }
0x29: {  	s4 =	sld [smem:$0x3FAA]  }
0x2a: {  	p0 =	seq.s32 s5, $0x0;
	s5 =	sld [smem:$0x3FAB]  }
0x2b: {  	s6 =	sld [smem:$0x3FAC]  }
0x2c: {  	s7 =	sld [smem:$0x3FAD]  }
0x2d: {  	s3 =	simm.s32 $0x108;
	s8 =	sld [smem:$0x3FAE]  }
0x2e: {  	s3 =	simm.s32 @!p0 $0x1082;
	s9 =	sld [smem:$0x3FAF]  }
0x2f: {  	lr =	sadd.s32 s0, s3;
	s0 =	sld [smem:$0x3FA6]  }
0x30: {  	s3 =	sld [smem:$0x3FA9]  }
0x31: {  	[smem:$0x3FB2] =	sst s10  }
0x32: {  	s10 =	sld [smem:$0x3FB0];
	_ =	sdelay $0x3  }
0x33: {  	p0 =	seq.s32 s10, $0x1;
	s10 =	sld [smem:$0x3FB2];
	_ =	sdelay $0x3  }
0x34: {  	[smem:$0x3FB2] =	sst s10  }
0x35: {  	s10 =	sld [smem:$0x3FB1];
	_ =	sdelay $0x3  }
0x36: {  	p1 =	seq.s32 s10, $0x1;
	s10 =	sld [smem:$0x3FB2];
	_ =	sdelay $0x3  }
0x37: {  	[smem:$0x3FB2] =	sst s10  }
0x38: {  	s10 =	sld [smem:$0x3FB3]  }
0x39: {  	_ = 	snop;
	(pc) =	sbr.ind lr, $3  }
0x3a: {  	_ = 	snop  }
0x3b: {  	_ = 	snop  }
0x3c: {  	p2 =	seq.s32 s10, $0x1;
	s10 =	sld [smem:$0x3FB2]  }
0x3d: {  	_ =	shalt  }
0x3e: {  	_ =	shalt  }
0x3f: {  	_ =	shalt  }
0x40: {  	_ =	shalt  }
0x41: {  	_ =	shalt  }
0x42: {  	_ =	shalt  }
0x43: {  	_ =	shalt  }
0x44: {  	_ =	shalt  }
0x45: {  	_ =	shalt  }
0x46: {  	_ =	shalt  }
0x47: {  	_ =	shalt  }
0x48: {  	_ =	shalt  }
0x49: {  	_ =	shalt  }
0x4a: {  	_ =	shalt  }
0x4b: {  	_ =	shalt  }
0x4c: {  	_ =	shalt  }
0x4d: {  	_ =	shalt  }
0x4e: {  	_ =	shalt  }
0x4f: {  	_ =	shalt  }
0x50: {  	_ =	shalt  }
0x51: {  	_ =	shalt  }
0x52: {  	_ =	shalt  }
0x53: {  	_ =	shalt  }
0x54: {  	_ =	shalt  }
0x55: {  	_ =	shalt  }
0x56: {  	_ =	shalt  }
0x57: {  	_ =	shalt  }
0x58: {  	_ =	shalt  }
0x59: {  	_ =	shalt  }
0x5a: {  	_ =	shalt  }
0x5b: {  	_ =	shalt  }
0x5c: {  	_ =	shalt  }
0x5d: {  	_ =	shalt  }
0x5e: {  	_ =	shalt  }
0x5f: {  	_ =	shalt  }
0x60: {  	_ =	shalt  }
0x61: {  	_ =	shalt  }
0x62: {  	_ =	shalt  }
0x63: {  	_ =	shalt  }
0x64: {  	_ =	shalt  }
0x65: {  	_ =	shalt  }
0x66: {  	_ =	shalt  }
0x67: {  	_ =	shalt  }
0x68: {  	_ =	shalt  }
0x69: {  	_ =	shalt  }
0x6a: {  	_ =	shalt  }
0x6b: {  	_ =	shalt  }
0x6c: {  	_ =	shalt  }
0x6d: {  	_ =	shalt  }
0x6e: {  	_ =	shalt  }
0x6f: {  	_ =	shalt  }
0x70: {  	_ =	shalt  }
0x71: {  	_ =	shalt  }
0x72: {  	_ =	shalt  }
0x73: {  	_ =	shalt  }
0x74: {  	_ =	shalt  }
0x75: {  	_ =	shalt  }
0x76: {  	_ =	shalt  }
0x77: {  	_ =	shalt  }
0x78: {  	_ =	shalt  }
0x79: {  	_ =	shalt  }
0x7a: {  	_ =	shalt  }
0x7b: {  	_ =	shalt  }
0x7c: {  	_ =	shalt  }
0x7d: {  	_ =	shalt  }
0x7e: {  	_ =	shalt  }
0x7f: {  	_ =	shalt  }
0x80: {  	_ =	shalt  }
0x81: {  	_ =	shalt  }
0x82: {  	_ =	shalt  }
0x83: {  	_ =	shalt  }
0x84: {  	_ =	shalt  }
0x85: {  	_ =	shalt  }
0x86: {  	_ =	shalt  }
0x87: {  	_ =	shalt  }
.Lfunc_end0:
.L_simem_size_0:
called_computation_lowered:
.L_overlay_start_0:
0x88: {  	s2 =	sld [smem:$0x3FD9]  }
0x89: {  	s3 =	sld [smem:$0x3FFE];
	_ =	sdelay $0x1  }
0x8a: {  	s1 =	srdreg.scid  }
0x8b: {  	s0 =	sand.u32 $0x1, s1  }
0x8c: {  	s17 =	sshll.u32 s0, $0xA;
	s2 =	sadd.s32 s3, s2  }
0x8d: {  	s2 =	sadd.s32 s2, s17  }
0x8e: {  	[smem:$0x3FBE] =	sst s2  }
0x8f: {  	_ = 	snop  }
0x90: {  	s2 =	sld [smem:$0x3FC6]  }
0x91: {  	s18 =	sld [smem:$0x3FD0];
	(tm) =	ssettm $0x1  }
0x92: {  	s4 =	sld [smem:$0x3FFB];
	_ =	sdelay $0x3  }
0x93: {  	_ =	strace s4  }
0x94: {  	s4 =	sld [smem:$0x3FFC];
	_ =	sdelay $0x3  }
0x95: {  	_ =	strace s4  }
0x96: {  	s4 =	sld [smem:$0x3FFD];
	_ =	sdelay $0x3  }
0x97: {  	_ =	strace s4  }
0x98: {  	_ =	strace $0x8FFFFFFF  }
0x99: {  	s19 =	sld [smem:$0x3FDB];
	_ =	sdelay $0x1  }
0x9a: {  	s5 =	simm.s32 $_scs_section_size  }
0x9b: {  	s6 =	simm.s32 $_size__tile_overlayer_lowered;
	s7 =	simm.s32 $_tile_overlayer_lowered  }
0x9c: {  	s22 =	simm.s32 $0x1BFF;
	s21 =	sshll.u32 s7, $0x1;
	s4 =	sadd.s32 s5, s19  }
0x9d: {  	s8 =	simm.s32 $0x0;
	s20 =	sshll.u32 s6, $0x1;
	s6 =	sadd.s32 s21, s4  }
0x9e: {  	[timem:s8], [sflag:s22] =	dma.local [hbm:s6], s20  }
0x9f: {  	_ =	swait.ge [sflag:s22], s20  }
0xa0: {  	s5 =	ssub.s32 $0x0, s20;
	[sflag:s22] =	ssyncset.done $0x0  }
0xa1: {  	[sflag:s22] =	ssyncadd.s32 s5;
	_ =	sdelay $0x1  }
0xa2: {  	s23 =	simm.s32 $0x1B8B  }
0xa3: {  	_ =	swait.ge [sflag:s23], $0x1  }
0xa4: {  	[sflag:s23] =	ssyncset.done $0x0  }
0xa5: {  	s25 =	simm.s32 $0x1B8E;
	s24 =	sld [smem:$0x3FFE];
	[sflag:s23] =	ssyncadd.s32 $0xFFFFFFFF  }
0xa6: {  	s26 =	simm.s32 $execute0_lowered;
	[smem:$0x3FD2] =	sst s25  }
0xa7: {  	s6 =	sshll.u32 s26, $0x1;
	_ =	strace $0x80000046;
	[dreg:$0x1] =	wrdreg $0xFFFFFFFF  }
0xa8: {  	s28 =	simm.s32 $_size_execute0_lowered;
	s4 =	sadd.s32 s4, s6;
	[dreg:$0x0] =	wrdreg $0x0  }
0xa9: {  	s6 =	sshll.u32 s28, $0x1;
	[dreg:$0x2] =	wrdreg s4  }
0xaa: {  	[dreg:$0x3] =	wrdreg s6  }
0xab: {  	[dreg:$0x4] =	wrdreg $0xC0  }
0xac: {  	_ =	task [dreg:s8], $0x5FFFF  }
0xad: {  	[dreg:$0x1] =	wrdreg $0xFFFFFFFF  }
0xae: {  	[dreg:$0x0] =	wrdreg $0x60  }
0xaf: {  	[dreg:$0x2] =	wrdreg s18  }
0xb0: {  	[dreg:$0x3] =	wrdreg s2  }
0xb1: {  	[dreg:$0x4] =	wrdreg s24  }
0xb2: {  	[dreg:$0x5] =	wrdreg $0x9  }
0xb3: {  	_ =	task.clear_ibuf [dreg:s8], $0x6FFFF;
	_ =	strace $0x90000046  }
0xb4: {  	s29 =	simm.s32 $0x9;
	_ =	strace $0x80000048  }
0xb5: {  	_ =	swait.ge [sflag:s29], $0x1  }
0xb6: {  	[sflag:s29] =	ssyncadd.s32 $0xFFFFFFFF  }
0xb7: {  	_ =	strace $0x90000048  }
0xb8: {  	_ =	sfence  }
0xb9: {  	s30 =	sld [smem:$0x0];
	_ =	sdelay $0x2  }
0xba: {  	s31 =	sshll.u32 s1, $0xD;
	s1 =	sshrl.u32 s1, $0x2  }
0xbb: {  	s3 =	sand.u32 $0x4000, s31;
	s1 =	sadd.s32 s1, s30  }
0xbc: {  	s0 =	sor.u32 s3, s0;
	s1 =	sshll.u32 s1, $0x11  }
0xbd: {  	s0 =	sor.u32 s1, s0  }
0xbe: {  	s0 =	sadd.s32 $0x8F2B, s0  }
0xbf: {  	[sflag:s0] =	ssyncadd.remote.s32 $0x1  }
0xc0: {  	_ =	sfence.sel $0xFFFF  }
0xc1: {  	[dreg:$0x0] =	wrdreg $0xFFFFFFFF;
	(pc) =	sbr.abs _section_cstart, $3  }
0xc2: {  	[dreg:$0x1] =	wrdreg $0xFFFFFFFF  }
0xc3: {  	_ =	task.clear_ibuf [dreg:s8], $0x2FFFF;
	_ =	strace $0x9FFFFFFF  }
0xc4: {  	(tm) =	ssettm $0x7FFFFFFF  }
0xc5: {  	_ =	shalt  }
tec
execute0_lowered:
.L_overlay_start_1:
0x0: {  	(tag) =	ssettag $0x1  }
0x1: {  	s8 =	rddreg [dreg:$0x0];
	s2 =	srdreg.scid  }
0x2: {  	s1 =	rddreg [dreg:$0x1];
	s19 =	sand.u32 $0x1, s2  }
0x3: {  	s14 =	rddreg [dreg:$0x2];
	s2 =	stileid.u32;
	s4 =	sshll.u32 s19, $0x4  }
0x4: {  	s0 =	rddreg [dreg:$0x3];
	s3 =	simm.s32 $0x0;
	s15 =	sor.u32 s2, s4  }
0x5: {  	[smem:$0x7FF] =	sst s3;
	s4 =	sshll.u32 s15, $0x4  }
0x6: {  	s5 =	simm.s32 $0x3;
	_ =	strace $0x80000047;
	s4 =	sadd.s32 s8, s4  }
0x7: {  	[tilespmem:s3], [sflag:$0x3] =	stream.linear.gather [hbm4b:s4+s3], $0x80, $0x38;
	[tilespmem:$0x8180] =	vst v63  }
0x8: {  	s17 =	sor.u32 $0x20, s15;
	_ =	swait.ge [sflag:s5], $0x80  }
0x9: {  	s7 =	simm.s32 $0x80;
	s6 =	sshll.u32 s17, $0x4;
	[sflag:s5] =	ssyncset.done $0x0  }
0xa: {  	p0 =	sne.s32 s19, $0x0;
	s6 =	sadd.s32 s8, s6;
	[sflag:s5] =	ssyncadd.s32 $0xFFFFFF80  }
0xb: {  	[tilespmem:s7], [sflag:$0x3] =	stream.linear.gather [hbm4b:s6+s3], $0x80, $0x38;
	[tilespmem:$0x8180] =	vst v63  }
0xc: {  	s10 =	simm.s32 @!p0 $0x0;
	s21 =	sor.u32 $0x40, s15;
	_ =	swait.ge [sflag:s5], $0x80  }
0xd: {  	s11 =	simm.s32 @!p0 $0x100;
	s9 =	sshll.u32 s21, $0x4;
	[sflag:s5] =	ssyncset.done $0x0  }
0xe: {  	s8 =	sadd.s32 s8, s9;
	s9 =	simm.s32 @!p0 $0x3;
	[sflag:s5] =	ssyncadd.s32 $0xFFFFFF80  }
0xf: {  	[tilespmem:s11], [sflag:$0x3] =	stream.linear.gather @!p0 [hbm4b:s8+s10], $0x80, $0x38;
	[tilespmem:$0x8180] =	vst v63  }
0x10: {  	_ =	swait.ge @!p0 [sflag:s9], $0x80  }
0x11: {  	[sflag:s9] =	ssyncset.done @!p0 $0x0  }
0x12: {  	s12 =	simm.s32 $0x180;
	s13 =	simm.s32 $0x1;
	[sflag:s9] =	ssyncadd.s32 @!p0 $0xFFFFFF80  }
0x13: {  	[tilespmem:s12], [sflag:$0x1] =	stream.indirect.gather [hbm4b:s1+s7], $0x80, s3, s7, $0xb8;
	[tilespmem:$0x8180] =	vst v63  }
0x14: {  	_ =	swait.ge [sflag:s13], $0x4000  }
0x15: {  	s22 =	sadd.s32 $0x2600, s14;
	[sflag:s13] =	ssyncset.done $0x0  }
0x16: {  	s14 =	simm.s32 $0x4180;
	s15 =	sshll.u32 s15, $0xB;
	[sflag:s13] =	ssyncadd.s32 $0xFFFFC000  }
0x17: {  	[tilespmem:s14], [sflag:$0x2] =	stream.indirect.gather [hbm4b:s1+s7], $0x80, s7, s7, $0xb8;
	[tilespmem:$0x8180] =	vst v63  }
0x18: {  	s15 =	sadd.s32 s22, s15  }
0x19: {  	[hbm4b:s15+s3] =	stream.linear.scatter [tilespmem:s12], [sflag:$0x3], $0x4000, $0x38;
	[tilespmem:$0x8180] =	vst v63  }
0x1a: {  	_ =	swait.ge [sflag:s5], $0x4000  }
0x1b: {  	[sflag:s5] =	ssyncset.done $0x0  }
0x1c: {  	s16 =	simm.s32 $0x2;
	[sflag:s5] =	ssyncadd.s32 $0xFFFFC000  }
0x1d: {  	_ =	swait.ge [sflag:s16], $0x4000  }
0x1e: {  	s23 =	ssub.s32 $0x2, s19;
	s18 =	simm.s32 @!p0 $0x180;
	[sflag:s16] =	ssyncset.done $0x0  }
0x1f: {  	s20 =	sshll.u32 s17, $0xB;
	s17 =	simm.s32 @!p0 $0x80;
	[sflag:s16] =	ssyncadd.s32 $0xFFFFC000  }
0x20: {  	[tilespmem:s18], [sflag:$0x1] =	stream.indirect.gather @!p0 [hbm4b:s1+s17], $0x80, s11, s17, $0xb8;
	[tilespmem:$0x8180] =	vst v63  }
0x21: {  	s24 =	sshrl.u32 s23, $0x1;
	s19 =	sadd.s32 s22, s20;
	s20 =	simm.s32 @!p0 $0x4180  }
0x22: {  	[hbm4b:s19+s10] =	stream.linear.scatter @!p0 [tilespmem:s20], [sflag:$0x3], $0x4000, $0x38;
	[tilespmem:$0x8180] =	vst v63  }
0x23: {  	s23 =	ssub.s32 s23, s24;
	_ =	swait.ge @!p0 [sflag:s9], $0x4000  }
0x24: {  	s30 =	sshll.u32 s21, $0xB;
	s31 =	smax.u32 s23, $0x1;
	[sflag:s9] =	ssyncset.done @!p0 $0x0  }
0x25: {  	s21 =	simm.s32 @!p0 $0x1;
	s24 =	sadd.s32 $0xFFFFFFFF, s31;
	[sflag:s9] =	ssyncadd.s32 @!p0 $0xFFFFC000  }
0x26: {  	s23 =	simm.s32 @!p0 $0x180;
	p1 =	sne.s32 s24, $0x0;
	_ =	swait.ge @!p0 [sflag:s21], $0x4000  }
.Ltmp0:
0x27: {  	s22 =	sadd.s32 s22, s30;
	[sflag:s21] =	ssyncset.done @!p0 $0x0;
	(pc) =	sbr.rel @!p1 .LBB2_2-.Ltmp0, $4  }
0x28: {  	s23 =	simm.s32 @p0 $0x4180;
	s22 =	smov.u32 @p0 s19;
	[sflag:s21] =	ssyncadd.s32 @!p0 $0xFFFFC000  }
0x29: {  	[hbm4b:s22+s3] =	stream.linear.scatter [tilespmem:s23], [sflag:$0x3], $0x4000, $0x38;
	[tilespmem:$0x8180] =	vst v63  }
0x2a: {  	_ =	swait.ge [sflag:s5], $0x4000  }
0x2b: {  	[sflag:s5] =	ssyncset.done $0x0  }
.LBB2_1:
0x2c: {  	s24 =	sadd.s32 $0xFFFFFFFF, s24;
	[sflag:s5] =	ssyncadd.s32 $0xFFFFC000  }
0x2d: {  	[tilespmem:s3], [sflag:$0x3] =	stream.linear.gather [hbm4b:s4+s3], $0x80, $0x38;
	[tilespmem:$0x8180] =	vst v63  }
0x2e: {  	p1 =	sne.s32 s24, $0x0;
	_ =	swait.ge [sflag:s5], $0x80  }
0x2f: {  	[sflag:s5] =	ssyncset.done $0x0  }
0x30: {  	[sflag:s5] =	ssyncadd.s32 $0xFFFFFF80  }
0x31: {  	[tilespmem:s7], [sflag:$0x3] =	stream.linear.gather [hbm4b:s6+s3], $0x80, $0x38;
	[tilespmem:$0x8180] =	vst v63  }
0x32: {  	_ =	swait.ge [sflag:s5], $0x80  }
0x33: {  	[sflag:s5] =	ssyncset.done $0x0  }
0x34: {  	[sflag:s5] =	ssyncadd.s32 $0xFFFFFF80  }
0x35: {  	[tilespmem:s11], [sflag:$0x3] =	stream.linear.gather @!p0 [hbm4b:s8+s10], $0x80, $0x38;
	[tilespmem:$0x8180] =	vst v63  }
0x36: {  	_ =	swait.ge @!p0 [sflag:s9], $0x80  }
0x37: {  	[sflag:s9] =	ssyncset.done @!p0 $0x0  }
0x38: {  	[sflag:s9] =	ssyncadd.s32 @!p0 $0xFFFFFF80  }
0x39: {  	[tilespmem:s12], [sflag:$0x1] =	stream.indirect.gather [hbm4b:s1+s7], $0x80, s3, s7, $0xb8;
	[tilespmem:$0x8180] =	vst v63  }
0x3a: {  	_ =	swait.ge [sflag:s13], $0x4000  }
0x3b: {  	[sflag:s13] =	ssyncset.done $0x0  }
0x3c: {  	[sflag:s13] =	ssyncadd.s32 $0xFFFFC000  }
0x3d: {  	[tilespmem:s14], [sflag:$0x2] =	stream.indirect.gather [hbm4b:s1+s7], $0x80, s7, s7, $0xb8;
	[tilespmem:$0x8180] =	vst v63  }
0x3e: {  	_ = 	snop  }
0x3f: {  	[hbm4b:s15+s3] =	stream.linear.scatter [tilespmem:s12], [sflag:$0x3], $0x4000, $0x38;
	[tilespmem:$0x8180] =	vst v63  }
0x40: {  	_ =	swait.ge [sflag:s5], $0x4000  }
0x41: {  	[sflag:s5] =	ssyncset.done $0x0  }
0x42: {  	[sflag:s5] =	ssyncadd.s32 $0xFFFFC000  }
0x43: {  	_ =	swait.ge [sflag:s16], $0x4000  }
0x44: {  	[sflag:s16] =	ssyncset.done $0x0  }
0x45: {  	[sflag:s16] =	ssyncadd.s32 $0xFFFFC000  }
0x46: {  	[tilespmem:s18], [sflag:$0x1] =	stream.indirect.gather @!p0 [hbm4b:s1+s17], $0x80, s11, s17, $0xb8;
	[tilespmem:$0x8180] =	vst v63  }
0x47: {  	_ = 	snop  }
0x48: {  	[hbm4b:s19+s10] =	stream.linear.scatter @!p0 [tilespmem:s20], [sflag:$0x3], $0x4000, $0x38;
	[tilespmem:$0x8180] =	vst v63  }
0x49: {  	_ =	swait.ge @!p0 [sflag:s9], $0x4000  }
0x4a: {  	[sflag:s9] =	ssyncset.done @!p0 $0x0  }
0x4b: {  	[sflag:s9] =	ssyncadd.s32 @!p0 $0xFFFFC000  }
0x4c: {  	_ =	swait.ge @!p0 [sflag:s21], $0x4000  }
.Ltmp1:
0x4d: {  	[sflag:s21] =	ssyncset.done @!p0 $0x0;
	(pc) =	sbr.rel @p1 .LBB2_1-.Ltmp1, $4  }
0x4e: {  	[sflag:s21] =	ssyncadd.s32 @!p0 $0xFFFFC000  }
0x4f: {  	[hbm4b:s22+s3] =	stream.linear.scatter [tilespmem:s23], [sflag:$0x3], $0x4000, $0x38;
	[tilespmem:$0x8180] =	vst v63  }
0x50: {  	_ =	swait.ge [sflag:s5], $0x4000  }
0x51: {  	[sflag:s5] =	ssyncset.done $0x0  }
.LBB2_2:
0x52: {  	[sflag:s5] =	ssyncadd.s32 $0xFFFFC000  }
0x53: {  	_ =	sfence.sel $0x180000  }
0x54: {  	[bflag:$0x0] =	sbarrier.arrive $0xFFFF  }
0x55: {  	p0 =	sne.s32 s2, $0x0;
	_ =	strace $0x90000047  }
0x56: {  	s0 =	sadd.s32 @!p0 $0x100000, s0;
	[bflag:$0x2] =	sbarrier.arrive $0xFFFF  }
0x57: {  	[sflag:s0] =	ssyncadd.tile.s32 @!p0 $0x1;
	_ =	shalt  }
.Lfunc_end2:
_tile_overlayer_lowered:
.L_overlay_start_2:
0x58: {  	(tag) =	ssettag $0x2  }
0x59: {  	s0 =	rddreg [dreg:$0x0];
	s2 =	stileid.u32  }
0x5a: {  	s1 =	rddreg [dreg:$0x1];
	p0 =	sne.s32 s2, $0x0  }
0x5b: {  	s3 =	rddreg [dreg:$0x2];
	[bflag:$0x3] =	sbarrier.arrive $0xFFFF;
	s2 =	simm.s32 @!p0 $0x1C03  }
0x5c: {  	[timem:s3], [sflag:s2] =	dma.local @!p0 [hbm:s0], s1  }
0x5d: {  	s0 =	simm.s32 @!p0 $0x3  }
0x5e: {  	_ =	swait.ge @!p0 [sflag:s0], s1  }
0x5f: {  	s1 =	ssub.s32 @!p0 $0x0, s1;
	[sflag:s0] =	ssyncset.done @!p0 $0x0  }
0x60: {  	[sflag:s0] =	ssyncadd.s32 @!p0 s1  }
0x61: {  	[bflag:$0x3] =	sbarrier.arrive $0xFFFF  }
0x62: {  	_ =	shalt  }

// kernel: kernel.14.cloned.1.call-start
scs
__scs_entry_jumppad:
0x0: {  	(pc) =	sbr.rel $0x88, $3  }
0x1: {  	(tag) =	ssettag $0x0;
	lr =	simm.s32 $0x1  }
0x2: {  	[smem:$0x3F97] =	sst lr;
	_ =	strace $0xD0000000  }
0x3: {  	_ = 	snop  }
0x4: {  	_ = 	snop  }
0x5: {  	_ = 	snop  }
0x6: {  	_ = 	snop  }
0x7: {  	_ = 	snop  }
__scs_overlays_trampoline_lowered:
0x8: {  	[smem:$0x3FA6] =	sst s0  }
0x9: {  	[smem:$0x3FA7] =	sst s1  }
0xa: {  	[smem:$0x3FA8] =	sst s2  }
0xb: {  	[smem:$0x3FA9] =	sst s3  }
0xc: {  	[smem:$0x3FAA] =	sst s4  }
0xd: {  	[smem:$0x3FAB] =	sst s5  }
0xe: {  	[smem:$0x3FAC] =	sst s6  }
0xf: {  	[smem:$0x3FAD] =	sst s7  }
0x10: {  	[smem:$0x3FAE] =	sst s8  }
0x11: {  	[smem:$0x3FAF] =	sst s9;
	s0 =	simm.s32 @!p0 $0x0  }
0x12: {  	s1 =	sld [smem:$0x3F95];
	s0 =	simm.s32 @p0 $0x1  }
0x13: {  	[smem:$0x3FB0] =	sst s0;
	s0 =	simm.s32 @!p1 $0x0  }
0x14: {  	s2 =	sld [smem:$0x3F94];
	s0 =	simm.s32 @p1 $0x1  }
0x15: {  	[smem:$0x3FB1] =	sst s0;
	s0 =	simm.s32 @!p2 $0x0  }
0x16: {  	s3 =	sld [smem:$0x3FDB];
	s0 =	simm.s32 @p2 $0x1  }
0x17: {  	s4 =	simm.s32 $0x1BF5;
	[smem:$0x3FB3] =	sst s0  }
0x18: {  	s0 =	sld [smem:$0x3F96];
	_ =	swait.ge [sflag:s4], $0x0  }
0x19: {  	s7 =	sld [smem:$0x3F97]  }
0x1a: {  	s8 =	sadd.s32 $0xFFFFE003, lr  }
0x1b: {  	s9 =	sadd.s32 $0xFFFFFEF7, lr;
	s5 =	simm.s32 $0xFFFFFFFF;
	p2 =	slt.u32 s8, $0xFFFFF086  }
0x1c: {  	p1 =	slt.u32 s9, $0xF7A;
	s5 =	simm.s32 @!p2 $0x0  }
0x1d: {  	s5 =	simm.s32 @p1 $0x1;
	p0 =	seq.s32 s7, s2  }
0x1e: {  	s7 =	smul.u32 @!p0 $0xF7A, s2;
	p2 =	seq.s32 @!p0 s5, $0x0  }
0x1f: {  	s9 =	smul.u32 $0xF7A, s1;
	s8 =	simm.s32 @!p0 $0x1BF5;
	p2 =	por !p2, p0  }
0x20: {  	[sflag:s8] =	ssyncset.s32 @!p0 $0xFFFFF086;
	s6 =	sadd.s32 @!p0 s3, s7;
	s7 =	simm.s32 @!p0 $0x108  }
0x21: {  	s3 =	sadd.s32 s3, s9;
	s6 =	sadd.s32 @!p0 $0x88, s6;
	s7 =	simm.s32 @p2 $0x1082  }
0x22: {  	[simem:s7], [sflag:s8] =	dma.local @!p0 [hbm:s6], $0xF7A  }
0x23: {  	s9 =	sor.u32 $0xD0000000, s2;
	s6 =	simm.s32 $0x108;
	_ =	swait.ge @!p0 [sflag:s8], $0x0  }
0x24: {  	s3 =	sadd.s32 $0x88, s3;
	s6 =	simm.s32 @!p1 $0x1082;
	[sflag:s4] =	ssyncset.s32 $0xFFFFF086  }
0x25: {  	[simem:s6], [sflag:s4] =	dma.local [hbm:s3], $0xF7A  }
0x26: {  	[smem:$0x3F97] =	sst s1;
	(tag) =	ssettag s2;
	_ =	strace s9  }
0x27: {  	s1 =	sld [smem:$0x3FA7]  }
0x28: {  	s2 =	sld [smem:$0x3FA8]  }
0x29: {  	s4 =	sld [smem:$0x3FAA]  }
0x2a: {  	p0 =	seq.s32 s5, $0x0;
	s5 =	sld [smem:$0x3FAB]  }
0x2b: {  	s6 =	sld [smem:$0x3FAC]  }
0x2c: {  	s7 =	sld [smem:$0x3FAD]  }
0x2d: {  	s3 =	simm.s32 $0x108;
	s8 =	sld [smem:$0x3FAE]  }
0x2e: {  	s3 =	simm.s32 @!p0 $0x1082;
	s9 =	sld [smem:$0x3FAF]  }
0x2f: {  	lr =	sadd.s32 s0, s3;
	s0 =	sld [smem:$0x3FA6]  }
0x30: {  	s3 =	sld [smem:$0x3FA9]  }
0x31: {  	[smem:$0x3FB2] =	sst s10  }
0x32: {  	s10 =	sld [smem:$0x3FB0];
	_ =	sdelay $0x3  }
0x33: {  	p0 =	seq.s32 s10, $0x1;
	s10 =	sld [smem:$0x3FB2];
	_ =	sdelay $0x3  }
0x34: {  	[smem:$0x3FB2] =	sst s10  }
0x35: {  	s10 =	sld [smem:$0x3FB1];
	_ =	sdelay $0x3  }
0x36: {  	p1 =	seq.s32 s10, $0x1;
	s10 =	sld [smem:$0x3FB2];
	_ =	sdelay $0x3  }
0x37: {  	[smem:$0x3FB2] =	sst s10  }
0x38: {  	s10 =	sld [smem:$0x3FB3]  }
0x39: {  	_ = 	snop;
	(pc) =	sbr.ind lr, $3  }
0x3a: {  	_ = 	snop  }
0x3b: {  	_ = 	snop  }
0x3c: {  	p2 =	seq.s32 s10, $0x1;
	s10 =	sld [smem:$0x3FB2]  }
0x3d: {  	_ =	shalt  }
0x3e: {  	_ =	shalt  }
0x3f: {  	_ =	shalt  }
0x40: {  	_ =	shalt  }
0x41: {  	_ =	shalt  }
0x42: {  	_ =	shalt  }
0x43: {  	_ =	shalt  }
0x44: {  	_ =	shalt  }
0x45: {  	_ =	shalt  }
0x46: {  	_ =	shalt  }
0x47: {  	_ =	shalt  }
0x48: {  	_ =	shalt  }
0x49: {  	_ =	shalt  }
0x4a: {  	_ =	shalt  }
0x4b: {  	_ =	shalt  }
0x4c: {  	_ =	shalt  }
0x4d: {  	_ =	shalt  }
0x4e: {  	_ =	shalt  }
0x4f: {  	_ =	shalt  }
0x50: {  	_ =	shalt  }
0x51: {  	_ =	shalt  }
0x52: {  	_ =	shalt  }
0x53: {  	_ =	shalt  }
0x54: {  	_ =	shalt  }
0x55: {  	_ =	shalt  }
0x56: {  	_ =	shalt  }
0x57: {  	_ =	shalt  }
0x58: {  	_ =	shalt  }
0x59: {  	_ =	shalt  }
0x5a: {  	_ =	shalt  }
0x5b: {  	_ =	shalt  }
0x5c: {  	_ =	shalt  }
0x5d: {  	_ =	shalt  }
0x5e: {  	_ =	shalt  }
0x5f: {  	_ =	shalt  }
0x60: {  	_ =	shalt  }
0x61: {  	_ =	shalt  }
0x62: {  	_ =	shalt  }
0x63: {  	_ =	shalt  }
0x64: {  	_ =	shalt  }
0x65: {  	_ =	shalt  }
0x66: {  	_ =	shalt  }
0x67: {  	_ =	shalt  }
0x68: {  	_ =	shalt  }
0x69: {  	_ =	shalt  }
0x6a: {  	_ =	shalt  }
0x6b: {  	_ =	shalt  }
0x6c: {  	_ =	shalt  }
0x6d: {  	_ =	shalt  }
0x6e: {  	_ =	shalt  }
0x6f: {  	_ =	shalt  }
0x70: {  	_ =	shalt  }
0x71: {  	_ =	shalt  }
0x72: {  	_ =	shalt  }
0x73: {  	_ =	shalt  }
0x74: {  	_ =	shalt  }
0x75: {  	_ =	shalt  }
0x76: {  	_ =	shalt  }
0x77: {  	_ =	shalt  }
0x78: {  	_ =	shalt  }
0x79: {  	_ =	shalt  }
0x7a: {  	_ =	shalt  }
0x7b: {  	_ =	shalt  }
0x7c: {  	_ =	shalt  }
0x7d: {  	_ =	shalt  }
0x7e: {  	_ =	shalt  }
0x7f: {  	_ =	shalt  }
0x80: {  	_ =	shalt  }
0x81: {  	_ =	shalt  }
0x82: {  	_ =	shalt  }
0x83: {  	_ =	shalt  }
0x84: {  	_ =	shalt  }
0x85: {  	_ =	shalt  }
0x86: {  	_ =	shalt  }
0x87: {  	_ =	shalt  }
.Lfunc_end0:
.L_simem_size_0:
called_computation.1_lowered:
.L_overlay_start_0:
0x88: {  	s2 =	sld [smem:$0x3FD9]  }
0x89: {  	s3 =	sld [smem:$0x3FFE];
	_ =	sdelay $0x1  }
0x8a: {  	s1 =	srdreg.scid  }
0x8b: {  	s0 =	sand.u32 $0x1, s1  }
0x8c: {  	s16 =	sshll.u32 s0, $0xA;
	s2 =	sadd.s32 s3, s2  }
0x8d: {  	s2 =	sadd.s32 s2, s16  }
0x8e: {  	[smem:$0x3FBE] =	sst s2  }
0x8f: {  	_ = 	snop  }
0x90: {  	(tm) =	ssettm $0x1  }
0x91: {  	s17 =	sld [smem:$0x3FFB];
	_ =	sdelay $0x3  }
0x92: {  	_ =	strace s17  }
0x93: {  	s2 =	sld [smem:$0x3FFC];
	_ =	sdelay $0x3  }
0x94: {  	_ =	strace s2  }
0x95: {  	s2 =	sld [smem:$0x3FFD];
	_ =	sdelay $0x3  }
0x96: {  	_ =	strace s2  }
0x97: {  	_ =	strace $0x8FFFFFFF  }
0x98: {  	s18 =	sld [smem:$0x3FDB];
	_ =	sdelay $0x1  }
0x99: {  	s19 =	simm.s32 $_scs_section_size  }
0x9a: {  	s4 =	simm.s32 $_size__tile_overlayer_lowered;
	s5 =	simm.s32 $_tile_overlayer_lowered  }
0x9b: {  	s22 =	simm.s32 $0x1BFF;
	s21 =	sshll.u32 s5, $0x1;
	s2 =	sadd.s32 s19, s18  }
0x9c: {  	s6 =	simm.s32 $0x0;
	s20 =	sshll.u32 s4, $0x1;
	s4 =	sadd.s32 s21, s2  }
0x9d: {  	[timem:s6], [sflag:s22] =	dma.local [hbm:s4], s20  }
0x9e: {  	_ =	swait.ge [sflag:s22], s20  }
0x9f: {  	s3 =	ssub.s32 $0x0, s20;
	[sflag:s22] =	ssyncset.done $0x0  }
0xa0: {  	[sflag:s22] =	ssyncadd.s32 s3;
	_ =	sdelay $0x1  }
0xa1: {  	s23 =	simm.s32 $0x1B8B  }
0xa2: {  	_ =	swait.ge [sflag:s23], $0x1  }
0xa3: {  	[sflag:s23] =	ssyncset.done $0x0  }
0xa4: {  	s25 =	simm.s32 $0x1B8E;
	s24 =	sld [smem:$0x3FFE];
	[sflag:s23] =	ssyncadd.s32 $0xFFFFFFFF  }
0xa5: {  	s26 =	simm.s32 $execute0_lowered;
	[smem:$0x3FD2] =	sst s25  }
0xa6: {  	s4 =	sshll.u32 s26, $0x1;
	_ =	strace $0x80000049;
	[dreg:$0x1] =	wrdreg $0xFFFFFFFF  }
0xa7: {  	s28 =	simm.s32 $_size_execute0_lowered;
	s2 =	sadd.s32 s2, s4;
	[dreg:$0x0] =	wrdreg $0x0  }
0xa8: {  	s4 =	sshll.u32 s28, $0x1;
	[dreg:$0x2] =	wrdreg s2  }
0xa9: {  	[dreg:$0x3] =	wrdreg s4  }
0xaa: {  	[dreg:$0x4] =	wrdreg $0xC0  }
0xab: {  	_ =	task [dreg:s6], $0x5FFFF  }
0xac: {  	[dreg:$0x1] =	wrdreg $0xFFFFFFFF  }
0xad: {  	[dreg:$0x0] =	wrdreg $0x60  }
0xae: {  	[dreg:$0x2] =	wrdreg s24  }
0xaf: {  	[dreg:$0x3] =	wrdreg $0xA0000  }
0xb0: {  	[dreg:$0x4] =	wrdreg $0x9  }
0xb1: {  	_ =	task.clear_ibuf [dreg:s6], $0x5FFFF;
	_ =	strace $0x90000049  }
0xb2: {  	s29 =	simm.s32 $0x9;
	_ =	strace $0x8000004B  }
0xb3: {  	_ =	swait.ge [sflag:s29], $0x1  }
0xb4: {  	[sflag:s29] =	ssyncadd.s32 $0xFFFFFFFF  }
0xb5: {  	_ =	strace $0x9000004B  }
0xb6: {  	_ =	sfence  }
0xb7: {  	s30 =	sld [smem:$0x0];
	_ =	sdelay $0x2  }
0xb8: {  	s31 =	sshll.u32 s1, $0xD;
	s1 =	sshrl.u32 s1, $0x2  }
0xb9: {  	s3 =	sand.u32 $0x4000, s31;
	s1 =	sadd.s32 s1, s30  }
0xba: {  	s0 =	sor.u32 s3, s0;
	s1 =	sshll.u32 s1, $0x11  }
0xbb: {  	s0 =	sor.u32 s1, s0  }
0xbc: {  	s0 =	sadd.s32 $0x8F2B, s0  }
0xbd: {  	[sflag:s0] =	ssyncadd.remote.s32 $0x1  }
0xbe: {  	_ =	sfence.sel $0xFFFF  }
0xbf: {  	[dreg:$0x0] =	wrdreg $0xFFFFFFFF;
	(pc) =	sbr.abs _section_cstart, $3  }
0xc0: {  	[dreg:$0x1] =	wrdreg $0xFFFFFFFF  }
0xc1: {  	_ =	task.clear_ibuf [dreg:s6], $0x2FFFF;
	_ =	strace $0x9FFFFFFF  }
0xc2: {  	(tm) =	ssettm $0x7FFFFFFF  }
0xc3: {  	_ =	shalt  }
tec
execute0_lowered:
.L_overlay_start_1:
0x0: {  	(tag) =	ssettag $0x1  }
0x1: {  	s7 =	rddreg [dreg:$0x0]  }
0x2: {  	s1 =	rddreg [dreg:$0x1]  }
0x3: {  	s2 =	srdreg.scid;
	s0 =	rddreg [dreg:$0x2];
	s3 =	simm.s32 $0x0  }
0x4: {  	s18 =	simm.s32 $0x3;
	s19 =	simm.s32 $0x4;
	s20 =	simm.s32 $0x0  }
0x5: {  	s8 =	sand.u32 $0x1, s2;
	s2 =	stileid.u32;
	[smem:$0x7FF] =	sst s3  }
0x6: {  	s4 =	sadd.s32 $0x2A600, s7;
	s5 =	sadd.s32 $0x2600, s7;
	s9 =	smul.u32 $0x140000, s8  }
0x7: {  	s6 =	sadd.s32 $0x3E600, s7;
	s10 =	smul.u32 $0x14000, s2;
	_ =	strace $0x8000004A  }
0x8: {  	s29 =	sshll.u32 s8, $0x4;
	s8 =	ssub.s32 $0x2, s8;
	s11 =	smul.u32 $0x50000, s2  }
0x9: {  	s16 =	sshll.u32 s2, $0x6;
	s9 =	sadd.s32 s10, s9;
	s10 =	sor.u32 s2, s29  }
0xa: {  	s12 =	sshrl.u32 s8, $0x1;
	s9 =	sshrl.u32 s9, $0x3;
	s13 =	smul.u32 $0x5000, s10  }
0xb: {  	s16 =	sor.u32 $0x1C05, s16;
	s14 =	sadd.s32 s9, s7;
	s7 =	smul.u32 $0xA0, s10  }
.Ltmp0:
0xc: {  	s15 =	ssub.s32 s8, s12;
	s30 =	sshrl.u32 s11, $0x2;
	(pc) =	sbr.rel .LBB2_1-.Ltmp0, $4  }
0xd: {  	s10 =	smul.u32 $0xA00, s10;
	s9 =	sadd.s32 s30, s1;
	s31 =	sshrl.u32 s13, $0x3  }
0xe: {  	s12 =	sadd.s32 $0x40E00, s14;
	s13 =	smax.u32 s15, $0x1;
	s14 =	simm.s32 $0x5  }
0xf: {  	s15 =	simm.s32 $0x1000;
	s17 =	sshrl.u32 s9, $0x3;
	s11 =	sadd.s32 s4, s31  }
0x10: {  	s8 =	sadd.s32 $0x50, s7;
	s10 =	sadd.s32 s4, s10;
	s11 =	sadd.s32 $0x500, s11  }
.LBB2_12:
0x11: {  	s20 =	sadd.s32 $0x1, s20  }
0x12: {  	p0 =	sne.s32 s20, s13  }
.Ltmp1:
0x13: {  	[bflag:$0x0] =	sbarrier.arrive $0xFFFF;
	(pc) =	sbr.rel @!p0 .LBB2_13-.Ltmp1, $4  }
0x14: {  	[hbm:s12], [sflag:s16] =	dma.local [spmem:s17], $0x2800  }
0x15: {  	_ =	swait.ge [sflag:s14], $0x2800  }
0x16: {  	[sflag:s14] =	ssyncset.done $0x0  }
0x17: {  	[sflag:s14] =	ssyncadd.s32 $0xFFFFD800  }
.LBB2_1:
.Ltmp2:
0x18: {  	(pc) =	sbr.rel .LBB2_2-.Ltmp2, $2  }
0x19: {  	_ =	sdelay $0x2  }
0x1a: {  	s21 =	simm.s32 $0x0  }
.LBB2_3:
0x1b: {  	[tilespmem:s3], [sflag:$0x5] =	stream.linear.gather [hbm4b:s10+s3], $0x800, $0x38;
	[tilespmem:$0x1E000] =	vst v63  }
0x1c: {  	_ =	swait.ge [sflag:s14], $0x800  }
0x1d: {  	[sflag:s14] =	ssyncset.done $0x0  }
0x1e: {  	[sflag:s14] =	ssyncadd.s32 $0xFFFFF800  }
0x1f: {  	[tilespmem:s15], [sflag:$0x5] =	stream.linear.gather [hbm4b:s11+s3], $0x800, $0x38;
	[tilespmem:$0x1E000] =	vst v63  }
0x20: {  	_ =	swait.ge [sflag:s14], $0x800  }
0x21: {  	[sflag:s14] =	ssyncset.done $0x0  }
0x22: {  	p0 =	por $0x1, $0x1;
	[sflag:s14] =	ssyncadd.s32 $0xFFFFF800  }
.LBB2_11:
0x23: {  	s22 =	sadd.s32 $0xFFFFFFFF, s21  }
0x24: {  	s23 =	sshll.u32 s22, $0x18  }
0x25: {  	s23 =	sshra.s32 s23, $0x1F  }
0x26: {  	s23 =	sand.u32 $0x7, s23  }
0x27: {  	s23 =	sadd.s32 s23, s22  }
0x28: {  	s24 =	sand.u32 $0xFF, s22;
	s25 =	sshrl.u32 s23, $0x3;
	s23 =	sand.u32 $0xF8, s23  }
0x29: {  	p1 =	slt.u32 s21, $0x2;
	p2 =	sne.s32 s24, s23;
	s31 =	sand.u32 $0x1, s25  }
0x2a: {  	p2 =	por !p1, !p2;
	p3 =	seq.s32 s31, $0x1  }
0x2b: {  	p2 =	por !p2, !p2;
	p4 =	por !p3, !p3  }
0x2c: {  	s23 =	simm.s32 $0x8;
	p1 =	seq.s32 s21, $0x0;
	p4 =	por @!p2 p3, p3  }
0x2d: {  	s22 =	sand.u32 $0x7, s22;
	s24 =	simm.s32 @!p1 $0x1;
	s23 =	simm.s32 @!p4 $0x0  }
0x2e: {  	_ =	swait.ge @!p1 [sflag:s24], $0x4000;
	s22 =	sor.u32 s22, s23  }
0x2f: {  	s25 =	simm.s32 @!p1 $0x2000;
	[sflag:s24] =	ssyncset.done @!p1 $0x0;
	s22 =	sshll.u32 @!p1 s22, $0x8  }
0x30: {  	[sflag:s24] =	ssyncadd.s32 @!p1 $0xFFFFC000;
	s24 =	simm.s32 @!p1 $0x80;
	s23 =	sor.u32 @!p1 $0x1000, s22  }
0x31: {  	[spmem:s1] =	stream.indirect.scatter.add.f32 @!p1 [tilespmem:s25], [sflag:$0x5], $0x80, s23, s24, $0xb8;
	[tilespmem:$0x1E000] =	vst v63  }
0x32: {  	s23 =	simm.s32 @!p1 $0x5  }
0x33: {  	_ =	swait.ge @!p1 [sflag:s23], $0x4000  }
0x34: {  	s26 =	simm.s32 @p0 $0x80;
	s25 =	sand.u32 $0xF, s21;
	[sflag:s23] =	ssyncset.done @!p1 $0x0  }
0x35: {  	s28 =	simm.s32 @p0 $0x2000;
	s25 =	sshll.u32 @p0 s25, $0x8;
	[sflag:s23] =	ssyncadd.s32 @!p1 $0xFFFFC000  }
0x36: {  	[tilespmem:s28], [sflag:$0x1] =	stream.indirect.gather @p0 [hbm4b:s5+s26], $0x80, s25, s26, $0xb8;
	[tilespmem:$0x1E000] =	vst v63  }
0x37: {  	s28 =	simm.s32 @!p1 $0x2  }
0x38: {  	_ =	swait.ge @!p1 [sflag:s28], $0x4000  }
0x39: {  	[sflag:s28] =	ssyncset.done @!p1 $0x0  }
0x3a: {  	s22 =	sor.u32 @!p1 $0x1080, s22;
	[sflag:s28] =	ssyncadd.s32 @!p1 $0xFFFFC000;
	s28 =	simm.s32 @!p1 $0x6000  }
0x3b: {  	[spmem:s1] =	stream.indirect.scatter.add.f32 @!p1 [tilespmem:s28], [sflag:$0x5], $0x80, s22, s24, $0xb8;
	[tilespmem:$0x1E000] =	vst v63  }
0x3c: {  	_ =	swait.ge @!p1 [sflag:s23], $0x4000  }
0x3d: {  	s21 =	sadd.s32 $0x1, s21;
	[sflag:s23] =	ssyncset.done @!p1 $0x0  }
0x3e: {  	s22 =	sor.u32 @p0 $0x80, s25;
	[sflag:s23] =	ssyncadd.s32 @!p1 $0xFFFFC000;
	s23 =	simm.s32 @p0 $0x6000  }
0x3f: {  	[tilespmem:s23], [sflag:$0x2] =	stream.indirect.gather @p0 [hbm4b:s5+s26], $0x80, s22, s26, $0xb8;
	[tilespmem:$0x1E000] =	vst v63  }
0x40: {  	p0 =	sne.s32 s21, $0x29  }
.Ltmp3:
0x41: {  	_ = 	snop;
	(pc) =	sbr.rel @!p0 .LBB2_12-.Ltmp3, $1  }
0x42: {  	_ =	sdelay $0x3  }
.LBB2_2:
0x43: {  	p0 =	sne.s32 s21, $0x0  }
.Ltmp4:
0x44: {  	_ = 	snop;
	(pc) =	sbr.rel @!p0 .LBB2_3-.Ltmp4, $1  }
0x45: {  	_ =	sdelay $0x3  }
0x46: {  	s22 =	sand.u32 $0x7, s21;
	p0 =	sgt.u32 s21, $0x20  }
0x47: {  	p1 =	sne.s32 @!p0 s22, $0x1  }
0x48: {  	p0 =	por p0, p1  }
.Ltmp5:
0x49: {  	_ = 	snop;
	(pc) =	sbr.rel @p0 .LBB2_6-.Ltmp5, $1  }
0x4a: {  	_ =	sdelay $0x3  }
0x4b: {  	s22 =	sshrl.u32 s21, $0x3  }
0x4c: {  	s22 =	sadd.s32 $0x1, s22  }
0x4d: {  	s23 =	sshll.u32 s22, $0x4  }
0x4e: {  	s22 =	sshll.u32 s22, $0xB;
	s24 =	sadd.s32 s7, s23  }
.Ltmp6:
0x4f: {  	s23 =	sadd.s32 s23, s8;
	s24 =	sshll.u32 s24, $0x4;
	(pc) =	sbr.rel .LBB2_10-.Ltmp6, $4  }
0x50: {  	s22 =	sand.u32 $0x800, s22;
	s23 =	sshll.u32 s23, $0x4;
	s24 =	sadd.s32 s4, s24  }
0x51: {  	[tilespmem:s22], [sflag:$0x3] =	stream.linear.gather [hbm4b:s24+s3], $0x800, $0x38;
	[tilespmem:$0x1E000] =	vst v63  }
0x52: {  	p0 =	por $0x1, $0x1;
	s23 =	sadd.s32 s4, s23;
	s22 =	sor.u32 $0x1000, s22  }
0x53: {  	[tilespmem:s22], [sflag:$0x4] =	stream.linear.gather [hbm4b:s23+s3], $0x800, $0x38;
	[tilespmem:$0x1E000] =	vst v63  }
.LBB2_6:
0x54: {  	p1 =	sne.s32 s22, $0x0  }
.Ltmp7:
0x55: {  	_ = 	snop;
	(pc) =	sbr.rel @p1 .LBB2_10-.Ltmp7, $2  }
0x56: {  	_ =	sdelay $0x2  }
0x57: {  	p0 =	sne.s32 s21, $0x28  }
0x58: {  	p1 =	seq.s32 s21, $0x0  }
0x59: {  	p2 =	seq.s32 @!p1 s21, $0x28  }
0x5a: {  	p2 =	por p1, p2  }
.Ltmp8:
0x5b: {  	_ = 	snop;
	(pc) =	sbr.rel @!p2 .LBB2_9-.Ltmp8, $1  }
0x5c: {  	_ =	sdelay $0x3  }
.Ltmp9:
0x5d: {  	(pc) =	sbr.rel .LBB2_11-.Ltmp9, $2  }
0x5e: {  	_ =	sdelay $0x2  }
0x5f: {  	p0 =	por @!p1 p0, p0  }
.LBB2_9:
0x60: {  	_ =	swait.ge [sflag:s18], $0x800  }
0x61: {  	[sflag:s18] =	ssyncset.done $0x0  }
0x62: {  	[sflag:s18] =	ssyncadd.s32 $0xFFFFF800  }
0x63: {  	_ =	swait.ge [sflag:s19], $0x800  }
0x64: {  	[sflag:s19] =	ssyncset.done $0x0  }
0x65: {  	[sflag:s19] =	ssyncadd.s32 $0xFFFFF800  }
.LBB2_10:
0x66: {  	p1 =	sne.s32 s21, $0x1  }
0x67: {  	s22 =	sshll.u32 @!p1 s2, $0x6  }
0x68: {  	s23 =	sshrl.u32 @!p1 s9, $0x3;
	s22 =	sor.u32 @!p1 $0x1C05, s22  }
0x69: {  	[spmem:s23], [sflag:s22] =	dma.local @!p1 [hbm:s6], $0x2800  }
0x6a: {  	s22 =	simm.s32 @!p1 $0x5  }
.Ltmp10:
0x6b: {  	_ =	swait.ge @!p1 [sflag:s22], $0x2800;
	(pc) =	sbr.rel .LBB2_11-.Ltmp10, $3  }
0x6c: {  	[sflag:s22] =	ssyncset.done @!p1 $0x0  }
0x6d: {  	[sflag:s22] =	ssyncadd.s32 @!p1 $0xFFFFD800  }
0x6e: {  	[bflag:$0x0] =	sbarrier.arrive @!p1 $0xFFFF;
	_ =	sdelay $0x1  }
.LBB2_13:
0x6f: {  	_ =	sfence.sel $0x180000  }
0x70: {  	[bflag:$0x0] =	sbarrier.arrive $0xFFFF  }
0x71: {  	p0 =	sne.s32 s2, $0x0;
	_ =	strace $0x9000004A  }
0x72: {  	s0 =	sadd.s32 @!p0 $0x100000, s0;
	[bflag:$0x2] =	sbarrier.arrive $0xFFFF  }
0x73: {  	[sflag:s0] =	ssyncadd.tile.s32 @!p0 $0x1;
	_ =	shalt  }
.Lfunc_end2:
_tile_overlayer_lowered:
.L_overlay_start_2:
0x74: {  	(tag) =	ssettag $0x2  }
0x75: {  	s0 =	rddreg [dreg:$0x0];
	s2 =	stileid.u32  }
0x76: {  	s1 =	rddreg [dreg:$0x1];
	p0 =	sne.s32 s2, $0x0  }
0x77: {  	s3 =	rddreg [dreg:$0x2];
	[bflag:$0x3] =	sbarrier.arrive $0xFFFF;
	s2 =	simm.s32 @!p0 $0x1C05  }
0x78: {  	[timem:s3], [sflag:s2] =	dma.local @!p0 [hbm:s0], s1  }
0x79: {  	s0 =	simm.s32 @!p0 $0x5  }
0x7a: {  	_ =	swait.ge @!p0 [sflag:s0], s1  }
0x7b: {  	s1 =	ssub.s32 @!p0 $0x0, s1;
	[sflag:s0] =	ssyncset.done @!p0 $0x0  }
0x7c: {  	[sflag:s0] =	ssyncadd.s32 @!p0 s1  }
0x7d: {  	[bflag:$0x3] =	sbarrier.arrive $0xFFFF  }
0x7e: {  	_ =	shalt  }

// kernel: kernel.17.cloned.1.call-start
scs
__scs_entry_jumppad:
0x0: {  	(pc) =	sbr.rel $0x88, $3  }
0x1: {  	(tag) =	ssettag $0x0;
	lr =	simm.s32 $0x1  }
0x2: {  	[smem:$0x3F97] =	sst lr;
	_ =	strace $0xD0000000  }
0x3: {  	_ = 	snop  }
0x4: {  	_ = 	snop  }
0x5: {  	_ = 	snop  }
0x6: {  	_ = 	snop  }
0x7: {  	_ = 	snop  }
__scs_overlays_trampoline_lowered:
0x8: {  	[smem:$0x3FA6] =	sst s0  }
0x9: {  	[smem:$0x3FA7] =	sst s1  }
0xa: {  	[smem:$0x3FA8] =	sst s2  }
0xb: {  	[smem:$0x3FA9] =	sst s3  }
0xc: {  	[smem:$0x3FAA] =	sst s4  }
0xd: {  	[smem:$0x3FAB] =	sst s5  }
0xe: {  	[smem:$0x3FAC] =	sst s6  }
0xf: {  	[smem:$0x3FAD] =	sst s7  }
0x10: {  	[smem:$0x3FAE] =	sst s8  }
0x11: {  	[smem:$0x3FAF] =	sst s9;
	s0 =	simm.s32 @!p0 $0x0  }
0x12: {  	s1 =	sld [smem:$0x3F95];
	s0 =	simm.s32 @p0 $0x1  }
0x13: {  	[smem:$0x3FB0] =	sst s0;
	s0 =	simm.s32 @!p1 $0x0  }
0x14: {  	s2 =	sld [smem:$0x3F94];
	s0 =	simm.s32 @p1 $0x1  }
0x15: {  	[smem:$0x3FB1] =	sst s0;
	s0 =	simm.s32 @!p2 $0x0  }
0x16: {  	s3 =	sld [smem:$0x3FDB];
	s0 =	simm.s32 @p2 $0x1  }
0x17: {  	s4 =	simm.s32 $0x1BF5;
	[smem:$0x3FB3] =	sst s0  }
0x18: {  	s0 =	sld [smem:$0x3F96];
	_ =	swait.ge [sflag:s4], $0x0  }
0x19: {  	s7 =	sld [smem:$0x3F97]  }
0x1a: {  	s8 =	sadd.s32 $0xFFFFE003, lr  }
0x1b: {  	s9 =	sadd.s32 $0xFFFFFEF7, lr;
	s5 =	simm.s32 $0xFFFFFFFF;
	p2 =	slt.u32 s8, $0xFFFFF086  }
0x1c: {  	p1 =	slt.u32 s9, $0xF7A;
	s5 =	simm.s32 @!p2 $0x0  }
0x1d: {  	s5 =	simm.s32 @p1 $0x1;
	p0 =	seq.s32 s7, s2  }
0x1e: {  	s7 =	smul.u32 @!p0 $0xF7A, s2;
	p2 =	seq.s32 @!p0 s5, $0x0  }
0x1f: {  	s9 =	smul.u32 $0xF7A, s1;
	s8 =	simm.s32 @!p0 $0x1BF5;
	p2 =	por !p2, p0  }
0x20: {  	[sflag:s8] =	ssyncset.s32 @!p0 $0xFFFFF086;
	s6 =	sadd.s32 @!p0 s3, s7;
	s7 =	simm.s32 @!p0 $0x108  }
0x21: {  	s3 =	sadd.s32 s3, s9;
	s6 =	sadd.s32 @!p0 $0x88, s6;
	s7 =	simm.s32 @p2 $0x1082  }
0x22: {  	[simem:s7], [sflag:s8] =	dma.local @!p0 [hbm:s6], $0xF7A  }
0x23: {  	s9 =	sor.u32 $0xD0000000, s2;
	s6 =	simm.s32 $0x108;
	_ =	swait.ge @!p0 [sflag:s8], $0x0  }
0x24: {  	s3 =	sadd.s32 $0x88, s3;
	s6 =	simm.s32 @!p1 $0x1082;
	[sflag:s4] =	ssyncset.s32 $0xFFFFF086  }
0x25: {  	[simem:s6], [sflag:s4] =	dma.local [hbm:s3], $0xF7A  }
0x26: {  	[smem:$0x3F97] =	sst s1;
	(tag) =	ssettag s2;
	_ =	strace s9  }
0x27: {  	s1 =	sld [smem:$0x3FA7]  }
0x28: {  	s2 =	sld [smem:$0x3FA8]  }
0x29: {  	s4 =	sld [smem:$0x3FAA]  }
0x2a: {  	p0 =	seq.s32 s5, $0x0;
	s5 =	sld [smem:$0x3FAB]  }
0x2b: {  	s6 =	sld [smem:$0x3FAC]  }
0x2c: {  	s7 =	sld [smem:$0x3FAD]  }
0x2d: {  	s3 =	simm.s32 $0x108;
	s8 =	sld [smem:$0x3FAE]  }
0x2e: {  	s3 =	simm.s32 @!p0 $0x1082;
	s9 =	sld [smem:$0x3FAF]  }
0x2f: {  	lr =	sadd.s32 s0, s3;
	s0 =	sld [smem:$0x3FA6]  }
0x30: {  	s3 =	sld [smem:$0x3FA9]  }
0x31: {  	[smem:$0x3FB2] =	sst s10  }
0x32: {  	s10 =	sld [smem:$0x3FB0];
	_ =	sdelay $0x3  }
0x33: {  	p0 =	seq.s32 s10, $0x1;
	s10 =	sld [smem:$0x3FB2];
	_ =	sdelay $0x3  }
0x34: {  	[smem:$0x3FB2] =	sst s10  }
0x35: {  	s10 =	sld [smem:$0x3FB1];
	_ =	sdelay $0x3  }
0x36: {  	p1 =	seq.s32 s10, $0x1;
	s10 =	sld [smem:$0x3FB2];
	_ =	sdelay $0x3  }
0x37: {  	[smem:$0x3FB2] =	sst s10  }
0x38: {  	s10 =	sld [smem:$0x3FB3]  }
0x39: {  	_ = 	snop;
	(pc) =	sbr.ind lr, $3  }
0x3a: {  	_ = 	snop  }
0x3b: {  	_ = 	snop  }
0x3c: {  	p2 =	seq.s32 s10, $0x1;
	s10 =	sld [smem:$0x3FB2]  }
0x3d: {  	_ =	shalt  }
0x3e: {  	_ =	shalt  }
0x3f: {  	_ =	shalt  }
0x40: {  	_ =	shalt  }
0x41: {  	_ =	shalt  }
0x42: {  	_ =	shalt  }
0x43: {  	_ =	shalt  }
0x44: {  	_ =	shalt  }
0x45: {  	_ =	shalt  }
0x46: {  	_ =	shalt  }
0x47: {  	_ =	shalt  }
0x48: {  	_ =	shalt  }
0x49: {  	_ =	shalt  }
0x4a: {  	_ =	shalt  }
0x4b: {  	_ =	shalt  }
0x4c: {  	_ =	shalt  }
0x4d: {  	_ =	shalt  }
0x4e: {  	_ =	shalt  }
0x4f: {  	_ =	shalt  }
0x50: {  	_ =	shalt  }
0x51: {  	_ =	shalt  }
0x52: {  	_ =	shalt  }
0x53: {  	_ =	shalt  }
0x54: {  	_ =	shalt  }
0x55: {  	_ =	shalt  }
0x56: {  	_ =	shalt  }
0x57: {  	_ =	shalt  }
0x58: {  	_ =	shalt  }
0x59: {  	_ =	shalt  }
0x5a: {  	_ =	shalt  }
0x5b: {  	_ =	shalt  }
0x5c: {  	_ =	shalt  }
0x5d: {  	_ =	shalt  }
0x5e: {  	_ =	shalt  }
0x5f: {  	_ =	shalt  }
0x60: {  	_ =	shalt  }
0x61: {  	_ =	shalt  }
0x62: {  	_ =	shalt  }
0x63: {  	_ =	shalt  }
0x64: {  	_ =	shalt  }
0x65: {  	_ =	shalt  }
0x66: {  	_ =	shalt  }
0x67: {  	_ =	shalt  }
0x68: {  	_ =	shalt  }
0x69: {  	_ =	shalt  }
0x6a: {  	_ =	shalt  }
0x6b: {  	_ =	shalt  }
0x6c: {  	_ =	shalt  }
0x6d: {  	_ =	shalt  }
0x6e: {  	_ =	shalt  }
0x6f: {  	_ =	shalt  }
0x70: {  	_ =	shalt  }
0x71: {  	_ =	shalt  }
0x72: {  	_ =	shalt  }
0x73: {  	_ =	shalt  }
0x74: {  	_ =	shalt  }
0x75: {  	_ =	shalt  }
0x76: {  	_ =	shalt  }
0x77: {  	_ =	shalt  }
0x78: {  	_ =	shalt  }
0x79: {  	_ =	shalt  }
0x7a: {  	_ =	shalt  }
0x7b: {  	_ =	shalt  }
0x7c: {  	_ =	shalt  }
0x7d: {  	_ =	shalt  }
0x7e: {  	_ =	shalt  }
0x7f: {  	_ =	shalt  }
0x80: {  	_ =	shalt  }
0x81: {  	_ =	shalt  }
0x82: {  	_ =	shalt  }
0x83: {  	_ =	shalt  }
0x84: {  	_ =	shalt  }
0x85: {  	_ =	shalt  }
0x86: {  	_ =	shalt  }
0x87: {  	_ =	shalt  }
.Lfunc_end0:
.L_simem_size_0:
called_computation.2_lowered:
.L_overlay_start_0:
0x88: {  	s2 =	sld [smem:$0x3FD9]  }
0x89: {  	s3 =	sld [smem:$0x3FFE];
	_ =	sdelay $0x1  }
0x8a: {  	s1 =	srdreg.scid  }
0x8b: {  	s0 =	sand.u32 $0x1, s1  }
0x8c: {  	s16 =	sshll.u32 s0, $0xA;
	s2 =	sadd.s32 s3, s2  }
0x8d: {  	s2 =	sadd.s32 s2, s16  }
0x8e: {  	[smem:$0x3FBE] =	sst s2  }
0x8f: {  	_ = 	snop  }
0x90: {  	(tm) =	ssettm $0x1  }
0x91: {  	s17 =	sld [smem:$0x3FFB];
	_ =	sdelay $0x3  }
0x92: {  	_ =	strace s17  }
0x93: {  	s2 =	sld [smem:$0x3FFC];
	_ =	sdelay $0x3  }
0x94: {  	_ =	strace s2  }
0x95: {  	s2 =	sld [smem:$0x3FFD];
	_ =	sdelay $0x3  }
0x96: {  	_ =	strace s2  }
0x97: {  	_ =	strace $0x8FFFFFFF  }
0x98: {  	s18 =	sld [smem:$0x3FDB];
	_ =	sdelay $0x1  }
0x99: {  	s19 =	simm.s32 $_scs_section_size  }
0x9a: {  	s4 =	simm.s32 $_size__tile_overlayer_lowered;
	s5 =	simm.s32 $_tile_overlayer_lowered  }
0x9b: {  	s22 =	simm.s32 $0x1BFF;
	s21 =	sshll.u32 s5, $0x1;
	s2 =	sadd.s32 s19, s18  }
0x9c: {  	s6 =	simm.s32 $0x0;
	s20 =	sshll.u32 s4, $0x1;
	s4 =	sadd.s32 s21, s2  }
0x9d: {  	[timem:s6], [sflag:s22] =	dma.local [hbm:s4], s20  }
0x9e: {  	_ =	swait.ge [sflag:s22], s20  }
0x9f: {  	s3 =	ssub.s32 $0x0, s20;
	[sflag:s22] =	ssyncset.done $0x0  }
0xa0: {  	[sflag:s22] =	ssyncadd.s32 s3;
	_ =	sdelay $0x1  }
0xa1: {  	s23 =	simm.s32 $0x1B8B  }
0xa2: {  	_ =	swait.ge [sflag:s23], $0x1  }
0xa3: {  	[sflag:s23] =	ssyncset.done $0x0  }
0xa4: {  	s25 =	simm.s32 $0x1B8E;
	s24 =	sld [smem:$0x3FFE];
	[sflag:s23] =	ssyncadd.s32 $0xFFFFFFFF  }
0xa5: {  	s26 =	simm.s32 $execute0_lowered;
	[smem:$0x3FD2] =	sst s25  }
0xa6: {  	s4 =	sshll.u32 s26, $0x1;
	_ =	strace $0x8000004C;
	[dreg:$0x1] =	wrdreg $0xFFFFFFFF  }
0xa7: {  	s28 =	simm.s32 $_size_execute0_lowered;
	s2 =	sadd.s32 s2, s4;
	[dreg:$0x0] =	wrdreg $0x0  }
0xa8: {  	s4 =	sshll.u32 s28, $0x1;
	[dreg:$0x2] =	wrdreg s2  }
0xa9: {  	[dreg:$0x3] =	wrdreg s4  }
0xaa: {  	[dreg:$0x4] =	wrdreg $0xC0  }
0xab: {  	_ =	task [dreg:s6], $0x5FFFF  }
0xac: {  	[dreg:$0x1] =	wrdreg $0xFFFFFFFF  }
0xad: {  	[dreg:$0x0] =	wrdreg $0x60  }
0xae: {  	[dreg:$0x2] =	wrdreg s24  }
0xaf: {  	[dreg:$0x3] =	wrdreg $0xA0000  }
0xb0: {  	[dreg:$0x4] =	wrdreg $0x9  }
0xb1: {  	_ =	task.clear_ibuf [dreg:s6], $0x5FFFF;
	_ =	strace $0x9000004C  }
0xb2: {  	s29 =	simm.s32 $0x9;
	_ =	strace $0x8000004E  }
0xb3: {  	_ =	swait.ge [sflag:s29], $0x1  }
0xb4: {  	[sflag:s29] =	ssyncadd.s32 $0xFFFFFFFF  }
0xb5: {  	_ =	strace $0x9000004E  }
0xb6: {  	_ =	sfence  }
0xb7: {  	s30 =	sld [smem:$0x0];
	_ =	sdelay $0x2  }
0xb8: {  	s31 =	sshll.u32 s1, $0xD;
	s1 =	sshrl.u32 s1, $0x2  }
0xb9: {  	s3 =	sand.u32 $0x4000, s31;
	s1 =	sadd.s32 s1, s30  }
0xba: {  	s0 =	sor.u32 s3, s0;
	s1 =	sshll.u32 s1, $0x11  }
0xbb: {  	s0 =	sor.u32 s1, s0  }
0xbc: {  	s0 =	sadd.s32 $0x8F2B, s0  }
0xbd: {  	[sflag:s0] =	ssyncadd.remote.s32 $0x1  }
0xbe: {  	_ =	sfence.sel $0xFFFF  }
0xbf: {  	[dreg:$0x0] =	wrdreg $0xFFFFFFFF;
	(pc) =	sbr.abs _section_cstart, $3  }
0xc0: {  	[dreg:$0x1] =	wrdreg $0xFFFFFFFF  }
0xc1: {  	_ =	task.clear_ibuf [dreg:s6], $0x2FFFF;
	_ =	strace $0x9FFFFFFF  }
0xc2: {  	(tm) =	ssettm $0x7FFFFFFF  }
0xc3: {  	_ =	shalt  }
tec
execute0_lowered:
.L_overlay_start_1:
0x0: {  	(tag) =	ssettag $0x1  }
0x1: {  	s7 =	rddreg [dreg:$0x0]  }
0x2: {  	s1 =	rddreg [dreg:$0x1]  }
0x3: {  	s2 =	srdreg.scid;
	s0 =	rddreg [dreg:$0x2];
	s3 =	simm.s32 $0x0  }
0x4: {  	s18 =	simm.s32 $0x3;
	s19 =	simm.s32 $0x4;
	s20 =	simm.s32 $0x0  }
0x5: {  	s8 =	sand.u32 $0x1, s2;
	s2 =	stileid.u32;
	[smem:$0x7FF] =	sst s3  }
0x6: {  	s4 =	sadd.s32 $0x2A600, s7;
	s5 =	sadd.s32 $0x2600, s7;
	s9 =	smul.u32 $0x140000, s8  }
0x7: {  	s6 =	sadd.s32 $0x3E600, s7;
	s10 =	smul.u32 $0x14000, s2;
	_ =	strace $0x8000004D  }
0x8: {  	s29 =	sshll.u32 s8, $0x4;
	s8 =	ssub.s32 $0x2, s8;
	s11 =	smul.u32 $0x50000, s2  }
0x9: {  	s16 =	sshll.u32 s2, $0x6;
	s9 =	sadd.s32 s10, s9;
	s10 =	sor.u32 s2, s29  }
0xa: {  	s12 =	sshrl.u32 s8, $0x1;
	s9 =	sshrl.u32 s9, $0x3;
	s13 =	smul.u32 $0x5000, s10  }
0xb: {  	s16 =	sor.u32 $0x1C05, s16;
	s14 =	sadd.s32 s9, s7;
	s7 =	smul.u32 $0xA0, s10  }
.Ltmp0:
0xc: {  	s15 =	ssub.s32 s8, s12;
	s30 =	sshrl.u32 s11, $0x2;
	(pc) =	sbr.rel .LBB2_1-.Ltmp0, $4  }
0xd: {  	s10 =	smul.u32 $0xA00, s10;
	s9 =	sadd.s32 s30, s1;
	s31 =	sshrl.u32 s13, $0x3  }
0xe: {  	s12 =	sadd.s32 $0x40E00, s14;
	s13 =	smax.u32 s15, $0x1;
	s14 =	simm.s32 $0x5  }
0xf: {  	s15 =	simm.s32 $0x1000;
	s17 =	sshrl.u32 s9, $0x3;
	s11 =	sadd.s32 s4, s31  }
0x10: {  	s8 =	sadd.s32 $0x50, s7;
	s10 =	sadd.s32 s4, s10;
	s11 =	sadd.s32 $0x500, s11  }
.LBB2_12:
0x11: {  	s20 =	sadd.s32 $0x1, s20  }
0x12: {  	p0 =	sne.s32 s20, s13  }
.Ltmp1:
0x13: {  	[bflag:$0x0] =	sbarrier.arrive $0xFFFF;
	(pc) =	sbr.rel @!p0 .LBB2_13-.Ltmp1, $4  }
0x14: {  	[hbm:s12], [sflag:s16] =	dma.local [spmem:s17], $0x2800  }
0x15: {  	_ =	swait.ge [sflag:s14], $0x2800  }
0x16: {  	[sflag:s14] =	ssyncset.done $0x0  }
0x17: {  	[sflag:s14] =	ssyncadd.s32 $0xFFFFD800  }
.LBB2_1:
.Ltmp2:
0x18: {  	(pc) =	sbr.rel .LBB2_2-.Ltmp2, $2  }
0x19: {  	_ =	sdelay $0x2  }
0x1a: {  	s21 =	simm.s32 $0x0  }
.LBB2_3:
0x1b: {  	[tilespmem:s3], [sflag:$0x5] =	stream.linear.gather [hbm4b:s10+s3], $0x800, $0x38;
	[tilespmem:$0x1E000] =	vst v63  }
0x1c: {  	_ =	swait.ge [sflag:s14], $0x800  }
0x1d: {  	[sflag:s14] =	ssyncset.done $0x0  }
0x1e: {  	[sflag:s14] =	ssyncadd.s32 $0xFFFFF800  }
0x1f: {  	[tilespmem:s15], [sflag:$0x5] =	stream.linear.gather [hbm4b:s11+s3], $0x800, $0x38;
	[tilespmem:$0x1E000] =	vst v63  }
0x20: {  	_ =	swait.ge [sflag:s14], $0x800  }
0x21: {  	[sflag:s14] =	ssyncset.done $0x0  }
0x22: {  	p0 =	por $0x1, $0x1;
	[sflag:s14] =	ssyncadd.s32 $0xFFFFF800  }
.LBB2_11:
0x23: {  	s22 =	sadd.s32 $0xFFFFFFFF, s21  }
0x24: {  	s23 =	sshll.u32 s22, $0x18  }
0x25: {  	s23 =	sshra.s32 s23, $0x1F  }
0x26: {  	s23 =	sand.u32 $0x7, s23  }
0x27: {  	s23 =	sadd.s32 s23, s22  }
0x28: {  	s24 =	sand.u32 $0xFF, s22;
	s25 =	sshrl.u32 s23, $0x3;
	s23 =	sand.u32 $0xF8, s23  }
0x29: {  	p1 =	slt.u32 s21, $0x2;
	p2 =	sne.s32 s24, s23;
	s31 =	sand.u32 $0x1, s25  }
0x2a: {  	p2 =	por !p1, !p2;
	p3 =	seq.s32 s31, $0x1  }
0x2b: {  	p2 =	por !p2, !p2;
	p4 =	por !p3, !p3  }
0x2c: {  	s23 =	simm.s32 $0x8;
	p1 =	seq.s32 s21, $0x0;
	p4 =	por @!p2 p3, p3  }
0x2d: {  	s22 =	sand.u32 $0x7, s22;
	s24 =	simm.s32 @!p1 $0x1;
	s23 =	simm.s32 @!p4 $0x0  }
0x2e: {  	_ =	swait.ge @!p1 [sflag:s24], $0x4000;
	s22 =	sor.u32 s22, s23  }
0x2f: {  	s25 =	simm.s32 @!p1 $0x2000;
	[sflag:s24] =	ssyncset.done @!p1 $0x0;
	s22 =	sshll.u32 @!p1 s22, $0x8  }
0x30: {  	[sflag:s24] =	ssyncadd.s32 @!p1 $0xFFFFC000;
	s24 =	simm.s32 @!p1 $0x80;
	s23 =	sor.u32 @!p1 $0x1000, s22  }
0x31: {  	[spmem:s1] =	stream.indirect.scatter.add.f32 @!p1 [tilespmem:s25], [sflag:$0x5], $0x80, s23, s24, $0xb8;
	[tilespmem:$0x1E000] =	vst v63  }
0x32: {  	s23 =	simm.s32 @!p1 $0x5  }
0x33: {  	_ =	swait.ge @!p1 [sflag:s23], $0x4000  }
0x34: {  	s26 =	simm.s32 @p0 $0x80;
	s25 =	sand.u32 $0xF, s21;
	[sflag:s23] =	ssyncset.done @!p1 $0x0  }
0x35: {  	s28 =	simm.s32 @p0 $0x2000;
	s25 =	sshll.u32 @p0 s25, $0x8;
	[sflag:s23] =	ssyncadd.s32 @!p1 $0xFFFFC000  }
0x36: {  	[tilespmem:s28], [sflag:$0x1] =	stream.indirect.gather @p0 [hbm4b:s5+s26], $0x80, s25, s26, $0xb8;
	[tilespmem:$0x1E000] =	vst v63  }
0x37: {  	s28 =	simm.s32 @!p1 $0x2  }
0x38: {  	_ =	swait.ge @!p1 [sflag:s28], $0x4000  }
0x39: {  	[sflag:s28] =	ssyncset.done @!p1 $0x0  }
0x3a: {  	s22 =	sor.u32 @!p1 $0x1080, s22;
	[sflag:s28] =	ssyncadd.s32 @!p1 $0xFFFFC000;
	s28 =	simm.s32 @!p1 $0x6000  }
0x3b: {  	[spmem:s1] =	stream.indirect.scatter.add.f32 @!p1 [tilespmem:s28], [sflag:$0x5], $0x80, s22, s24, $0xb8;
	[tilespmem:$0x1E000] =	vst v63  }
0x3c: {  	_ =	swait.ge @!p1 [sflag:s23], $0x4000  }
0x3d: {  	s21 =	sadd.s32 $0x1, s21;
	[sflag:s23] =	ssyncset.done @!p1 $0x0  }
0x3e: {  	s22 =	sor.u32 @p0 $0x80, s25;
	[sflag:s23] =	ssyncadd.s32 @!p1 $0xFFFFC000;
	s23 =	simm.s32 @p0 $0x6000  }
0x3f: {  	[tilespmem:s23], [sflag:$0x2] =	stream.indirect.gather @p0 [hbm4b:s5+s26], $0x80, s22, s26, $0xb8;
	[tilespmem:$0x1E000] =	vst v63  }
0x40: {  	p0 =	sne.s32 s21, $0x29  }
.Ltmp3:
0x41: {  	_ = 	snop;
	(pc) =	sbr.rel @!p0 .LBB2_12-.Ltmp3, $1  }
0x42: {  	_ =	sdelay $0x3  }
.LBB2_2:
0x43: {  	p0 =	sne.s32 s21, $0x0  }
.Ltmp4:
0x44: {  	_ = 	snop;
	(pc) =	sbr.rel @!p0 .LBB2_3-.Ltmp4, $1  }
0x45: {  	_ =	sdelay $0x3  }
0x46: {  	s22 =	sand.u32 $0x7, s21;
	p0 =	sgt.u32 s21, $0x20  }
0x47: {  	p1 =	sne.s32 @!p0 s22, $0x1  }
0x48: {  	p0 =	por p0, p1  }
.Ltmp5:
0x49: {  	_ = 	snop;
	(pc) =	sbr.rel @p0 .LBB2_6-.Ltmp5, $1  }
0x4a: {  	_ =	sdelay $0x3  }
0x4b: {  	s22 =	sshrl.u32 s21, $0x3  }
0x4c: {  	s22 =	sadd.s32 $0x1, s22  }
0x4d: {  	s23 =	sshll.u32 s22, $0x4  }
0x4e: {  	s22 =	sshll.u32 s22, $0xB;
	s24 =	sadd.s32 s7, s23  }
.Ltmp6:
0x4f: {  	s23 =	sadd.s32 s23, s8;
	s24 =	sshll.u32 s24, $0x4;
	(pc) =	sbr.rel .LBB2_10-.Ltmp6, $4  }
0x50: {  	s22 =	sand.u32 $0x800, s22;
	s23 =	sshll.u32 s23, $0x4;
	s24 =	sadd.s32 s4, s24  }
0x51: {  	[tilespmem:s22], [sflag:$0x3] =	stream.linear.gather [hbm4b:s24+s3], $0x800, $0x38;
	[tilespmem:$0x1E000] =	vst v63  }
0x52: {  	p0 =	por $0x1, $0x1;
	s23 =	sadd.s32 s4, s23;
	s22 =	sor.u32 $0x1000, s22  }
0x53: {  	[tilespmem:s22], [sflag:$0x4] =	stream.linear.gather [hbm4b:s23+s3], $0x800, $0x38;
	[tilespmem:$0x1E000] =	vst v63  }
.LBB2_6:
0x54: {  	p1 =	sne.s32 s22, $0x0  }
.Ltmp7:
0x55: {  	_ = 	snop;
	(pc) =	sbr.rel @p1 .LBB2_10-.Ltmp7, $2  }
0x56: {  	_ =	sdelay $0x2  }
0x57: {  	p0 =	sne.s32 s21, $0x28  }
0x58: {  	p1 =	seq.s32 s21, $0x0  }
0x59: {  	p2 =	seq.s32 @!p1 s21, $0x28  }
0x5a: {  	p2 =	por p1, p2  }
.Ltmp8:
0x5b: {  	_ = 	snop;
	(pc) =	sbr.rel @!p2 .LBB2_9-.Ltmp8, $1  }
0x5c: {  	_ =	sdelay $0x3  }
.Ltmp9:
0x5d: {  	(pc) =	sbr.rel .LBB2_11-.Ltmp9, $2  }
0x5e: {  	_ =	sdelay $0x2  }
0x5f: {  	p0 =	por @!p1 p0, p0  }
.LBB2_9:
0x60: {  	_ =	swait.ge [sflag:s18], $0x800  }
0x61: {  	[sflag:s18] =	ssyncset.done $0x0  }
0x62: {  	[sflag:s18] =	ssyncadd.s32 $0xFFFFF800  }
0x63: {  	_ =	swait.ge [sflag:s19], $0x800  }
0x64: {  	[sflag:s19] =	ssyncset.done $0x0  }
0x65: {  	[sflag:s19] =	ssyncadd.s32 $0xFFFFF800  }
.LBB2_10:
0x66: {  	p1 =	sne.s32 s21, $0x1  }
0x67: {  	s22 =	sshll.u32 @!p1 s2, $0x6  }
0x68: {  	s23 =	sshrl.u32 @!p1 s9, $0x3;
	s22 =	sor.u32 @!p1 $0x1C05, s22  }
0x69: {  	[spmem:s23], [sflag:s22] =	dma.local @!p1 [hbm:s6], $0x2800  }
0x6a: {  	s22 =	simm.s32 @!p1 $0x5  }
.Ltmp10:
0x6b: {  	_ =	swait.ge @!p1 [sflag:s22], $0x2800;
	(pc) =	sbr.rel .LBB2_11-.Ltmp10, $3  }
0x6c: {  	[sflag:s22] =	ssyncset.done @!p1 $0x0  }
0x6d: {  	[sflag:s22] =	ssyncadd.s32 @!p1 $0xFFFFD800  }
0x6e: {  	[bflag:$0x0] =	sbarrier.arrive @!p1 $0xFFFF;
	_ =	sdelay $0x1  }
.LBB2_13:
0x6f: {  	_ =	sfence.sel $0x180000  }
0x70: {  	[bflag:$0x0] =	sbarrier.arrive $0xFFFF  }
0x71: {  	p0 =	sne.s32 s2, $0x0;
	_ =	strace $0x9000004D  }
0x72: {  	s0 =	sadd.s32 @!p0 $0x100000, s0;
	[bflag:$0x2] =	sbarrier.arrive $0xFFFF  }
0x73: {  	[sflag:s0] =	ssyncadd.tile.s32 @!p0 $0x1;
	_ =	shalt  }
.Lfunc_end2:
_tile_overlayer_lowered:
.L_overlay_start_2:
0x74: {  	(tag) =	ssettag $0x2  }
0x75: {  	s0 =	rddreg [dreg:$0x0];
	s2 =	stileid.u32  }
0x76: {  	s1 =	rddreg [dreg:$0x1];
	p0 =	sne.s32 s2, $0x0  }
0x77: {  	s3 =	rddreg [dreg:$0x2];
	[bflag:$0x3] =	sbarrier.arrive $0xFFFF;
	s2 =	simm.s32 @!p0 $0x1C05  }
0x78: {  	[timem:s3], [sflag:s2] =	dma.local @!p0 [hbm:s0], s1  }
0x79: {  	s0 =	simm.s32 @!p0 $0x5  }
0x7a: {  	_ =	swait.ge @!p0 [sflag:s0], s1  }
0x7b: {  	s1 =	ssub.s32 @!p0 $0x0, s1;
	[sflag:s0] =	ssyncset.done @!p0 $0x0  }
0x7c: {  	[sflag:s0] =	ssyncadd.s32 @!p0 s1  }
0x7d: {  	[bflag:$0x3] =	sbarrier.arrive $0xFFFF  }
0x7e: {  	_ =	shalt  }

</sc_bundles>
